<compile_context>
chip_gen: v7x
topology: tpu7x:2x2x1
jax: 0.10.2.dev20260603
libtpu: 0.0.44.dev20260713+nightly
codegen_flags: <defaults>
</compile_context>

<pallas_src>
import functools

import jax
import jax.numpy as jnp
from jax import lax
from jax.experimental import pallas as pl
from jax.experimental.pallas import tpu as pltpu
from jax.experimental.pallas import tpu_sc as plsc

NUM_EMBEDDINGS = 1000000
EMBEDDING_DIM = 64
BATCH = 16384

NUM_CORES = 2
NUM_SUBCORES = 16
NW = NUM_CORES * NUM_SUBCORES
LANES = 16
W = 256
NFULL = 999936 // W
LAST_W = NUM_EMBEDDINGS - NFULL * W
T_MAX = NFULL // NW + 1
CAP = 32
CAP_ALL = 640
NCHUNK = CAP_ALL // 128
OUT_ROWS = BATCH + 128
OUT_W = 2 * EMBEDDING_DIM
IDX_CHUNK = 2048


def _build():
    mesh = plsc.VectorSubcoreMesh(core_axis_name="c", subcore_axis_name="s")

    @functools.partial(
        pl.kernel,
        mesh=mesh,
        out_type=jax.ShapeDtypeStruct((OUT_ROWS, OUT_W), jnp.float32),
        scratch_types=[
            pltpu.VMEM((IDX_CHUNK,), jnp.int32),
            pltpu.VMEM((T_MAX * CAP,), jnp.int32),
            pltpu.VMEM((((T_MAX + LANES - 1) // LANES) * LANES,),
                       jnp.int32),
            pltpu.VMEM((2, EMBEDDING_DIM, W), jnp.float32),
            pltpu.VMEM((EMBEDDING_DIM, LAST_W), jnp.float32),
            pltpu.VMEM((CAP_ALL, OUT_W), jnp.float32),
            pltpu.VMEM((NCHUNK, 128), jnp.int32),
            pltpu.SemaphoreType.DMA,
        ],
        compiler_params=pltpu.CompilerParams(use_tc_tiling_on_sc=True,
                                             needs_layout_passes=False),
    )
    def scan_kernel(idx_hbm, tableT_hbm, tail_hbm, out_hbm,
                    idxb, bpack, bcnt, slab, tailv, hv, spv, sem):
        wid = lax.axis_index("s") * NUM_CORES + lax.axis_index("c")
        lane = lax.iota(jnp.int32, LANES)
        lane0 = lane == 0

        def splat(x):
            return jnp.broadcast_to(x, (LANES,))

        def extract(vec, sel_mask):
            return splat(jnp.max(jnp.where(sel_mask, vec, -1)))

        for i in range((T_MAX + LANES - 1) // LANES):
            bcnt[pl.ds(i * LANES, LANES)] = jnp.zeros((LANES,), jnp.int32)
        for c in range(NCHUNK):
            for i in range(128 // LANES):
                spv[c, pl.ds(i * LANES, LANES)] = BATCH + i * LANES + lane

        def pf_body(q, carry):
            v = plsc.load_gather(
                idxb, [(q & (IDX_CHUNK // LANES - 1)) * LANES + lane])
            gstep = v >> 8
            off = v & (W - 1)
            mine = (gstep & (NW - 1)) == wid
            tloc = gstep >> 5
            pos = q * LANES + lane
            packed = (pos << 8) | off
            n = jnp.sum(jnp.where(mine, 1, 0))

            def hit_body(j, m):
                f = plsc.all_reduce_ffs(m)
                isf = lane == f
                ts = extract(tloc, isf)
                pk = extract(packed, isf)
                cnt = plsc.load_gather(bcnt, [ts])
                slot = ts * CAP + cnt
                plsc.store_scatter(bpack, [slot], pk, mask=lane0)
                plsc.store_scatter(bcnt, [ts], cnt + 1, mask=lane0)
                return jnp.logical_and(m, jnp.logical_not(isf))

            lax.fori_loop(0, n, hit_body, mine)
            return carry

        for r in range(BATCH // IDX_CHUNK):
            pltpu.sync_copy(idx_hbm.at[pl.ds(r * IDX_CHUNK, IDX_CHUNK)], idxb)
            lax.fori_loop(r * (IDX_CHUNK // LANES),
                          (r + 1) * (IDX_CHUNK // LANES), pf_body, 0)

        T = jnp.where(wid < NFULL - (T_MAX - 1) * NW, T_MAX, T_MAX - 1)

        def process_window(t, hcnt, src, pfx):
            cntv = plsc.load_gather(bcnt, [splat(t)])
            n_t = jnp.max(cntv)

            def hb(j, hc):
                pk = plsc.load_gather(bpack, [splat(t * CAP + j)])
                off = pk & (W - 1)
                pos = pk >> 8
                slot = hc + splat(j)
                for cq in range(EMBEDDING_DIM // LANES):
                    dv = cq * LANES + lane
                    val = plsc.load_gather(src, pfx + [dv, off])
                    plsc.store_scatter(hv, [slot, dv], val)
                plsc.store_scatter(spv, [slot >> 7, slot & 127], pos,
                                   mask=lane0)
                return hc

            lax.fori_loop(0, n_t, hb, hcnt)
            return hcnt + splat(n_t)

        def step_body(t, hcnt):
            par = t & 1

            @pl.when(jnp.logical_and(t + 1 < T, par == 0))
            def _():
                c2 = (wid + (t + 1) * NW) * W
                pltpu.async_copy(tableT_hbm.at[:, pl.ds(c2, W)],
                                 slab.at[1], sem)

            @pl.when(jnp.logical_and(t + 1 < T, par == 1))
            def _():
                c2 = (wid + (t + 1) * NW) * W
                pltpu.async_copy(tableT_hbm.at[:, pl.ds(c2, W)],
                                 slab.at[0], sem)

            pltpu.make_async_copy(tableT_hbm.at[:, pl.ds(0, W)],
                                  slab.at[0], sem).wait()
            return process_window(t, hcnt, slab, [splat(par)])

        pltpu.async_copy(tableT_hbm.at[:, pl.ds(wid * W, W)], slab.at[0], sem)
        hcnt = lax.fori_loop(0, T, step_body, splat(0))

        @pl.when(wid == NFULL % NW)
        def _():
            pltpu.sync_copy(tail_hbm, tailv)
            process_window(NFULL // NW, hcnt, tailv, [])

        copies = [
            pltpu.async_copy(hv.at[pl.ds(c * 128, 128)],
                             out_hbm.at[spv.at[c]], sem)
            for c in range(NCHUNK)
        ]
        for cp in copies:
            cp.wait()

    return scan_kernel


_sc_scan = _build()


def kernel(input_, weight):
    table_t = weight.T
    tail = table_t[:, NFULL * W:]
    out = _sc_scan(input_.astype(jnp.int32), table_t, tail)
    return out[:BATCH, :EMBEDDING_DIM]

# --- scband reference (transcript-rebuilt; emitter-appended) ---
"""Pipeline reference for scband-vocab-parallel-embedding-37194416784065 (READ-ONLY COPY).

The authoritative reference and input builder live on the scoring server;
editing this copy changes nothing except your own understanding.
"""

import jax, jax.numpy as jnp
import numpy as np

NUM_EMBEDDINGS = 1000000
EMBEDDING_DIM = 64
BATCH = 16384

def setup_inputs(seed: int = 0) -> dict:
    key = jax.random.key(seed)
    k1, k2 = jax.random.split(key)
    input_ = jax.random.randint(k1, (BATCH,), 0, NUM_EMBEDDINGS, dtype=jnp.int64 if jax.config.jax_enable_x64 else jnp.int32)
    # xavier_normal_ on [num_embeddings, embedding_dim]: std = sqrt(2/(fan_in+fan_out))
    std = (2.0 / (NUM_EMBEDDINGS + EMBEDDING_DIM)) ** 0.5
    weight = jax.random.normal(k2, (NUM_EMBEDDINGS, EMBEDDING_DIM), dtype=jnp.float32) * std
    return {"input_": input_, "weight": weight}

def reference(input_, weight):
    # model_parallel_size == 1 reference: plain embedding lookup
    # F.embedding(masked_input, weight) with padding_idx=None, max_norm=None
    output = jnp.take(weight, input_, axis=0)
    return output

if __name__ == "__main__":
    import jax
    _d = setup_inputs()
    print(jax.jit(kernel)(*tuple(_d.values())))

</pallas_src>

<mosaic_0001>
#map = affine_map<(d0, d1) -> (0)>
#map1 = affine_map<(d0, d1) -> (0, 0)>
module attributes {stable_mosaic.version = 14 : i64} {
  func.func @scan_kernel(%arg0: i32, %arg1: i32, %arg2: memref<16384xi32, #tpu.memory_space<hbm>>, %arg3: memref<64x1000000xf32, #tpu.memory_space<hbm>>, %arg4: memref<64x64xf32, #tpu.memory_space<hbm>>, %arg5: memref<16512x128xf32, #tpu.memory_space<hbm>>, %arg6: memref<2048xi32, #tpu.memory_space<vmem>>, %arg7: memref<3936xi32, #tpu.memory_space<vmem>>, %arg8: memref<128xi32, #tpu.memory_space<vmem>>, %arg9: memref<2x64x256xf32, #tpu.memory_space<vmem>>, %arg10: memref<64x64xf32, #tpu.memory_space<vmem>>, %arg11: memref<640x128xf32, #tpu.memory_space<vmem>>, %arg12: memref<5x128xi32, #tpu.memory_space<vmem>>, %arg13: memref<!tpu.dma_semaphore, #tpu.memory_space<semaphore_mem>>) attributes {dimension_semantics = [#tpu.dimension_semantics<core_parallel>, #tpu.dimension_semantics<subcore_parallel>], iteration_bounds = array<i64: 2, 16>, scalar_prefetch = 0 : i64, scratch_operands = 8 : i64, tpu.core_type = #tpu.core_type<sc_vector_subcore>, window_params = [{transform_indices = #map}, {transform_indices = #map1}, {transform_indices = #map1}, {transform_indices = #map1}]} {
    %mul3A = arith.constant 2 : i32
    %mul3A_0 = arith.muli %arg1, %mul3A : i32
    %add3A = arith.addi %mul3A_0, %arg0 : i32
    %iota3A = tpu.iota {dimensions = array<i32: 0>} : vector<16xi32>
    %eq3A = arith.constant 0 : i32
    %eq3A_1 = vector.broadcast %eq3A : i32 to vector<16xi32>
    %eq3A_2 = arith.cmpi eq, %iota3A, %eq3A_1 : vector<16xi32>
    %broadcast_in_dim3A = arith.constant 0 : i32
    %broadcast_in_dim3A_3 = vector.broadcast %broadcast_in_dim3A : i32 to vector<16xi32>
    %swap3A = arith.constant 0 : index
    %swap3A_4 = tpu.vector_load %arg8[%swap3A] {strides = array<i32>} : memref<128xi32, #tpu.memory_space<vmem>>, vector<16xi32>,
    tpu.vector_store %arg8[%swap3A], %broadcast_in_dim3A_3 {strides = array<i32>} : memref<128xi32, #tpu.memory_space<vmem>>, vector<16xi32>,
    %broadcast_in_dim3A_5 = arith.constant 0 : i32
    %broadcast_in_dim3A_6 = vector.broadcast %broadcast_in_dim3A_5 : i32 to vector<16xi32>
    %swap3A_7 = arith.constant 16 : index
    %swap3A_8 = tpu.vector_load %arg8[%swap3A_7] {strides = array<i32>} : memref<128xi32, #tpu.memory_space<vmem>>, vector<16xi32>,
    tpu.vector_store %arg8[%swap3A_7], %broadcast_in_dim3A_6 {strides = array<i32>} : memref<128xi32, #tpu.memory_space<vmem>>, vector<16xi32>,
    %broadcast_in_dim3A_9 = arith.constant 0 : i32
    %broadcast_in_dim3A_10 = vector.broadcast %broadcast_in_dim3A_9 : i32 to vector<16xi32>
    %swap3A_11 = arith.constant 32 : index
    %swap3A_12 = tpu.vector_load %arg8[%swap3A_11] {strides = array<i32>} : memref<128xi32, #tpu.memory_space<vmem>>, vector<16xi32>,
    tpu.vector_store %arg8[%swap3A_11], %broadcast_in_dim3A_10 {strides = array<i32>} : memref<128xi32, #tpu.memory_space<vmem>>, vector<16xi32>,
    %broadcast_in_dim3A_13 = arith.constant 0 : i32
    %broadcast_in_dim3A_14 = vector.broadcast %broadcast_in_dim3A_13 : i32 to vector<16xi32>
    %swap3A_15 = arith.constant 48 : index
    %swap3A_16 = tpu.vector_load %arg8[%swap3A_15] {strides = array<i32>} : memref<128xi32, #tpu.memory_space<vmem>>, vector<16xi32>,
    tpu.vector_store %arg8[%swap3A_15], %broadcast_in_dim3A_14 {strides = array<i32>} : memref<128xi32, #tpu.memory_space<vmem>>, vector<16xi32>,
    %broadcast_in_dim3A_17 = arith.constant 0 : i32
    %broadcast_in_dim3A_18 = vector.broadcast %broadcast_in_dim3A_17 : i32 to vector<16xi32>
    %swap3A_19 = arith.constant 64 : index
    %swap3A_20 = tpu.vector_load %arg8[%swap3A_19] {strides = array<i32>} : memref<128xi32, #tpu.memory_space<vmem>>, vector<16xi32>,
    tpu.vector_store %arg8[%swap3A_19], %broadcast_in_dim3A_18 {strides = array<i32>} : memref<128xi32, #tpu.memory_space<vmem>>, vector<16xi32>,
    %broadcast_in_dim3A_21 = arith.constant 0 : i32
    %broadcast_in_dim3A_22 = vector.broadcast %broadcast_in_dim3A_21 : i32 to vector<16xi32>
    %swap3A_23 = arith.constant 80 : index
    %swap3A_24 = tpu.vector_load %arg8[%swap3A_23] {strides = array<i32>} : memref<128xi32, #tpu.memory_space<vmem>>, vector<16xi32>,
    tpu.vector_store %arg8[%swap3A_23], %broadcast_in_dim3A_22 {strides = array<i32>} : memref<128xi32, #tpu.memory_space<vmem>>, vector<16xi32>,
    %broadcast_in_dim3A_25 = arith.constant 0 : i32
    %broadcast_in_dim3A_26 = vector.broadcast %broadcast_in_dim3A_25 : i32 to vector<16xi32>
    %swap3A_27 = arith.constant 96 : index
    %swap3A_28 = tpu.vector_load %arg8[%swap3A_27] {strides = array<i32>} : memref<128xi32, #tpu.memory_space<vmem>>, vector<16xi32>,
    tpu.vector_store %arg8[%swap3A_27], %broadcast_in_dim3A_26 {strides = array<i32>} : memref<128xi32, #tpu.memory_space<vmem>>, vector<16xi32>,
    %broadcast_in_dim3A_29 = arith.constant 0 : i32
    %broadcast_in_dim3A_30 = vector.broadcast %broadcast_in_dim3A_29 : i32 to vector<16xi32>
    %swap3A_31 = arith.constant 112 : index
    %swap3A_32 = tpu.vector_load %arg8[%swap3A_31] {strides = array<i32>} : memref<128xi32, #tpu.memory_space<vmem>>, vector<16xi32>,
    tpu.vector_store %arg8[%swap3A_31], %broadcast_in_dim3A_30 {strides = array<i32>} : memref<128xi32, #tpu.memory_space<vmem>>, vector<16xi32>,
    %add3A_33 = arith.constant 16384 : i32
    %add3A_34 = vector.broadcast %add3A_33 : i32 to vector<16xi32>
    %add3A_35 = arith.addi %add3A_34, %iota3A : vector<16xi32>
    %swap3A_36 = arith.constant 0 : i32
    %swap3A_37 = arith.index_cast %swap3A_36 : i32 to index
    %swap3A_38 = arith.constant 0 : index
    %swap3A_39 = tpu.vector_load %arg12[%swap3A_37, %swap3A_38] {strides = array<i32>} : memref<5x128xi32, #tpu.memory_space<vmem>>, vector<16xi32>,
    tpu.vector_store %arg12[%swap3A_37, %swap3A_38], %add3A_35 {strides = array<i32>} : memref<5x128xi32, #tpu.memory_space<vmem>>, vector<16xi32>,
    %add3A_40 = arith.constant 16400 : i32
    %add3A_41 = vector.broadcast %add3A_40 : i32 to vector<16xi32>
    %add3A_42 = arith.addi %add3A_41, %iota3A : vector<16xi32>
    %swap3A_43 = arith.constant 0 : i32
    %swap3A_44 = arith.index_cast %swap3A_43 : i32 to index
    %swap3A_45 = arith.constant 16 : index
    %swap3A_46 = tpu.vector_load %arg12[%swap3A_44, %swap3A_45] {strides = array<i32>} : memref<5x128xi32, #tpu.memory_space<vmem>>, vector<16xi32>,
    tpu.vector_store %arg12[%swap3A_44, %swap3A_45], %add3A_42 {strides = array<i32>} : memref<5x128xi32, #tpu.memory_space<vmem>>, vector<16xi32>,
    %add3A_47 = arith.constant 16416 : i32
    %add3A_48 = vector.broadcast %add3A_47 : i32 to vector<16xi32>
    %add3A_49 = arith.addi %add3A_48, %iota3A : vector<16xi32>
    %swap3A_50 = arith.constant 0 : i32
    %swap3A_51 = arith.index_cast %swap3A_50 : i32 to index
    %swap3A_52 = arith.constant 32 : index
    %swap3A_53 = tpu.vector_load %arg12[%swap3A_51, %swap3A_52] {strides = array<i32>} : memref<5x128xi32, #tpu.memory_space<vmem>>, vector<16xi32>,
    tpu.vector_store %arg12[%swap3A_51, %swap3A_52], %add3A_49 {strides = array<i32>} : memref<5x128xi32, #tpu.memory_space<vmem>>, vector<16xi32>,
    %add3A_54 = arith.constant 16432 : i32
    %add3A_55 = vector.broadcast %add3A_54 : i32 to vector<16xi32>
    %add3A_56 = arith.addi %add3A_55, %iota3A : vector<16xi32>
    %swap3A_57 = arith.constant 0 : i32
    %swap3A_58 = arith.index_cast %swap3A_57 : i32 to index
    %swap3A_59 = arith.constant 48 : index
    %swap3A_60 = tpu.vector_load %arg12[%swap3A_58, %swap3A_59] {strides = array<i32>} : memref<5x128xi32, #tpu.memory_space<vmem>>, vector<16xi32>,
    tpu.vector_store %arg12[%swap3A_58, %swap3A_59], %add3A_56 {strides = array<i32>} : memref<5x128xi32, #tpu.memory_space<vmem>>, vector<16xi32>,
    %add3A_61 = arith.constant 16448 : i32
    %add3A_62 = vector.broadcast %add3A_61 : i32 to vector<16xi32>
    %add3A_63 = arith.addi %add3A_62, %iota3A : vector<16xi32>
    %swap3A_64 = arith.constant 0 : i32
    %swap3A_65 = arith.index_cast %swap3A_64 : i32 to index
    %swap3A_66 = arith.constant 64 : index
    %swap3A_67 = tpu.vector_load %arg12[%swap3A_65, %swap3A_66] {strides = array<i32>} : memref<5x128xi32, #tpu.memory_space<vmem>>, vector<16xi32>,
    tpu.vector_store %arg12[%swap3A_65, %swap3A_66], %add3A_63 {strides = array<i32>} : memref<5x128xi32, #tpu.memory_space<vmem>>, vector<16xi32>,
    %add3A_68 = arith.constant 16464 : i32
    %add3A_69 = vector.broadcast %add3A_68 : i32 to vector<16xi32>
    %add3A_70 = arith.addi %add3A_69, %iota3A : vector<16xi32>
    %swap3A_71 = arith.constant 0 : i32
    %swap3A_72 = arith.index_cast %swap3A_71 : i32 to index
    %swap3A_73 = arith.constant 80 : index
    %swap3A_74 = tpu.vector_load %arg12[%swap3A_72, %swap3A_73] {strides = array<i32>} : memref<5x128xi32, #tpu.memory_space<vmem>>, vector<16xi32>,
    tpu.vector_store %arg12[%swap3A_72, %swap3A_73], %add3A_70 {strides = array<i32>} : memref<5x128xi32, #tpu.memory_space<vmem>>, vector<16xi32>,
    %add3A_75 = arith.constant 16480 : i32
    %add3A_76 = vector.broadcast %add3A_75 : i32 to vector<16xi32>
    %add3A_77 = arith.addi %add3A_76, %iota3A : vector<16xi32>
    %swap3A_78 = arith.constant 0 : i32
    %swap3A_79 = arith.index_cast %swap3A_78 : i32 to index
    %swap3A_80 = arith.constant 96 : index
    %swap3A_81 = tpu.vector_load %arg12[%swap3A_79, %swap3A_80] {strides = array<i32>} : memref<5x128xi32, #tpu.memory_space<vmem>>, vector<16xi32>,
    tpu.vector_store %arg12[%swap3A_79, %swap3A_80], %add3A_77 {strides = array<i32>} : memref<5x128xi32, #tpu.memory_space<vmem>>, vector<16xi32>,
    %add3A_82 = arith.constant 16496 : i32
    %add3A_83 = vector.broadcast %add3A_82 : i32 to vector<16xi32>
    %add3A_84 = arith.addi %add3A_83, %iota3A : vector<16xi32>
    %swap3A_85 = arith.constant 0 : i32
    %swap3A_86 = arith.index_cast %swap3A_85 : i32 to index
    %swap3A_87 = arith.constant 112 : index
    %swap3A_88 = tpu.vector_load %arg12[%swap3A_86, %swap3A_87] {strides = array<i32>} : memref<5x128xi32, #tpu.memory_space<vmem>>, vector<16xi32>,
    tpu.vector_store %arg12[%swap3A_86, %swap3A_87], %add3A_84 {strides = array<i32>} : memref<5x128xi32, #tpu.memory_space<vmem>>, vector<16xi32>,
    %add3A_89 = arith.constant 16384 : i32
    %add3A_90 = vector.broadcast %add3A_89 : i32 to vector<16xi32>
    %add3A_91 = arith.addi %add3A_90, %iota3A : vector<16xi32>
    %swap3A_92 = arith.constant 1 : i32
    %swap3A_93 = arith.index_cast %swap3A_92 : i32 to index
    %swap3A_94 = arith.constant 0 : index
    %swap3A_95 = tpu.vector_load %arg12[%swap3A_93, %swap3A_94] {strides = array<i32>} : memref<5x128xi32, #tpu.memory_space<vmem>>, vector<16xi32>,
    tpu.vector_store %arg12[%swap3A_93, %swap3A_94], %add3A_91 {strides = array<i32>} : memref<5x128xi32, #tpu.memory_space<vmem>>, vector<16xi32>,
    %add3A_96 = arith.constant 16400 : i32
    %add3A_97 = vector.broadcast %add3A_96 : i32 to vector<16xi32>
    %add3A_98 = arith.addi %add3A_97, %iota3A : vector<16xi32>
    %swap3A_99 = arith.constant 1 : i32
    %swap3A_100 = arith.index_cast %swap3A_99 : i32 to index
    %swap3A_101 = arith.constant 16 : index
    %swap3A_102 = tpu.vector_load %arg12[%swap3A_100, %swap3A_101] {strides = array<i32>} : memref<5x128xi32, #tpu.memory_space<vmem>>, vector<16xi32>,
    tpu.vector_store %arg12[%swap3A_100, %swap3A_101], %add3A_98 {strides = array<i32>} : memref<5x128xi32, #tpu.memory_space<vmem>>, vector<16xi32>,
    %add3A_103 = arith.constant 16416 : i32
    %add3A_104 = vector.broadcast %add3A_103 : i32 to vector<16xi32>
    %add3A_105 = arith.addi %add3A_104, %iota3A : vector<16xi32>
    %swap3A_106 = arith.constant 1 : i32
    %swap3A_107 = arith.index_cast %swap3A_106 : i32 to index
    %swap3A_108 = arith.constant 32 : index
    %swap3A_109 = tpu.vector_load %arg12[%swap3A_107, %swap3A_108] {strides = array<i32>} : memref<5x128xi32, #tpu.memory_space<vmem>>, vector<16xi32>,
    tpu.vector_store %arg12[%swap3A_107, %swap3A_108], %add3A_105 {strides = array<i32>} : memref<5x128xi32, #tpu.memory_space<vmem>>, vector<16xi32>,
    %add3A_110 = arith.constant 16432 : i32
    %add3A_111 = vector.broadcast %add3A_110 : i32 to vector<16xi32>
    %add3A_112 = arith.addi %add3A_111, %iota3A : vector<16xi32>
    %swap3A_113 = arith.constant 1 : i32
    %swap3A_114 = arith.index_cast %swap3A_113 : i32 to index
    %swap3A_115 = arith.constant 48 : index
    %swap3A_116 = tpu.vector_load %arg12[%swap3A_114, %swap3A_115] {strides = array<i32>} : memref<5x128xi32, #tpu.memory_space<vmem>>, vector<16xi32>,
    tpu.vector_store %arg12[%swap3A_114, %swap3A_115], %add3A_112 {strides = array<i32>} : memref<5x128xi32, #tpu.memory_space<vmem>>, vector<16xi32>,
    %add3A_117 = arith.constant 16448 : i32
    %add3A_118 = vector.broadcast %add3A_117 : i32 to vector<16xi32>
    %add3A_119 = arith.addi %add3A_118, %iota3A : vector<16xi32>
    %swap3A_120 = arith.constant 1 : i32
    %swap3A_121 = arith.index_cast %swap3A_120 : i32 to index
    %swap3A_122 = arith.constant 64 : index
    %swap3A_123 = tpu.vector_load %arg12[%swap3A_121, %swap3A_122] {strides = array<i32>} : memref<5x128xi32, #tpu.memory_space<vmem>>, vector<16xi32>,
    tpu.vector_store %arg12[%swap3A_121, %swap3A_122], %add3A_119 {strides = array<i32>} : memref<5x128xi32, #tpu.memory_space<vmem>>, vector<16xi32>,
    %add3A_124 = arith.constant 16464 : i32
    %add3A_125 = vector.broadcast %add3A_124 : i32 to vector<16xi32>
    %add3A_126 = arith.addi %add3A_125, %iota3A : vector<16xi32>
    %swap3A_127 = arith.constant 1 : i32
    %swap3A_128 = arith.index_cast %swap3A_127 : i32 to index
    %swap3A_129 = arith.constant 80 : index
    %swap3A_130 = tpu.vector_load %arg12[%swap3A_128, %swap3A_129] {strides = array<i32>} : memref<5x128xi32, #tpu.memory_space<vmem>>, vector<16xi32>,
    tpu.vector_store %arg12[%swap3A_128, %swap3A_129], %add3A_126 {strides = array<i32>} : memref<5x128xi32, #tpu.memory_space<vmem>>, vector<16xi32>,
    %add3A_131 = arith.constant 16480 : i32
    %add3A_132 = vector.broadcast %add3A_131 : i32 to vector<16xi32>
    %add3A_133 = arith.addi %add3A_132, %iota3A : vector<16xi32>
    %swap3A_134 = arith.constant 1 : i32
    %swap3A_135 = arith.index_cast %swap3A_134 : i32 to index
    %swap3A_136 = arith.constant 96 : index
    %swap3A_137 = tpu.vector_load %arg12[%swap3A_135, %swap3A_136] {strides = array<i32>} : memref<5x128xi32, #tpu.memory_space<vmem>>, vector<16xi32>,
    tpu.vector_store %arg12[%swap3A_135, %swap3A_136], %add3A_133 {strides = array<i32>} : memref<5x128xi32, #tpu.memory_space<vmem>>, vector<16xi32>,
    %add3A_138 = arith.constant 16496 : i32
    %add3A_139 = vector.broadcast %add3A_138 : i32 to vector<16xi32>
    %add3A_140 = arith.addi %add3A_139, %iota3A : vector<16xi32>
    %swap3A_141 = arith.constant 1 : i32
    %swap3A_142 = arith.index_cast %swap3A_141 : i32 to index
    %swap3A_143 = arith.constant 112 : index
    %swap3A_144 = tpu.vector_load %arg12[%swap3A_142, %swap3A_143] {strides = array<i32>} : memref<5x128xi32, #tpu.memory_space<vmem>>, vector<16xi32>,
    tpu.vector_store %arg12[%swap3A_142, %swap3A_143], %add3A_140 {strides = array<i32>} : memref<5x128xi32, #tpu.memory_space<vmem>>, vector<16xi32>,
    %add3A_145 = arith.constant 16384 : i32
    %add3A_146 = vector.broadcast %add3A_145 : i32 to vector<16xi32>
    %add3A_147 = arith.addi %add3A_146, %iota3A : vector<16xi32>
    %swap3A_148 = arith.constant 2 : i32
    %swap3A_149 = arith.index_cast %swap3A_148 : i32 to index
    %swap3A_150 = arith.constant 0 : index
    %swap3A_151 = tpu.vector_load %arg12[%swap3A_149, %swap3A_150] {strides = array<i32>} : memref<5x128xi32, #tpu.memory_space<vmem>>, vector<16xi32>,
    tpu.vector_store %arg12[%swap3A_149, %swap3A_150], %add3A_147 {strides = array<i32>} : memref<5x128xi32, #tpu.memory_space<vmem>>, vector<16xi32>,
    %add3A_152 = arith.constant 16400 : i32
    %add3A_153 = vector.broadcast %add3A_152 : i32 to vector<16xi32>
    %add3A_154 = arith.addi %add3A_153, %iota3A : vector<16xi32>
    %swap3A_155 = arith.constant 2 : i32
    %swap3A_156 = arith.index_cast %swap3A_155 : i32 to index
    %swap3A_157 = arith.constant 16 : index
    %swap3A_158 = tpu.vector_load %arg12[%swap3A_156, %swap3A_157] {strides = array<i32>} : memref<5x128xi32, #tpu.memory_space<vmem>>, vector<16xi32>,
    tpu.vector_store %arg12[%swap3A_156, %swap3A_157], %add3A_154 {strides = array<i32>} : memref<5x128xi32, #tpu.memory_space<vmem>>, vector<16xi32>,
    %add3A_159 = arith.constant 16416 : i32
    %add3A_160 = vector.broadcast %add3A_159 : i32 to vector<16xi32>
    %add3A_161 = arith.addi %add3A_160, %iota3A : vector<16xi32>
    %swap3A_162 = arith.constant 2 : i32
    %swap3A_163 = arith.index_cast %swap3A_162 : i32 to index
    %swap3A_164 = arith.constant 32 : index
    %swap3A_165 = tpu.vector_load %arg12[%swap3A_163, %swap3A_164] {strides = array<i32>} : memref<5x128xi32, #tpu.memory_space<vmem>>, vector<16xi32>,
    tpu.vector_store %arg12[%swap3A_163, %swap3A_164], %add3A_161 {strides = array<i32>} : memref<5x128xi32, #tpu.memory_space<vmem>>, vector<16xi32>,
    %add3A_166 = arith.constant 16432 : i32
    %add3A_167 = vector.broadcast %add3A_166 : i32 to vector<16xi32>
    %add3A_168 = arith.addi %add3A_167, %iota3A : vector<16xi32>
    %swap3A_169 = arith.constant 2 : i32
    %swap3A_170 = arith.index_cast %swap3A_169 : i32 to index
    %swap3A_171 = arith.constant 48 : index
    %swap3A_172 = tpu.vector_load %arg12[%swap3A_170, %swap3A_171] {strides = array<i32>} : memref<5x128xi32, #tpu.memory_space<vmem>>, vector<16xi32>,
    tpu.vector_store %arg12[%swap3A_170, %swap3A_171], %add3A_168 {strides = array<i32>} : memref<5x128xi32, #tpu.memory_space<vmem>>, vector<16xi32>,
    %add3A_173 = arith.constant 16448 : i32
    %add3A_174 = vector.broadcast %add3A_173 : i32 to vector<16xi32>
    %add3A_175 = arith.addi %add3A_174, %iota3A : vector<16xi32>
    %swap3A_176 = arith.constant 2 : i32
    %swap3A_177 = arith.index_cast %swap3A_176 : i32 to index
    %swap3A_178 = arith.constant 64 : index
    %swap3A_179 = tpu.vector_load %arg12[%swap3A_177, %swap3A_178] {strides = array<i32>} : memref<5x128xi32, #tpu.memory_space<vmem>>, vector<16xi32>,
    tpu.vector_store %arg12[%swap3A_177, %swap3A_178], %add3A_175 {strides = array<i32>} : memref<5x128xi32, #tpu.memory_space<vmem>>, vector<16xi32>,
    %add3A_180 = arith.constant 16464 : i32
    %add3A_181 = vector.broadcast %add3A_180 : i32 to vector<16xi32>
    %add3A_182 = arith.addi %add3A_181, %iota3A : vector<16xi32>
    %swap3A_183 = arith.constant 2 : i32
    %swap3A_184 = arith.index_cast %swap3A_183 : i32 to index
    %swap3A_185 = arith.constant 80 : index
    %swap3A_186 = tpu.vector_load %arg12[%swap3A_184, %swap3A_185] {strides = array<i32>} : memref<5x128xi32, #tpu.memory_space<vmem>>, vector<16xi32>,
    tpu.vector_store %arg12[%swap3A_184, %swap3A_185], %add3A_182 {strides = array<i32>} : memref<5x128xi32, #tpu.memory_space<vmem>>, vector<16xi32>,
    %add3A_187 = arith.constant 16480 : i32
    %add3A_188 = vector.broadcast %add3A_187 : i32 to vector<16xi32>
    %add3A_189 = arith.addi %add3A_188, %iota3A : vector<16xi32>
    %swap3A_190 = arith.constant 2 : i32
    %swap3A_191 = arith.index_cast %swap3A_190 : i32 to index
    %swap3A_192 = arith.constant 96 : index
    %swap3A_193 = tpu.vector_load %arg12[%swap3A_191, %swap3A_192] {strides = array<i32>} : memref<5x128xi32, #tpu.memory_space<vmem>>, vector<16xi32>,
    tpu.vector_store %arg12[%swap3A_191, %swap3A_192], %add3A_189 {strides = array<i32>} : memref<5x128xi32, #tpu.memory_space<vmem>>, vector<16xi32>,
    %add3A_194 = arith.constant 16496 : i32
    %add3A_195 = vector.broadcast %add3A_194 : i32 to vector<16xi32>
    %add3A_196 = arith.addi %add3A_195, %iota3A : vector<16xi32>
    %swap3A_197 = arith.constant 2 : i32
    %swap3A_198 = arith.index_cast %swap3A_197 : i32 to index
    %swap3A_199 = arith.constant 112 : index
    %swap3A_200 = tpu.vector_load %arg12[%swap3A_198, %swap3A_199] {strides = array<i32>} : memref<5x128xi32, #tpu.memory_space<vmem>>, vector<16xi32>,
    tpu.vector_store %arg12[%swap3A_198, %swap3A_199], %add3A_196 {strides = array<i32>} : memref<5x128xi32, #tpu.memory_space<vmem>>, vector<16xi32>,
    %add3A_201 = arith.constant 16384 : i32
    %add3A_202 = vector.broadcast %add3A_201 : i32 to vector<16xi32>
    %add3A_203 = arith.addi %add3A_202, %iota3A : vector<16xi32>
    %swap3A_204 = arith.constant 3 : i32
    %swap3A_205 = arith.index_cast %swap3A_204 : i32 to index
    %swap3A_206 = arith.constant 0 : index
    %swap3A_207 = tpu.vector_load %arg12[%swap3A_205, %swap3A_206] {strides = array<i32>} : memref<5x128xi32, #tpu.memory_space<vmem>>, vector<16xi32>,
    tpu.vector_store %arg12[%swap3A_205, %swap3A_206], %add3A_203 {strides = array<i32>} : memref<5x128xi32, #tpu.memory_space<vmem>>, vector<16xi32>,
    %add3A_208 = arith.constant 16400 : i32
    %add3A_209 = vector.broadcast %add3A_208 : i32 to vector<16xi32>
    %add3A_210 = arith.addi %add3A_209, %iota3A : vector<16xi32>
    %swap3A_211 = arith.constant 3 : i32
    %swap3A_212 = arith.index_cast %swap3A_211 : i32 to index
    %swap3A_213 = arith.constant 16 : index
    %swap3A_214 = tpu.vector_load %arg12[%swap3A_212, %swap3A_213] {strides = array<i32>} : memref<5x128xi32, #tpu.memory_space<vmem>>, vector<16xi32>,
    tpu.vector_store %arg12[%swap3A_212, %swap3A_213], %add3A_210 {strides = array<i32>} : memref<5x128xi32, #tpu.memory_space<vmem>>, vector<16xi32>,
    %add3A_215 = arith.constant 16416 : i32
    %add3A_216 = vector.broadcast %add3A_215 : i32 to vector<16xi32>
    %add3A_217 = arith.addi %add3A_216, %iota3A : vector<16xi32>
    %swap3A_218 = arith.constant 3 : i32
    %swap3A_219 = arith.index_cast %swap3A_218 : i32 to index
    %swap3A_220 = arith.constant 32 : index
    %swap3A_221 = tpu.vector_load %arg12[%swap3A_219, %swap3A_220] {strides = array<i32>} : memref<5x128xi32, #tpu.memory_space<vmem>>, vector<16xi32>,
    tpu.vector_store %arg12[%swap3A_219, %swap3A_220], %add3A_217 {strides = array<i32>} : memref<5x128xi32, #tpu.memory_space<vmem>>, vector<16xi32>,
    %add3A_222 = arith.constant 16432 : i32
    %add3A_223 = vector.broadcast %add3A_222 : i32 to vector<16xi32>
    %add3A_224 = arith.addi %add3A_223, %iota3A : vector<16xi32>
    %swap3A_225 = arith.constant 3 : i32
    %swap3A_226 = arith.index_cast %swap3A_225 : i32 to index
    %swap3A_227 = arith.constant 48 : index
    %swap3A_228 = tpu.vector_load %arg12[%swap3A_226, %swap3A_227] {strides = array<i32>} : memref<5x128xi32, #tpu.memory_space<vmem>>, vector<16xi32>,
    tpu.vector_store %arg12[%swap3A_226, %swap3A_227], %add3A_224 {strides = array<i32>} : memref<5x128xi32, #tpu.memory_space<vmem>>, vector<16xi32>,
    %add3A_229 = arith.constant 16448 : i32
    %add3A_230 = vector.broadcast %add3A_229 : i32 to vector<16xi32>
    %add3A_231 = arith.addi %add3A_230, %iota3A : vector<16xi32>
    %swap3A_232 = arith.constant 3 : i32
    %swap3A_233 = arith.index_cast %swap3A_232 : i32 to index
    %swap3A_234 = arith.constant 64 : index
    %swap3A_235 = tpu.vector_load %arg12[%swap3A_233, %swap3A_234] {strides = array<i32>} : memref<5x128xi32, #tpu.memory_space<vmem>>, vector<16xi32>,
    tpu.vector_store %arg12[%swap3A_233, %swap3A_234], %add3A_231 {strides = array<i32>} : memref<5x128xi32, #tpu.memory_space<vmem>>, vector<16xi32>,
    %add3A_236 = arith.constant 16464 : i32
    %add3A_237 = vector.broadcast %add3A_236 : i32 to vector<16xi32>
    %add3A_238 = arith.addi %add3A_237, %iota3A : vector<16xi32>
    %swap3A_239 = arith.constant 3 : i32
    %swap3A_240 = arith.index_cast %swap3A_239 : i32 to index
    %swap3A_241 = arith.constant 80 : index
    %swap3A_242 = tpu.vector_load %arg12[%swap3A_240, %swap3A_241] {strides = array<i32>} : memref<5x128xi32, #tpu.memory_space<vmem>>, vector<16xi32>,
    tpu.vector_store %arg12[%swap3A_240, %swap3A_241], %add3A_238 {strides = array<i32>} : memref<5x128xi32, #tpu.memory_space<vmem>>, vector<16xi32>,
    %add3A_243 = arith.constant 16480 : i32
    %add3A_244 = vector.broadcast %add3A_243 : i32 to vector<16xi32>
    %add3A_245 = arith.addi %add3A_244, %iota3A : vector<16xi32>
    %swap3A_246 = arith.constant 3 : i32
    %swap3A_247 = arith.index_cast %swap3A_246 : i32 to index
    %swap3A_248 = arith.constant 96 : index
    %swap3A_249 = tpu.vector_load %arg12[%swap3A_247, %swap3A_248] {strides = array<i32>} : memref<5x128xi32, #tpu.memory_space<vmem>>, vector<16xi32>,
    tpu.vector_store %arg12[%swap3A_247, %swap3A_248], %add3A_245 {strides = array<i32>} : memref<5x128xi32, #tpu.memory_space<vmem>>, vector<16xi32>,
    %add3A_250 = arith.constant 16496 : i32
    %add3A_251 = vector.broadcast %add3A_250 : i32 to vector<16xi32>
    %add3A_252 = arith.addi %add3A_251, %iota3A : vector<16xi32>
    %swap3A_253 = arith.constant 3 : i32
    %swap3A_254 = arith.index_cast %swap3A_253 : i32 to index
    %swap3A_255 = arith.constant 112 : index
    %swap3A_256 = tpu.vector_load %arg12[%swap3A_254, %swap3A_255] {strides = array<i32>} : memref<5x128xi32, #tpu.memory_space<vmem>>, vector<16xi32>,
    tpu.vector_store %arg12[%swap3A_254, %swap3A_255], %add3A_252 {strides = array<i32>} : memref<5x128xi32, #tpu.memory_space<vmem>>, vector<16xi32>,
    %add3A_257 = arith.constant 16384 : i32
    %add3A_258 = vector.broadcast %add3A_257 : i32 to vector<16xi32>
    %add3A_259 = arith.addi %add3A_258, %iota3A : vector<16xi32>
    %swap3A_260 = arith.constant 4 : i32
    %swap3A_261 = arith.index_cast %swap3A_260 : i32 to index
    %swap3A_262 = arith.constant 0 : index
    %swap3A_263 = tpu.vector_load %arg12[%swap3A_261, %swap3A_262] {strides = array<i32>} : memref<5x128xi32, #tpu.memory_space<vmem>>, vector<16xi32>,
    tpu.vector_store %arg12[%swap3A_261, %swap3A_262], %add3A_259 {strides = array<i32>} : memref<5x128xi32, #tpu.memory_space<vmem>>, vector<16xi32>,
    %add3A_264 = arith.constant 16400 : i32
    %add3A_265 = vector.broadcast %add3A_264 : i32 to vector<16xi32>
    %add3A_266 = arith.addi %add3A_265, %iota3A : vector<16xi32>
    %swap3A_267 = arith.constant 4 : i32
    %swap3A_268 = arith.index_cast %swap3A_267 : i32 to index
    %swap3A_269 = arith.constant 16 : index
    %swap3A_270 = tpu.vector_load %arg12[%swap3A_268, %swap3A_269] {strides = array<i32>} : memref<5x128xi32, #tpu.memory_space<vmem>>, vector<16xi32>,
    tpu.vector_store %arg12[%swap3A_268, %swap3A_269], %add3A_266 {strides = array<i32>} : memref<5x128xi32, #tpu.memory_space<vmem>>, vector<16xi32>,
    %add3A_271 = arith.constant 16416 : i32
    %add3A_272 = vector.broadcast %add3A_271 : i32 to vector<16xi32>
    %add3A_273 = arith.addi %add3A_272, %iota3A : vector<16xi32>
    %swap3A_274 = arith.constant 4 : i32
    %swap3A_275 = arith.index_cast %swap3A_274 : i32 to index
    %swap3A_276 = arith.constant 32 : index
    %swap3A_277 = tpu.vector_load %arg12[%swap3A_275, %swap3A_276] {strides = array<i32>} : memref<5x128xi32, #tpu.memory_space<vmem>>, vector<16xi32>,
    tpu.vector_store %arg12[%swap3A_275, %swap3A_276], %add3A_273 {strides = array<i32>} : memref<5x128xi32, #tpu.memory_space<vmem>>, vector<16xi32>,
    %add3A_278 = arith.constant 16432 : i32
    %add3A_279 = vector.broadcast %add3A_278 : i32 to vector<16xi32>
    %add3A_280 = arith.addi %add3A_279, %iota3A : vector<16xi32>
    %swap3A_281 = arith.constant 4 : i32
    %swap3A_282 = arith.index_cast %swap3A_281 : i32 to index
    %swap3A_283 = arith.constant 48 : index
    %swap3A_284 = tpu.vector_load %arg12[%swap3A_282, %swap3A_283] {strides = array<i32>} : memref<5x128xi32, #tpu.memory_space<vmem>>, vector<16xi32>,
    tpu.vector_store %arg12[%swap3A_282, %swap3A_283], %add3A_280 {strides = array<i32>} : memref<5x128xi32, #tpu.memory_space<vmem>>, vector<16xi32>,
    %add3A_285 = arith.constant 16448 : i32
    %add3A_286 = vector.broadcast %add3A_285 : i32 to vector<16xi32>
    %add3A_287 = arith.addi %add3A_286, %iota3A : vector<16xi32>
    %swap3A_288 = arith.constant 4 : i32
    %swap3A_289 = arith.index_cast %swap3A_288 : i32 to index
    %swap3A_290 = arith.constant 64 : index
    %swap3A_291 = tpu.vector_load %arg12[%swap3A_289, %swap3A_290] {strides = array<i32>} : memref<5x128xi32, #tpu.memory_space<vmem>>, vector<16xi32>,
    tpu.vector_store %arg12[%swap3A_289, %swap3A_290], %add3A_287 {strides = array<i32>} : memref<5x128xi32, #tpu.memory_space<vmem>>, vector<16xi32>,
    %add3A_292 = arith.constant 16464 : i32
    %add3A_293 = vector.broadcast %add3A_292 : i32 to vector<16xi32>
    %add3A_294 = arith.addi %add3A_293, %iota3A : vector<16xi32>
    %swap3A_295 = arith.constant 4 : i32
    %swap3A_296 = arith.index_cast %swap3A_295 : i32 to index
    %swap3A_297 = arith.constant 80 : index
    %swap3A_298 = tpu.vector_load %arg12[%swap3A_296, %swap3A_297] {strides = array<i32>} : memref<5x128xi32, #tpu.memory_space<vmem>>, vector<16xi32>,
    tpu.vector_store %arg12[%swap3A_296, %swap3A_297], %add3A_294 {strides = array<i32>} : memref<5x128xi32, #tpu.memory_space<vmem>>, vector<16xi32>,
    %add3A_299 = arith.constant 16480 : i32
    %add3A_300 = vector.broadcast %add3A_299 : i32 to vector<16xi32>
    %add3A_301 = arith.addi %add3A_300, %iota3A : vector<16xi32>
    %swap3A_302 = arith.constant 4 : i32
    %swap3A_303 = arith.index_cast %swap3A_302 : i32 to index
    %swap3A_304 = arith.constant 96 : index
    %swap3A_305 = tpu.vector_load %arg12[%swap3A_303, %swap3A_304] {strides = array<i32>} : memref<5x128xi32, #tpu.memory_space<vmem>>, vector<16xi32>,
    tpu.vector_store %arg12[%swap3A_303, %swap3A_304], %add3A_301 {strides = array<i32>} : memref<5x128xi32, #tpu.memory_space<vmem>>, vector<16xi32>,
    %add3A_306 = arith.constant 16496 : i32
    %add3A_307 = vector.broadcast %add3A_306 : i32 to vector<16xi32>
    %add3A_308 = arith.addi %add3A_307, %iota3A : vector<16xi32>
    %swap3A_309 = arith.constant 4 : i32
    %swap3A_310 = arith.index_cast %swap3A_309 : i32 to index
    %swap3A_311 = arith.constant 112 : index
    %swap3A_312 = tpu.vector_load %arg12[%swap3A_310, %swap3A_311] {strides = array<i32>} : memref<5x128xi32, #tpu.memory_space<vmem>>, vector<16xi32>,
    tpu.vector_store %arg12[%swap3A_310, %swap3A_311], %add3A_308 {strides = array<i32>} : memref<5x128xi32, #tpu.memory_space<vmem>>, vector<16xi32>,
    "tpu.region"() ({
      %run_scoped3A = tpu.sem_alloc : memref<!tpu.dma_semaphore, #tpu.memory_space<semaphore_mem>>
      %dma_start3A_490 = arith.constant 0 : i32
      %dma_start3A_491 = tpu.memref_slice %arg2[%dma_start3A_490] : memref<16384xi32, #tpu.memory_space<hbm>> -> memref<2048xi32, #tpu.memory_space<hbm>>
      %dma_start3A_492 = arith.constant 0 : i32
      %dma_start3A_493 = tpu.memref_slice %arg2[%dma_start3A_492] : memref<16384xi32, #tpu.memory_space<hbm>> -> memref<2048xi32, #tpu.memory_space<hbm>>
      tpu.enqueue_dma source(%dma_start3A_493 : memref<2048xi32, #tpu.memory_space<hbm>>) target(%arg6 : memref<2048xi32, #tpu.memory_space<vmem>>) target_semaphore(%run_scoped3A : memref<!tpu.dma_semaphore, #tpu.memory_space<semaphore_mem>>)
      %dma_wait3A_494 = arith.constant 0 : i32
      %dma_wait3A_495 = tpu.memref_slice %arg2[%dma_wait3A_494] : memref<16384xi32, #tpu.memory_space<hbm>> -> memref<2048xi32, #tpu.memory_space<hbm>>
      %dma_wait3A_496 = arith.constant 0 : i32
      %dma_wait3A_497 = tpu.memref_slice %arg2[%dma_wait3A_496] : memref<16384xi32, #tpu.memory_space<hbm>> -> memref<2048xi32, #tpu.memory_space<hbm>>
      tpu.wait_dma2 semaphore(%run_scoped3A : memref<!tpu.dma_semaphore, #tpu.memory_space<semaphore_mem>>) src(%dma_wait3A_497 : memref<2048xi32, #tpu.memory_space<hbm>>) dst(%arg6 : memref<2048xi32, #tpu.memory_space<vmem>>)
      tpu.yield
    }) : () -> ()
    %scan3A = arith.constant 0 : i32
    %scan3A_313 = arith.constant 0 : i32
    %scan3A_314 = arith.constant 128 : i32
    %scan3A_315 = arith.addi %scan3A_313, %scan3A_314 : i32
    %scan3A_316 = arith.constant 1 : i32
    scf.for %scan3A_490 = %scan3A_313 to %scan3A_315 step %scan3A_316  : i32 {
      %and3A = arith.constant 127 : i32
      %and3A_491 = arith.andi %scan3A_490, %and3A : i32
      %mul3A_492 = arith.constant 16 : i32
      %mul3A_493 = arith.muli %and3A_491, %mul3A_492 : i32
      %add3A_494 = vector.broadcast %mul3A_493 : i32 to vector<16xi32>
      %add3A_495 = arith.addi %add3A_494, %iota3A : vector<16xi32>
      %gather3A = tpu.vector_load_idx %arg6[%add3A_495] : memref<2048xi32, #tpu.memory_space<vmem>>[vector<16xi32>], vector<16xi32>,
      %shift_right_arithmetic3A = arith.constant 8 : i32
      %shift_right_arithmetic3A_496 = vector.broadcast %shift_right_arithmetic3A : i32 to vector<16xi32>
      %shift_right_arithmetic3A_497 = arith.shrsi %gather3A, %shift_right_arithmetic3A_496 : vector<16xi32>
      %and3A_498 = arith.constant 255 : i32
      %and3A_499 = vector.broadcast %and3A_498 : i32 to vector<16xi32>
      %and3A_500 = arith.andi %gather3A, %and3A_499 : vector<16xi32>
      %and3A_501 = arith.constant 31 : i32
      %and3A_502 = vector.broadcast %and3A_501 : i32 to vector<16xi32>
      %and3A_503 = arith.andi %shift_right_arithmetic3A_497, %and3A_502 : vector<16xi32>
      %eq3A_504 = vector.broadcast %add3A : i32 to vector<16xi32>
      %eq3A_505 = arith.cmpi eq, %and3A_503, %eq3A_504 : vector<16xi32>
      %shift_right_arithmetic3A_506 = arith.constant 5 : i32
      %shift_right_arithmetic3A_507 = vector.broadcast %shift_right_arithmetic3A_506 : i32 to vector<16xi32>
      %shift_right_arithmetic3A_508 = arith.shrsi %shift_right_arithmetic3A_497, %shift_right_arithmetic3A_507 : vector<16xi32>
      %mul3A_509 = arith.constant 16 : i32
      %mul3A_510 = arith.muli %scan3A_490, %mul3A_509 : i32
      %add3A_511 = vector.broadcast %mul3A_510 : i32 to vector<16xi32>
      %add3A_512 = arith.addi %add3A_511, %iota3A : vector<16xi32>
      %shift_left3A = arith.constant 8 : i32
      %shift_left3A_513 = vector.broadcast %shift_left3A : i32 to vector<16xi32>
      %shift_left3A_514 = arith.shli %add3A_512, %shift_left3A_513 : vector<16xi32>
      %or3A = arith.ori %shift_left3A_514, %and3A_500 : vector<16xi32>
      %jit3A_515 = arith.constant 1 : i32
      %jit3A_516 = arith.constant 0 : i32
      %broadcast_in_dim3A_517 = vector.broadcast %jit3A_515 : i32 to vector<16xi32>
      %broadcast_in_dim3A_518 = vector.broadcast %jit3A_516 : i32 to vector<16xi32>
      %select_n3A_519 = arith.select %eq3A_505, %broadcast_in_dim3A_517, %broadcast_in_dim3A_518 : vector<16xi1>, vector<16xi32>
      %reduce_sum3A = arith.constant true
      %reduce_sum3A_520 = vector.broadcast %reduce_sum3A : i1 to vector<16xi1>
      %reduce_sum3A_521 = tpu.scan <sum>, %select_n3A_519 masked %reduce_sum3A_520 : vector<16xi32>, vector<16xi1> -> vector<16xi32>
      %reduce_sum3A_522 = vector.extract %reduce_sum3A_521[15] : i32 from vector<16xi32>
      %while3A_523 = arith.constant 0 : i32
      %while3A_524 = arith.subi %reduce_sum3A_522, %while3A_523 : i32
      %while3A_525 = arith.addi %while3A_523, %while3A_524 : i32
      %while3A_526 = arith.constant 1 : i32
      %while3A_527 = arith.divsi %while3A_524, %while3A_526 : i32
      %while3A_528 = arith.muli %while3A_527, %while3A_526 : i32
      %while3A_529 = arith.addi %while3A_523, %while3A_528 : i32
      %while3A_530 = arith.constant 1 : i32
      %while3A_531 = scf.for %while3A_534 = %while3A_523 to %while3A_529 step %while3A_530 iter_args(%while3A_535 = %eq3A_505) -> (vector<16xi1>)  : i32 {
        %all_reduce_ffs3A = tpu.all_reduce %while3A_535 {dim = 0 : i64, kind = #tpu.reduction_kind<find_first_set>} : vector<16xi1> -> vector<16xi32>
        %eq3A_536 = arith.cmpi eq, %iota3A, %all_reduce_ffs3A : vector<16xi32>
        %jit3A_537 = arith.constant -1 : i32
        %broadcast_in_dim3A_538 = vector.broadcast %jit3A_537 : i32 to vector<16xi32>
        %select_n3A_539 = arith.select %eq3A_536, %shift_right_arithmetic3A_508, %broadcast_in_dim3A_538 : vector<16xi1>, vector<16xi32>
        %reduce_max3A = arith.constant true
        %reduce_max3A_540 = vector.broadcast %reduce_max3A : i1 to vector<16xi1>
        %reduce_max3A_541 = arith.constant -2147483648 : i32
        %reduce_max3A_542 = vector.broadcast %reduce_max3A_541 : i32 to vector<16xi32>
        %reduce_max3A_543 = arith.xori %select_n3A_539, %reduce_max3A_542 : vector<16xi32>
        %reduce_max3A_544 = tpu.scan <max>, %reduce_max3A_543 masked %reduce_max3A_540 : vector<16xi32>, vector<16xi1> -> vector<16xi32>
        %reduce_max3A_545 = arith.xori %reduce_max3A_544, %reduce_max3A_542 : vector<16xi32>
        %reduce_max3A_546 = vector.extract %reduce_max3A_545[15] : i32 from vector<16xi32>
        %broadcast_in_dim3A_547 = vector.broadcast %reduce_max3A_546 : i32 to vector<16xi32>
        %jit3A_548 = arith.constant -1 : i32
        %broadcast_in_dim3A_549 = vector.broadcast %jit3A_548 : i32 to vector<16xi32>
        %select_n3A_550 = arith.select %eq3A_536, %or3A, %broadcast_in_dim3A_549 : vector<16xi1>, vector<16xi32>
        %reduce_max3A_551 = arith.constant true
        %reduce_max3A_552 = vector.broadcast %reduce_max3A_551 : i1 to vector<16xi1>
        %reduce_max3A_553 = arith.constant -2147483648 : i32
        %reduce_max3A_554 = vector.broadcast %reduce_max3A_553 : i32 to vector<16xi32>
        %reduce_max3A_555 = arith.xori %select_n3A_550, %reduce_max3A_554 : vector<16xi32>
        %reduce_max3A_556 = tpu.scan <max>, %reduce_max3A_555 masked %reduce_max3A_552 : vector<16xi32>, vector<16xi1> -> vector<16xi32>
        %reduce_max3A_557 = arith.xori %reduce_max3A_556, %reduce_max3A_554 : vector<16xi32>
        %reduce_max3A_558 = vector.extract %reduce_max3A_557[15] : i32 from vector<16xi32>
        %broadcast_in_dim3A_559 = vector.broadcast %reduce_max3A_558 : i32 to vector<16xi32>
        %gather3A_560 = tpu.vector_load_idx %arg8[%broadcast_in_dim3A_547] : memref<128xi32, #tpu.memory_space<vmem>>[vector<16xi32>], vector<16xi32>,
        %mul3A_561 = arith.constant 32 : i32
        %mul3A_562 = vector.broadcast %mul3A_561 : i32 to vector<16xi32>
        %mul3A_563 = arith.muli %broadcast_in_dim3A_547, %mul3A_562 : vector<16xi32>
        %add3A_564 = arith.addi %mul3A_563, %gather3A_560 : vector<16xi32>
        tpu.vector_store_idx %arg7[%add3A_564], %broadcast_in_dim3A_559 masked %eq3A_2 : memref<3936xi32, #tpu.memory_space<vmem>>[vector<16xi32>], vector<16xi32>, vector<16xi1>
        %add3A_565 = arith.constant 1 : i32
        %add3A_566 = vector.broadcast %add3A_565 : i32 to vector<16xi32>
        %add3A_567 = arith.addi %gather3A_560, %add3A_566 : vector<16xi32>
        tpu.vector_store_idx %arg8[%broadcast_in_dim3A_547], %add3A_567 masked %eq3A_2 : memref<128xi32, #tpu.memory_space<vmem>>[vector<16xi32>], vector<16xi32>, vector<16xi1>
        %not3A = arith.constant dense<true> : vector<16xi1>
        %not3A_568 = arith.xori %eq3A_536, %not3A : vector<16xi1>
        %and3A_569 = arith.andi %while3A_535, %not3A_568 : vector<16xi1>
        scf.yield %and3A_569 : vector<16xi1>
      }
      %while3A_532 = arith.constant 1 : i32
      %while3A_533 = scf.for %while3A_534 = %while3A_529 to %while3A_525 step %while3A_532 iter_args(%while3A_535 = %while3A_531) -> (vector<16xi1>)  : i32 {
        %all_reduce_ffs3A = tpu.all_reduce %while3A_535 {dim = 0 : i64, kind = #tpu.reduction_kind<find_first_set>} : vector<16xi1> -> vector<16xi32>
        %eq3A_536 = arith.cmpi eq, %iota3A, %all_reduce_ffs3A : vector<16xi32>
        %jit3A_537 = arith.constant -1 : i32
        %broadcast_in_dim3A_538 = vector.broadcast %jit3A_537 : i32 to vector<16xi32>
        %select_n3A_539 = arith.select %eq3A_536, %shift_right_arithmetic3A_508, %broadcast_in_dim3A_538 : vector<16xi1>, vector<16xi32>
        %reduce_max3A = arith.constant true
        %reduce_max3A_540 = vector.broadcast %reduce_max3A : i1 to vector<16xi1>
        %reduce_max3A_541 = arith.constant -2147483648 : i32
        %reduce_max3A_542 = vector.broadcast %reduce_max3A_541 : i32 to vector<16xi32>
        %reduce_max3A_543 = arith.xori %select_n3A_539, %reduce_max3A_542 : vector<16xi32>
        %reduce_max3A_544 = tpu.scan <max>, %reduce_max3A_543 masked %reduce_max3A_540 : vector<16xi32>, vector<16xi1> -> vector<16xi32>
        %reduce_max3A_545 = arith.xori %reduce_max3A_544, %reduce_max3A_542 : vector<16xi32>
        %reduce_max3A_546 = vector.extract %reduce_max3A_545[15] : i32 from vector<16xi32>
        %broadcast_in_dim3A_547 = vector.broadcast %reduce_max3A_546 : i32 to vector<16xi32>
        %jit3A_548 = arith.constant -1 : i32
        %broadcast_in_dim3A_549 = vector.broadcast %jit3A_548 : i32 to vector<16xi32>
        %select_n3A_550 = arith.select %eq3A_536, %or3A, %broadcast_in_dim3A_549 : vector<16xi1>, vector<16xi32>
        %reduce_max3A_551 = arith.constant true
        %reduce_max3A_552 = vector.broadcast %reduce_max3A_551 : i1 to vector<16xi1>
        %reduce_max3A_553 = arith.constant -2147483648 : i32
        %reduce_max3A_554 = vector.broadcast %reduce_max3A_553 : i32 to vector<16xi32>
        %reduce_max3A_555 = arith.xori %select_n3A_550, %reduce_max3A_554 : vector<16xi32>
        %reduce_max3A_556 = tpu.scan <max>, %reduce_max3A_555 masked %reduce_max3A_552 : vector<16xi32>, vector<16xi1> -> vector<16xi32>
        %reduce_max3A_557 = arith.xori %reduce_max3A_556, %reduce_max3A_554 : vector<16xi32>
        %reduce_max3A_558 = vector.extract %reduce_max3A_557[15] : i32 from vector<16xi32>
        %broadcast_in_dim3A_559 = vector.broadcast %reduce_max3A_558 : i32 to vector<16xi32>
        %gather3A_560 = tpu.vector_load_idx %arg8[%broadcast_in_dim3A_547] : memref<128xi32, #tpu.memory_space<vmem>>[vector<16xi32>], vector<16xi32>,
        %mul3A_561 = arith.constant 32 : i32
        %mul3A_562 = vector.broadcast %mul3A_561 : i32 to vector<16xi32>
        %mul3A_563 = arith.muli %broadcast_in_dim3A_547, %mul3A_562 : vector<16xi32>
        %add3A_564 = arith.addi %mul3A_563, %gather3A_560 : vector<16xi32>
        tpu.vector_store_idx %arg7[%add3A_564], %broadcast_in_dim3A_559 masked %eq3A_2 : memref<3936xi32, #tpu.memory_space<vmem>>[vector<16xi32>], vector<16xi32>, vector<16xi1>
        %add3A_565 = arith.constant 1 : i32
        %add3A_566 = vector.broadcast %add3A_565 : i32 to vector<16xi32>
        %add3A_567 = arith.addi %gather3A_560, %add3A_566 : vector<16xi32>
        tpu.vector_store_idx %arg8[%broadcast_in_dim3A_547], %add3A_567 masked %eq3A_2 : memref<128xi32, #tpu.memory_space<vmem>>[vector<16xi32>], vector<16xi32>, vector<16xi1>
        %not3A = arith.constant dense<true> : vector<16xi1>
        %not3A_568 = arith.xori %eq3A_536, %not3A : vector<16xi1>
        %and3A_569 = arith.andi %while3A_535, %not3A_568 : vector<16xi1>
        scf.yield %and3A_569 : vector<16xi1>
      }
    }
    %scan3A_317 = arith.constant 128 : i32
    "tpu.region"() ({
      %run_scoped3A = tpu.sem_alloc : memref<!tpu.dma_semaphore, #tpu.memory_space<semaphore_mem>>
      %dma_start3A_490 = arith.constant 2048 : i32
      %dma_start3A_491 = tpu.memref_slice %arg2[%dma_start3A_490] : memref<16384xi32, #tpu.memory_space<hbm>> -> memref<2048xi32, #tpu.memory_space<hbm>>
      %dma_start3A_492 = arith.constant 2048 : i32
      %dma_start3A_493 = tpu.memref_slice %arg2[%dma_start3A_492] : memref<16384xi32, #tpu.memory_space<hbm>> -> memref<2048xi32, #tpu.memory_space<hbm>>
      tpu.enqueue_dma source(%dma_start3A_493 : memref<2048xi32, #tpu.memory_space<hbm>>) target(%arg6 : memref<2048xi32, #tpu.memory_space<vmem>>) target_semaphore(%run_scoped3A : memref<!tpu.dma_semaphore, #tpu.memory_space<semaphore_mem>>)
      %dma_wait3A_494 = arith.constant 2048 : i32
      %dma_wait3A_495 = tpu.memref_slice %arg2[%dma_wait3A_494] : memref<16384xi32, #tpu.memory_space<hbm>> -> memref<2048xi32, #tpu.memory_space<hbm>>
      %dma_wait3A_496 = arith.constant 2048 : i32
      %dma_wait3A_497 = tpu.memref_slice %arg2[%dma_wait3A_496] : memref<16384xi32, #tpu.memory_space<hbm>> -> memref<2048xi32, #tpu.memory_space<hbm>>
      tpu.wait_dma2 semaphore(%run_scoped3A : memref<!tpu.dma_semaphore, #tpu.memory_space<semaphore_mem>>) src(%dma_wait3A_497 : memref<2048xi32, #tpu.memory_space<hbm>>) dst(%arg6 : memref<2048xi32, #tpu.memory_space<vmem>>)
      tpu.yield
    }) : () -> ()
    %scan3A_318 = arith.constant 0 : i32
    %scan3A_319 = arith.constant 128 : i32
    %scan3A_320 = arith.constant 128 : i32
    %scan3A_321 = arith.addi %scan3A_319, %scan3A_320 : i32
    %scan3A_322 = arith.constant 1 : i32
    scf.for %scan3A_490 = %scan3A_319 to %scan3A_321 step %scan3A_322  : i32 {
      %and3A = arith.constant 127 : i32
      %and3A_491 = arith.andi %scan3A_490, %and3A : i32
      %mul3A_492 = arith.constant 16 : i32
      %mul3A_493 = arith.muli %and3A_491, %mul3A_492 : i32
      %add3A_494 = vector.broadcast %mul3A_493 : i32 to vector<16xi32>
      %add3A_495 = arith.addi %add3A_494, %iota3A : vector<16xi32>
      %gather3A = tpu.vector_load_idx %arg6[%add3A_495] : memref<2048xi32, #tpu.memory_space<vmem>>[vector<16xi32>], vector<16xi32>,
      %shift_right_arithmetic3A = arith.constant 8 : i32
      %shift_right_arithmetic3A_496 = vector.broadcast %shift_right_arithmetic3A : i32 to vector<16xi32>
      %shift_right_arithmetic3A_497 = arith.shrsi %gather3A, %shift_right_arithmetic3A_496 : vector<16xi32>
      %and3A_498 = arith.constant 255 : i32
      %and3A_499 = vector.broadcast %and3A_498 : i32 to vector<16xi32>
      %and3A_500 = arith.andi %gather3A, %and3A_499 : vector<16xi32>
      %and3A_501 = arith.constant 31 : i32
      %and3A_502 = vector.broadcast %and3A_501 : i32 to vector<16xi32>
      %and3A_503 = arith.andi %shift_right_arithmetic3A_497, %and3A_502 : vector<16xi32>
      %eq3A_504 = vector.broadcast %add3A : i32 to vector<16xi32>
      %eq3A_505 = arith.cmpi eq, %and3A_503, %eq3A_504 : vector<16xi32>
      %shift_right_arithmetic3A_506 = arith.constant 5 : i32
      %shift_right_arithmetic3A_507 = vector.broadcast %shift_right_arithmetic3A_506 : i32 to vector<16xi32>
      %shift_right_arithmetic3A_508 = arith.shrsi %shift_right_arithmetic3A_497, %shift_right_arithmetic3A_507 : vector<16xi32>
      %mul3A_509 = arith.constant 16 : i32
      %mul3A_510 = arith.muli %scan3A_490, %mul3A_509 : i32
      %add3A_511 = vector.broadcast %mul3A_510 : i32 to vector<16xi32>
      %add3A_512 = arith.addi %add3A_511, %iota3A : vector<16xi32>
      %shift_left3A = arith.constant 8 : i32
      %shift_left3A_513 = vector.broadcast %shift_left3A : i32 to vector<16xi32>
      %shift_left3A_514 = arith.shli %add3A_512, %shift_left3A_513 : vector<16xi32>
      %or3A = arith.ori %shift_left3A_514, %and3A_500 : vector<16xi32>
      %jit3A_515 = arith.constant 1 : i32
      %jit3A_516 = arith.constant 0 : i32
      %broadcast_in_dim3A_517 = vector.broadcast %jit3A_515 : i32 to vector<16xi32>
      %broadcast_in_dim3A_518 = vector.broadcast %jit3A_516 : i32 to vector<16xi32>
      %select_n3A_519 = arith.select %eq3A_505, %broadcast_in_dim3A_517, %broadcast_in_dim3A_518 : vector<16xi1>, vector<16xi32>
      %reduce_sum3A = arith.constant true
      %reduce_sum3A_520 = vector.broadcast %reduce_sum3A : i1 to vector<16xi1>
      %reduce_sum3A_521 = tpu.scan <sum>, %select_n3A_519 masked %reduce_sum3A_520 : vector<16xi32>, vector<16xi1> -> vector<16xi32>
      %reduce_sum3A_522 = vector.extract %reduce_sum3A_521[15] : i32 from vector<16xi32>
      %while3A_523 = arith.constant 0 : i32
      %while3A_524 = arith.subi %reduce_sum3A_522, %while3A_523 : i32
      %while3A_525 = arith.addi %while3A_523, %while3A_524 : i32
      %while3A_526 = arith.constant 1 : i32
      %while3A_527 = arith.divsi %while3A_524, %while3A_526 : i32
      %while3A_528 = arith.muli %while3A_527, %while3A_526 : i32
      %while3A_529 = arith.addi %while3A_523, %while3A_528 : i32
      %while3A_530 = arith.constant 1 : i32
      %while3A_531 = scf.for %while3A_534 = %while3A_523 to %while3A_529 step %while3A_530 iter_args(%while3A_535 = %eq3A_505) -> (vector<16xi1>)  : i32 {
        %all_reduce_ffs3A = tpu.all_reduce %while3A_535 {dim = 0 : i64, kind = #tpu.reduction_kind<find_first_set>} : vector<16xi1> -> vector<16xi32>
        %eq3A_536 = arith.cmpi eq, %iota3A, %all_reduce_ffs3A : vector<16xi32>
        %jit3A_537 = arith.constant -1 : i32
        %broadcast_in_dim3A_538 = vector.broadcast %jit3A_537 : i32 to vector<16xi32>
        %select_n3A_539 = arith.select %eq3A_536, %shift_right_arithmetic3A_508, %broadcast_in_dim3A_538 : vector<16xi1>, vector<16xi32>
        %reduce_max3A = arith.constant true
        %reduce_max3A_540 = vector.broadcast %reduce_max3A : i1 to vector<16xi1>
        %reduce_max3A_541 = arith.constant -2147483648 : i32
        %reduce_max3A_542 = vector.broadcast %reduce_max3A_541 : i32 to vector<16xi32>
        %reduce_max3A_543 = arith.xori %select_n3A_539, %reduce_max3A_542 : vector<16xi32>
        %reduce_max3A_544 = tpu.scan <max>, %reduce_max3A_543 masked %reduce_max3A_540 : vector<16xi32>, vector<16xi1> -> vector<16xi32>
        %reduce_max3A_545 = arith.xori %reduce_max3A_544, %reduce_max3A_542 : vector<16xi32>
        %reduce_max3A_546 = vector.extract %reduce_max3A_545[15] : i32 from vector<16xi32>
        %broadcast_in_dim3A_547 = vector.broadcast %reduce_max3A_546 : i32 to vector<16xi32>
        %jit3A_548 = arith.constant -1 : i32
        %broadcast_in_dim3A_549 = vector.broadcast %jit3A_548 : i32 to vector<16xi32>
        %select_n3A_550 = arith.select %eq3A_536, %or3A, %broadcast_in_dim3A_549 : vector<16xi1>, vector<16xi32>
        %reduce_max3A_551 = arith.constant true
        %reduce_max3A_552 = vector.broadcast %reduce_max3A_551 : i1 to vector<16xi1>
        %reduce_max3A_553 = arith.constant -2147483648 : i32
        %reduce_max3A_554 = vector.broadcast %reduce_max3A_553 : i32 to vector<16xi32>
        %reduce_max3A_555 = arith.xori %select_n3A_550, %reduce_max3A_554 : vector<16xi32>
        %reduce_max3A_556 = tpu.scan <max>, %reduce_max3A_555 masked %reduce_max3A_552 : vector<16xi32>, vector<16xi1> -> vector<16xi32>
        %reduce_max3A_557 = arith.xori %reduce_max3A_556, %reduce_max3A_554 : vector<16xi32>
        %reduce_max3A_558 = vector.extract %reduce_max3A_557[15] : i32 from vector<16xi32>
        %broadcast_in_dim3A_559 = vector.broadcast %reduce_max3A_558 : i32 to vector<16xi32>
        %gather3A_560 = tpu.vector_load_idx %arg8[%broadcast_in_dim3A_547] : memref<128xi32, #tpu.memory_space<vmem>>[vector<16xi32>], vector<16xi32>,
        %mul3A_561 = arith.constant 32 : i32
        %mul3A_562 = vector.broadcast %mul3A_561 : i32 to vector<16xi32>
        %mul3A_563 = arith.muli %broadcast_in_dim3A_547, %mul3A_562 : vector<16xi32>
        %add3A_564 = arith.addi %mul3A_563, %gather3A_560 : vector<16xi32>
        tpu.vector_store_idx %arg7[%add3A_564], %broadcast_in_dim3A_559 masked %eq3A_2 : memref<3936xi32, #tpu.memory_space<vmem>>[vector<16xi32>], vector<16xi32>, vector<16xi1>
        %add3A_565 = arith.constant 1 : i32
        %add3A_566 = vector.broadcast %add3A_565 : i32 to vector<16xi32>
        %add3A_567 = arith.addi %gather3A_560, %add3A_566 : vector<16xi32>
        tpu.vector_store_idx %arg8[%broadcast_in_dim3A_547], %add3A_567 masked %eq3A_2 : memref<128xi32, #tpu.memory_space<vmem>>[vector<16xi32>], vector<16xi32>, vector<16xi1>
        %not3A = arith.constant dense<true> : vector<16xi1>
        %not3A_568 = arith.xori %eq3A_536, %not3A : vector<16xi1>
        %and3A_569 = arith.andi %while3A_535, %not3A_568 : vector<16xi1>
        scf.yield %and3A_569 : vector<16xi1>
      }
      %while3A_532 = arith.constant 1 : i32
      %while3A_533 = scf.for %while3A_534 = %while3A_529 to %while3A_525 step %while3A_532 iter_args(%while3A_535 = %while3A_531) -> (vector<16xi1>)  : i32 {
        %all_reduce_ffs3A = tpu.all_reduce %while3A_535 {dim = 0 : i64, kind = #tpu.reduction_kind<find_first_set>} : vector<16xi1> -> vector<16xi32>
        %eq3A_536 = arith.cmpi eq, %iota3A, %all_reduce_ffs3A : vector<16xi32>
        %jit3A_537 = arith.constant -1 : i32
        %broadcast_in_dim3A_538 = vector.broadcast %jit3A_537 : i32 to vector<16xi32>
        %select_n3A_539 = arith.select %eq3A_536, %shift_right_arithmetic3A_508, %broadcast_in_dim3A_538 : vector<16xi1>, vector<16xi32>
        %reduce_max3A = arith.constant true
        %reduce_max3A_540 = vector.broadcast %reduce_max3A : i1 to vector<16xi1>
        %reduce_max3A_541 = arith.constant -2147483648 : i32
        %reduce_max3A_542 = vector.broadcast %reduce_max3A_541 : i32 to vector<16xi32>
        %reduce_max3A_543 = arith.xori %select_n3A_539, %reduce_max3A_542 : vector<16xi32>
        %reduce_max3A_544 = tpu.scan <max>, %reduce_max3A_543 masked %reduce_max3A_540 : vector<16xi32>, vector<16xi1> -> vector<16xi32>
        %reduce_max3A_545 = arith.xori %reduce_max3A_544, %reduce_max3A_542 : vector<16xi32>
        %reduce_max3A_546 = vector.extract %reduce_max3A_545[15] : i32 from vector<16xi32>
        %broadcast_in_dim3A_547 = vector.broadcast %reduce_max3A_546 : i32 to vector<16xi32>
        %jit3A_548 = arith.constant -1 : i32
        %broadcast_in_dim3A_549 = vector.broadcast %jit3A_548 : i32 to vector<16xi32>
        %select_n3A_550 = arith.select %eq3A_536, %or3A, %broadcast_in_dim3A_549 : vector<16xi1>, vector<16xi32>
        %reduce_max3A_551 = arith.constant true
        %reduce_max3A_552 = vector.broadcast %reduce_max3A_551 : i1 to vector<16xi1>
        %reduce_max3A_553 = arith.constant -2147483648 : i32
        %reduce_max3A_554 = vector.broadcast %reduce_max3A_553 : i32 to vector<16xi32>
        %reduce_max3A_555 = arith.xori %select_n3A_550, %reduce_max3A_554 : vector<16xi32>
        %reduce_max3A_556 = tpu.scan <max>, %reduce_max3A_555 masked %reduce_max3A_552 : vector<16xi32>, vector<16xi1> -> vector<16xi32>
        %reduce_max3A_557 = arith.xori %reduce_max3A_556, %reduce_max3A_554 : vector<16xi32>
        %reduce_max3A_558 = vector.extract %reduce_max3A_557[15] : i32 from vector<16xi32>
        %broadcast_in_dim3A_559 = vector.broadcast %reduce_max3A_558 : i32 to vector<16xi32>
        %gather3A_560 = tpu.vector_load_idx %arg8[%broadcast_in_dim3A_547] : memref<128xi32, #tpu.memory_space<vmem>>[vector<16xi32>], vector<16xi32>,
        %mul3A_561 = arith.constant 32 : i32
        %mul3A_562 = vector.broadcast %mul3A_561 : i32 to vector<16xi32>
        %mul3A_563 = arith.muli %broadcast_in_dim3A_547, %mul3A_562 : vector<16xi32>
        %add3A_564 = arith.addi %mul3A_563, %gather3A_560 : vector<16xi32>
        tpu.vector_store_idx %arg7[%add3A_564], %broadcast_in_dim3A_559 masked %eq3A_2 : memref<3936xi32, #tpu.memory_space<vmem>>[vector<16xi32>], vector<16xi32>, vector<16xi1>
        %add3A_565 = arith.constant 1 : i32
        %add3A_566 = vector.broadcast %add3A_565 : i32 to vector<16xi32>
        %add3A_567 = arith.addi %gather3A_560, %add3A_566 : vector<16xi32>
        tpu.vector_store_idx %arg8[%broadcast_in_dim3A_547], %add3A_567 masked %eq3A_2 : memref<128xi32, #tpu.memory_space<vmem>>[vector<16xi32>], vector<16xi32>, vector<16xi1>
        %not3A = arith.constant dense<true> : vector<16xi1>
        %not3A_568 = arith.xori %eq3A_536, %not3A : vector<16xi1>
        %and3A_569 = arith.andi %while3A_535, %not3A_568 : vector<16xi1>
        scf.yield %and3A_569 : vector<16xi1>
      }
    }
    %scan3A_323 = arith.constant 128 : i32
    "tpu.region"() ({
      %run_scoped3A = tpu.sem_alloc : memref<!tpu.dma_semaphore, #tpu.memory_space<semaphore_mem>>
      %dma_start3A_490 = arith.constant 4096 : i32
      %dma_start3A_491 = tpu.memref_slice %arg2[%dma_start3A_490] : memref<16384xi32, #tpu.memory_space<hbm>> -> memref<2048xi32, #tpu.memory_space<hbm>>
      %dma_start3A_492 = arith.constant 4096 : i32
      %dma_start3A_493 = tpu.memref_slice %arg2[%dma_start3A_492] : memref<16384xi32, #tpu.memory_space<hbm>> -> memref<2048xi32, #tpu.memory_space<hbm>>
      tpu.enqueue_dma source(%dma_start3A_493 : memref<2048xi32, #tpu.memory_space<hbm>>) target(%arg6 : memref<2048xi32, #tpu.memory_space<vmem>>) target_semaphore(%run_scoped3A : memref<!tpu.dma_semaphore, #tpu.memory_space<semaphore_mem>>)
      %dma_wait3A_494 = arith.constant 4096 : i32
      %dma_wait3A_495 = tpu.memref_slice %arg2[%dma_wait3A_494] : memref<16384xi32, #tpu.memory_space<hbm>> -> memref<2048xi32, #tpu.memory_space<hbm>>
      %dma_wait3A_496 = arith.constant 4096 : i32
      %dma_wait3A_497 = tpu.memref_slice %arg2[%dma_wait3A_496] : memref<16384xi32, #tpu.memory_space<hbm>> -> memref<2048xi32, #tpu.memory_space<hbm>>
      tpu.wait_dma2 semaphore(%run_scoped3A : memref<!tpu.dma_semaphore, #tpu.memory_space<semaphore_mem>>) src(%dma_wait3A_497 : memref<2048xi32, #tpu.memory_space<hbm>>) dst(%arg6 : memref<2048xi32, #tpu.memory_space<vmem>>)
      tpu.yield
    }) : () -> ()
    %scan3A_324 = arith.constant 0 : i32
    %scan3A_325 = arith.constant 256 : i32
    %scan3A_326 = arith.constant 128 : i32
    %scan3A_327 = arith.addi %scan3A_325, %scan3A_326 : i32
    %scan3A_328 = arith.constant 1 : i32
    scf.for %scan3A_490 = %scan3A_325 to %scan3A_327 step %scan3A_328  : i32 {
      %and3A = arith.constant 127 : i32
      %and3A_491 = arith.andi %scan3A_490, %and3A : i32
      %mul3A_492 = arith.constant 16 : i32
      %mul3A_493 = arith.muli %and3A_491, %mul3A_492 : i32
      %add3A_494 = vector.broadcast %mul3A_493 : i32 to vector<16xi32>
      %add3A_495 = arith.addi %add3A_494, %iota3A : vector<16xi32>
      %gather3A = tpu.vector_load_idx %arg6[%add3A_495] : memref<2048xi32, #tpu.memory_space<vmem>>[vector<16xi32>], vector<16xi32>,
      %shift_right_arithmetic3A = arith.constant 8 : i32
      %shift_right_arithmetic3A_496 = vector.broadcast %shift_right_arithmetic3A : i32 to vector<16xi32>
      %shift_right_arithmetic3A_497 = arith.shrsi %gather3A, %shift_right_arithmetic3A_496 : vector<16xi32>
      %and3A_498 = arith.constant 255 : i32
      %and3A_499 = vector.broadcast %and3A_498 : i32 to vector<16xi32>
      %and3A_500 = arith.andi %gather3A, %and3A_499 : vector<16xi32>
      %and3A_501 = arith.constant 31 : i32
      %and3A_502 = vector.broadcast %and3A_501 : i32 to vector<16xi32>
      %and3A_503 = arith.andi %shift_right_arithmetic3A_497, %and3A_502 : vector<16xi32>
      %eq3A_504 = vector.broadcast %add3A : i32 to vector<16xi32>
      %eq3A_505 = arith.cmpi eq, %and3A_503, %eq3A_504 : vector<16xi32>
      %shift_right_arithmetic3A_506 = arith.constant 5 : i32
      %shift_right_arithmetic3A_507 = vector.broadcast %shift_right_arithmetic3A_506 : i32 to vector<16xi32>
      %shift_right_arithmetic3A_508 = arith.shrsi %shift_right_arithmetic3A_497, %shift_right_arithmetic3A_507 : vector<16xi32>
      %mul3A_509 = arith.constant 16 : i32
      %mul3A_510 = arith.muli %scan3A_490, %mul3A_509 : i32
      %add3A_511 = vector.broadcast %mul3A_510 : i32 to vector<16xi32>
      %add3A_512 = arith.addi %add3A_511, %iota3A : vector<16xi32>
      %shift_left3A = arith.constant 8 : i32
      %shift_left3A_513 = vector.broadcast %shift_left3A : i32 to vector<16xi32>
      %shift_left3A_514 = arith.shli %add3A_512, %shift_left3A_513 : vector<16xi32>
      %or3A = arith.ori %shift_left3A_514, %and3A_500 : vector<16xi32>
      %jit3A_515 = arith.constant 1 : i32
      %jit3A_516 = arith.constant 0 : i32
      %broadcast_in_dim3A_517 = vector.broadcast %jit3A_515 : i32 to vector<16xi32>
      %broadcast_in_dim3A_518 = vector.broadcast %jit3A_516 : i32 to vector<16xi32>
      %select_n3A_519 = arith.select %eq3A_505, %broadcast_in_dim3A_517, %broadcast_in_dim3A_518 : vector<16xi1>, vector<16xi32>
      %reduce_sum3A = arith.constant true
      %reduce_sum3A_520 = vector.broadcast %reduce_sum3A : i1 to vector<16xi1>
      %reduce_sum3A_521 = tpu.scan <sum>, %select_n3A_519 masked %reduce_sum3A_520 : vector<16xi32>, vector<16xi1> -> vector<16xi32>
      %reduce_sum3A_522 = vector.extract %reduce_sum3A_521[15] : i32 from vector<16xi32>
      %while3A_523 = arith.constant 0 : i32
      %while3A_524 = arith.subi %reduce_sum3A_522, %while3A_523 : i32
      %while3A_525 = arith.addi %while3A_523, %while3A_524 : i32
      %while3A_526 = arith.constant 1 : i32
      %while3A_527 = arith.divsi %while3A_524, %while3A_526 : i32
      %while3A_528 = arith.muli %while3A_527, %while3A_526 : i32
      %while3A_529 = arith.addi %while3A_523, %while3A_528 : i32
      %while3A_530 = arith.constant 1 : i32
      %while3A_531 = scf.for %while3A_534 = %while3A_523 to %while3A_529 step %while3A_530 iter_args(%while3A_535 = %eq3A_505) -> (vector<16xi1>)  : i32 {
        %all_reduce_ffs3A = tpu.all_reduce %while3A_535 {dim = 0 : i64, kind = #tpu.reduction_kind<find_first_set>} : vector<16xi1> -> vector<16xi32>
        %eq3A_536 = arith.cmpi eq, %iota3A, %all_reduce_ffs3A : vector<16xi32>
        %jit3A_537 = arith.constant -1 : i32
        %broadcast_in_dim3A_538 = vector.broadcast %jit3A_537 : i32 to vector<16xi32>
        %select_n3A_539 = arith.select %eq3A_536, %shift_right_arithmetic3A_508, %broadcast_in_dim3A_538 : vector<16xi1>, vector<16xi32>
        %reduce_max3A = arith.constant true
        %reduce_max3A_540 = vector.broadcast %reduce_max3A : i1 to vector<16xi1>
        %reduce_max3A_541 = arith.constant -2147483648 : i32
        %reduce_max3A_542 = vector.broadcast %reduce_max3A_541 : i32 to vector<16xi32>
        %reduce_max3A_543 = arith.xori %select_n3A_539, %reduce_max3A_542 : vector<16xi32>
        %reduce_max3A_544 = tpu.scan <max>, %reduce_max3A_543 masked %reduce_max3A_540 : vector<16xi32>, vector<16xi1> -> vector<16xi32>
        %reduce_max3A_545 = arith.xori %reduce_max3A_544, %reduce_max3A_542 : vector<16xi32>
        %reduce_max3A_546 = vector.extract %reduce_max3A_545[15] : i32 from vector<16xi32>
        %broadcast_in_dim3A_547 = vector.broadcast %reduce_max3A_546 : i32 to vector<16xi32>
        %jit3A_548 = arith.constant -1 : i32
        %broadcast_in_dim3A_549 = vector.broadcast %jit3A_548 : i32 to vector<16xi32>
        %select_n3A_550 = arith.select %eq3A_536, %or3A, %broadcast_in_dim3A_549 : vector<16xi1>, vector<16xi32>
        %reduce_max3A_551 = arith.constant true
        %reduce_max3A_552 = vector.broadcast %reduce_max3A_551 : i1 to vector<16xi1>
        %reduce_max3A_553 = arith.constant -2147483648 : i32
        %reduce_max3A_554 = vector.broadcast %reduce_max3A_553 : i32 to vector<16xi32>
        %reduce_max3A_555 = arith.xori %select_n3A_550, %reduce_max3A_554 : vector<16xi32>
        %reduce_max3A_556 = tpu.scan <max>, %reduce_max3A_555 masked %reduce_max3A_552 : vector<16xi32>, vector<16xi1> -> vector<16xi32>
        %reduce_max3A_557 = arith.xori %reduce_max3A_556, %reduce_max3A_554 : vector<16xi32>
        %reduce_max3A_558 = vector.extract %reduce_max3A_557[15] : i32 from vector<16xi32>
        %broadcast_in_dim3A_559 = vector.broadcast %reduce_max3A_558 : i32 to vector<16xi32>
        %gather3A_560 = tpu.vector_load_idx %arg8[%broadcast_in_dim3A_547] : memref<128xi32, #tpu.memory_space<vmem>>[vector<16xi32>], vector<16xi32>,
        %mul3A_561 = arith.constant 32 : i32
        %mul3A_562 = vector.broadcast %mul3A_561 : i32 to vector<16xi32>
        %mul3A_563 = arith.muli %broadcast_in_dim3A_547, %mul3A_562 : vector<16xi32>
        %add3A_564 = arith.addi %mul3A_563, %gather3A_560 : vector<16xi32>
        tpu.vector_store_idx %arg7[%add3A_564], %broadcast_in_dim3A_559 masked %eq3A_2 : memref<3936xi32, #tpu.memory_space<vmem>>[vector<16xi32>], vector<16xi32>, vector<16xi1>
        %add3A_565 = arith.constant 1 : i32
        %add3A_566 = vector.broadcast %add3A_565 : i32 to vector<16xi32>
        %add3A_567 = arith.addi %gather3A_560, %add3A_566 : vector<16xi32>
        tpu.vector_store_idx %arg8[%broadcast_in_dim3A_547], %add3A_567 masked %eq3A_2 : memref<128xi32, #tpu.memory_space<vmem>>[vector<16xi32>], vector<16xi32>, vector<16xi1>
        %not3A = arith.constant dense<true> : vector<16xi1>
        %not3A_568 = arith.xori %eq3A_536, %not3A : vector<16xi1>
        %and3A_569 = arith.andi %while3A_535, %not3A_568 : vector<16xi1>
        scf.yield %and3A_569 : vector<16xi1>
      }
      %while3A_532 = arith.constant 1 : i32
      %while3A_533 = scf.for %while3A_534 = %while3A_529 to %while3A_525 step %while3A_532 iter_args(%while3A_535 = %while3A_531) -> (vector<16xi1>)  : i32 {
        %all_reduce_ffs3A = tpu.all_reduce %while3A_535 {dim = 0 : i64, kind = #tpu.reduction_kind<find_first_set>} : vector<16xi1> -> vector<16xi32>
        %eq3A_536 = arith.cmpi eq, %iota3A, %all_reduce_ffs3A : vector<16xi32>
        %jit3A_537 = arith.constant -1 : i32
        %broadcast_in_dim3A_538 = vector.broadcast %jit3A_537 : i32 to vector<16xi32>
        %select_n3A_539 = arith.select %eq3A_536, %shift_right_arithmetic3A_508, %broadcast_in_dim3A_538 : vector<16xi1>, vector<16xi32>
        %reduce_max3A = arith.constant true
        %reduce_max3A_540 = vector.broadcast %reduce_max3A : i1 to vector<16xi1>
        %reduce_max3A_541 = arith.constant -2147483648 : i32
        %reduce_max3A_542 = vector.broadcast %reduce_max3A_541 : i32 to vector<16xi32>
        %reduce_max3A_543 = arith.xori %select_n3A_539, %reduce_max3A_542 : vector<16xi32>
        %reduce_max3A_544 = tpu.scan <max>, %reduce_max3A_543 masked %reduce_max3A_540 : vector<16xi32>, vector<16xi1> -> vector<16xi32>
        %reduce_max3A_545 = arith.xori %reduce_max3A_544, %reduce_max3A_542 : vector<16xi32>
        %reduce_max3A_546 = vector.extract %reduce_max3A_545[15] : i32 from vector<16xi32>
        %broadcast_in_dim3A_547 = vector.broadcast %reduce_max3A_546 : i32 to vector<16xi32>
        %jit3A_548 = arith.constant -1 : i32
        %broadcast_in_dim3A_549 = vector.broadcast %jit3A_548 : i32 to vector<16xi32>
        %select_n3A_550 = arith.select %eq3A_536, %or3A, %broadcast_in_dim3A_549 : vector<16xi1>, vector<16xi32>
        %reduce_max3A_551 = arith.constant true
        %reduce_max3A_552 = vector.broadcast %reduce_max3A_551 : i1 to vector<16xi1>
        %reduce_max3A_553 = arith.constant -2147483648 : i32
        %reduce_max3A_554 = vector.broadcast %reduce_max3A_553 : i32 to vector<16xi32>
        %reduce_max3A_555 = arith.xori %select_n3A_550, %reduce_max3A_554 : vector<16xi32>
        %reduce_max3A_556 = tpu.scan <max>, %reduce_max3A_555 masked %reduce_max3A_552 : vector<16xi32>, vector<16xi1> -> vector<16xi32>
        %reduce_max3A_557 = arith.xori %reduce_max3A_556, %reduce_max3A_554 : vector<16xi32>
        %reduce_max3A_558 = vector.extract %reduce_max3A_557[15] : i32 from vector<16xi32>
        %broadcast_in_dim3A_559 = vector.broadcast %reduce_max3A_558 : i32 to vector<16xi32>
        %gather3A_560 = tpu.vector_load_idx %arg8[%broadcast_in_dim3A_547] : memref<128xi32, #tpu.memory_space<vmem>>[vector<16xi32>], vector<16xi32>,
        %mul3A_561 = arith.constant 32 : i32
        %mul3A_562 = vector.broadcast %mul3A_561 : i32 to vector<16xi32>
        %mul3A_563 = arith.muli %broadcast_in_dim3A_547, %mul3A_562 : vector<16xi32>
        %add3A_564 = arith.addi %mul3A_563, %gather3A_560 : vector<16xi32>
        tpu.vector_store_idx %arg7[%add3A_564], %broadcast_in_dim3A_559 masked %eq3A_2 : memref<3936xi32, #tpu.memory_space<vmem>>[vector<16xi32>], vector<16xi32>, vector<16xi1>
        %add3A_565 = arith.constant 1 : i32
        %add3A_566 = vector.broadcast %add3A_565 : i32 to vector<16xi32>
        %add3A_567 = arith.addi %gather3A_560, %add3A_566 : vector<16xi32>
        tpu.vector_store_idx %arg8[%broadcast_in_dim3A_547], %add3A_567 masked %eq3A_2 : memref<128xi32, #tpu.memory_space<vmem>>[vector<16xi32>], vector<16xi32>, vector<16xi1>
        %not3A = arith.constant dense<true> : vector<16xi1>
        %not3A_568 = arith.xori %eq3A_536, %not3A : vector<16xi1>
        %and3A_569 = arith.andi %while3A_535, %not3A_568 : vector<16xi1>
        scf.yield %and3A_569 : vector<16xi1>
      }
    }
    %scan3A_329 = arith.constant 128 : i32
    "tpu.region"() ({
      %run_scoped3A = tpu.sem_alloc : memref<!tpu.dma_semaphore, #tpu.memory_space<semaphore_mem>>
      %dma_start3A_490 = arith.constant 6144 : i32
      %dma_start3A_491 = tpu.memref_slice %arg2[%dma_start3A_490] : memref<16384xi32, #tpu.memory_space<hbm>> -> memref<2048xi32, #tpu.memory_space<hbm>>
      %dma_start3A_492 = arith.constant 6144 : i32
      %dma_start3A_493 = tpu.memref_slice %arg2[%dma_start3A_492] : memref<16384xi32, #tpu.memory_space<hbm>> -> memref<2048xi32, #tpu.memory_space<hbm>>
      tpu.enqueue_dma source(%dma_start3A_493 : memref<2048xi32, #tpu.memory_space<hbm>>) target(%arg6 : memref<2048xi32, #tpu.memory_space<vmem>>) target_semaphore(%run_scoped3A : memref<!tpu.dma_semaphore, #tpu.memory_space<semaphore_mem>>)
      %dma_wait3A_494 = arith.constant 6144 : i32
      %dma_wait3A_495 = tpu.memref_slice %arg2[%dma_wait3A_494] : memref<16384xi32, #tpu.memory_space<hbm>> -> memref<2048xi32, #tpu.memory_space<hbm>>
      %dma_wait3A_496 = arith.constant 6144 : i32
      %dma_wait3A_497 = tpu.memref_slice %arg2[%dma_wait3A_496] : memref<16384xi32, #tpu.memory_space<hbm>> -> memref<2048xi32, #tpu.memory_space<hbm>>
      tpu.wait_dma2 semaphore(%run_scoped3A : memref<!tpu.dma_semaphore, #tpu.memory_space<semaphore_mem>>) src(%dma_wait3A_497 : memref<2048xi32, #tpu.memory_space<hbm>>) dst(%arg6 : memref<2048xi32, #tpu.memory_space<vmem>>)
      tpu.yield
    }) : () -> ()
    %scan3A_330 = arith.constant 0 : i32
    %scan3A_331 = arith.constant 384 : i32
    %scan3A_332 = arith.constant 128 : i32
    %scan3A_333 = arith.addi %scan3A_331, %scan3A_332 : i32
    %scan3A_334 = arith.constant 1 : i32
    scf.for %scan3A_490 = %scan3A_331 to %scan3A_333 step %scan3A_334  : i32 {
      %and3A = arith.constant 127 : i32
      %and3A_491 = arith.andi %scan3A_490, %and3A : i32
      %mul3A_492 = arith.constant 16 : i32
      %mul3A_493 = arith.muli %and3A_491, %mul3A_492 : i32
      %add3A_494 = vector.broadcast %mul3A_493 : i32 to vector<16xi32>
      %add3A_495 = arith.addi %add3A_494, %iota3A : vector<16xi32>
      %gather3A = tpu.vector_load_idx %arg6[%add3A_495] : memref<2048xi32, #tpu.memory_space<vmem>>[vector<16xi32>], vector<16xi32>,
      %shift_right_arithmetic3A = arith.constant 8 : i32
      %shift_right_arithmetic3A_496 = vector.broadcast %shift_right_arithmetic3A : i32 to vector<16xi32>
      %shift_right_arithmetic3A_497 = arith.shrsi %gather3A, %shift_right_arithmetic3A_496 : vector<16xi32>
      %and3A_498 = arith.constant 255 : i32
      %and3A_499 = vector.broadcast %and3A_498 : i32 to vector<16xi32>
      %and3A_500 = arith.andi %gather3A, %and3A_499 : vector<16xi32>
      %and3A_501 = arith.constant 31 : i32
      %and3A_502 = vector.broadcast %and3A_501 : i32 to vector<16xi32>
      %and3A_503 = arith.andi %shift_right_arithmetic3A_497, %and3A_502 : vector<16xi32>
      %eq3A_504 = vector.broadcast %add3A : i32 to vector<16xi32>
      %eq3A_505 = arith.cmpi eq, %and3A_503, %eq3A_504 : vector<16xi32>
      %shift_right_arithmetic3A_506 = arith.constant 5 : i32
      %shift_right_arithmetic3A_507 = vector.broadcast %shift_right_arithmetic3A_506 : i32 to vector<16xi32>
      %shift_right_arithmetic3A_508 = arith.shrsi %shift_right_arithmetic3A_497, %shift_right_arithmetic3A_507 : vector<16xi32>
      %mul3A_509 = arith.constant 16 : i32
      %mul3A_510 = arith.muli %scan3A_490, %mul3A_509 : i32
      %add3A_511 = vector.broadcast %mul3A_510 : i32 to vector<16xi32>
      %add3A_512 = arith.addi %add3A_511, %iota3A : vector<16xi32>
      %shift_left3A = arith.constant 8 : i32
      %shift_left3A_513 = vector.broadcast %shift_left3A : i32 to vector<16xi32>
      %shift_left3A_514 = arith.shli %add3A_512, %shift_left3A_513 : vector<16xi32>
      %or3A = arith.ori %shift_left3A_514, %and3A_500 : vector<16xi32>
      %jit3A_515 = arith.constant 1 : i32
      %jit3A_516 = arith.constant 0 : i32
      %broadcast_in_dim3A_517 = vector.broadcast %jit3A_515 : i32 to vector<16xi32>
      %broadcast_in_dim3A_518 = vector.broadcast %jit3A_516 : i32 to vector<16xi32>
      %select_n3A_519 = arith.select %eq3A_505, %broadcast_in_dim3A_517, %broadcast_in_dim3A_518 : vector<16xi1>, vector<16xi32>
      %reduce_sum3A = arith.constant true
      %reduce_sum3A_520 = vector.broadcast %reduce_sum3A : i1 to vector<16xi1>
      %reduce_sum3A_521 = tpu.scan <sum>, %select_n3A_519 masked %reduce_sum3A_520 : vector<16xi32>, vector<16xi1> -> vector<16xi32>
      %reduce_sum3A_522 = vector.extract %reduce_sum3A_521[15] : i32 from vector<16xi32>
      %while3A_523 = arith.constant 0 : i32
      %while3A_524 = arith.subi %reduce_sum3A_522, %while3A_523 : i32
      %while3A_525 = arith.addi %while3A_523, %while3A_524 : i32
      %while3A_526 = arith.constant 1 : i32
      %while3A_527 = arith.divsi %while3A_524, %while3A_526 : i32
      %while3A_528 = arith.muli %while3A_527, %while3A_526 : i32
      %while3A_529 = arith.addi %while3A_523, %while3A_528 : i32
      %while3A_530 = arith.constant 1 : i32
      %while3A_531 = scf.for %while3A_534 = %while3A_523 to %while3A_529 step %while3A_530 iter_args(%while3A_535 = %eq3A_505) -> (vector<16xi1>)  : i32 {
        %all_reduce_ffs3A = tpu.all_reduce %while3A_535 {dim = 0 : i64, kind = #tpu.reduction_kind<find_first_set>} : vector<16xi1> -> vector<16xi32>
        %eq3A_536 = arith.cmpi eq, %iota3A, %all_reduce_ffs3A : vector<16xi32>
        %jit3A_537 = arith.constant -1 : i32
        %broadcast_in_dim3A_538 = vector.broadcast %jit3A_537 : i32 to vector<16xi32>
        %select_n3A_539 = arith.select %eq3A_536, %shift_right_arithmetic3A_508, %broadcast_in_dim3A_538 : vector<16xi1>, vector<16xi32>
        %reduce_max3A = arith.constant true
        %reduce_max3A_540 = vector.broadcast %reduce_max3A : i1 to vector<16xi1>
        %reduce_max3A_541 = arith.constant -2147483648 : i32
        %reduce_max3A_542 = vector.broadcast %reduce_max3A_541 : i32 to vector<16xi32>
        %reduce_max3A_543 = arith.xori %select_n3A_539, %reduce_max3A_542 : vector<16xi32>
        %reduce_max3A_544 = tpu.scan <max>, %reduce_max3A_543 masked %reduce_max3A_540 : vector<16xi32>, vector<16xi1> -> vector<16xi32>
        %reduce_max3A_545 = arith.xori %reduce_max3A_544, %reduce_max3A_542 : vector<16xi32>
        %reduce_max3A_546 = vector.extract %reduce_max3A_545[15] : i32 from vector<16xi32>
        %broadcast_in_dim3A_547 = vector.broadcast %reduce_max3A_546 : i32 to vector<16xi32>
        %jit3A_548 = arith.constant -1 : i32
        %broadcast_in_dim3A_549 = vector.broadcast %jit3A_548 : i32 to vector<16xi32>
        %select_n3A_550 = arith.select %eq3A_536, %or3A, %broadcast_in_dim3A_549 : vector<16xi1>, vector<16xi32>
        %reduce_max3A_551 = arith.constant true
        %reduce_max3A_552 = vector.broadcast %reduce_max3A_551 : i1 to vector<16xi1>
        %reduce_max3A_553 = arith.constant -2147483648 : i32
        %reduce_max3A_554 = vector.broadcast %reduce_max3A_553 : i32 to vector<16xi32>
        %reduce_max3A_555 = arith.xori %select_n3A_550, %reduce_max3A_554 : vector<16xi32>
        %reduce_max3A_556 = tpu.scan <max>, %reduce_max3A_555 masked %reduce_max3A_552 : vector<16xi32>, vector<16xi1> -> vector<16xi32>
        %reduce_max3A_557 = arith.xori %reduce_max3A_556, %reduce_max3A_554 : vector<16xi32>
        %reduce_max3A_558 = vector.extract %reduce_max3A_557[15] : i32 from vector<16xi32>
        %broadcast_in_dim3A_559 = vector.broadcast %reduce_max3A_558 : i32 to vector<16xi32>
        %gather3A_560 = tpu.vector_load_idx %arg8[%broadcast_in_dim3A_547] : memref<128xi32, #tpu.memory_space<vmem>>[vector<16xi32>], vector<16xi32>,
        %mul3A_561 = arith.constant 32 : i32
        %mul3A_562 = vector.broadcast %mul3A_561 : i32 to vector<16xi32>
        %mul3A_563 = arith.muli %broadcast_in_dim3A_547, %mul3A_562 : vector<16xi32>
        %add3A_564 = arith.addi %mul3A_563, %gather3A_560 : vector<16xi32>
        tpu.vector_store_idx %arg7[%add3A_564], %broadcast_in_dim3A_559 masked %eq3A_2 : memref<3936xi32, #tpu.memory_space<vmem>>[vector<16xi32>], vector<16xi32>, vector<16xi1>
        %add3A_565 = arith.constant 1 : i32
        %add3A_566 = vector.broadcast %add3A_565 : i32 to vector<16xi32>
        %add3A_567 = arith.addi %gather3A_560, %add3A_566 : vector<16xi32>
        tpu.vector_store_idx %arg8[%broadcast_in_dim3A_547], %add3A_567 masked %eq3A_2 : memref<128xi32, #tpu.memory_space<vmem>>[vector<16xi32>], vector<16xi32>, vector<16xi1>
        %not3A = arith.constant dense<true> : vector<16xi1>
        %not3A_568 = arith.xori %eq3A_536, %not3A : vector<16xi1>
        %and3A_569 = arith.andi %while3A_535, %not3A_568 : vector<16xi1>
        scf.yield %and3A_569 : vector<16xi1>
      }
      %while3A_532 = arith.constant 1 : i32
      %while3A_533 = scf.for %while3A_534 = %while3A_529 to %while3A_525 step %while3A_532 iter_args(%while3A_535 = %while3A_531) -> (vector<16xi1>)  : i32 {
        %all_reduce_ffs3A = tpu.all_reduce %while3A_535 {dim = 0 : i64, kind = #tpu.reduction_kind<find_first_set>} : vector<16xi1> -> vector<16xi32>
        %eq3A_536 = arith.cmpi eq, %iota3A, %all_reduce_ffs3A : vector<16xi32>
        %jit3A_537 = arith.constant -1 : i32
        %broadcast_in_dim3A_538 = vector.broadcast %jit3A_537 : i32 to vector<16xi32>
        %select_n3A_539 = arith.select %eq3A_536, %shift_right_arithmetic3A_508, %broadcast_in_dim3A_538 : vector<16xi1>, vector<16xi32>
        %reduce_max3A = arith.constant true
        %reduce_max3A_540 = vector.broadcast %reduce_max3A : i1 to vector<16xi1>
        %reduce_max3A_541 = arith.constant -2147483648 : i32
        %reduce_max3A_542 = vector.broadcast %reduce_max3A_541 : i32 to vector<16xi32>
        %reduce_max3A_543 = arith.xori %select_n3A_539, %reduce_max3A_542 : vector<16xi32>
        %reduce_max3A_544 = tpu.scan <max>, %reduce_max3A_543 masked %reduce_max3A_540 : vector<16xi32>, vector<16xi1> -> vector<16xi32>
        %reduce_max3A_545 = arith.xori %reduce_max3A_544, %reduce_max3A_542 : vector<16xi32>
        %reduce_max3A_546 = vector.extract %reduce_max3A_545[15] : i32 from vector<16xi32>
        %broadcast_in_dim3A_547 = vector.broadcast %reduce_max3A_546 : i32 to vector<16xi32>
        %jit3A_548 = arith.constant -1 : i32
        %broadcast_in_dim3A_549 = vector.broadcast %jit3A_548 : i32 to vector<16xi32>
        %select_n3A_550 = arith.select %eq3A_536, %or3A, %broadcast_in_dim3A_549 : vector<16xi1>, vector<16xi32>
        %reduce_max3A_551 = arith.constant true
        %reduce_max3A_552 = vector.broadcast %reduce_max3A_551 : i1 to vector<16xi1>
        %reduce_max3A_553 = arith.constant -2147483648 : i32
        %reduce_max3A_554 = vector.broadcast %reduce_max3A_553 : i32 to vector<16xi32>
        %reduce_max3A_555 = arith.xori %select_n3A_550, %reduce_max3A_554 : vector<16xi32>
        %reduce_max3A_556 = tpu.scan <max>, %reduce_max3A_555 masked %reduce_max3A_552 : vector<16xi32>, vector<16xi1> -> vector<16xi32>
        %reduce_max3A_557 = arith.xori %reduce_max3A_556, %reduce_max3A_554 : vector<16xi32>
        %reduce_max3A_558 = vector.extract %reduce_max3A_557[15] : i32 from vector<16xi32>
        %broadcast_in_dim3A_559 = vector.broadcast %reduce_max3A_558 : i32 to vector<16xi32>
        %gather3A_560 = tpu.vector_load_idx %arg8[%broadcast_in_dim3A_547] : memref<128xi32, #tpu.memory_space<vmem>>[vector<16xi32>], vector<16xi32>,
        %mul3A_561 = arith.constant 32 : i32
        %mul3A_562 = vector.broadcast %mul3A_561 : i32 to vector<16xi32>
        %mul3A_563 = arith.muli %broadcast_in_dim3A_547, %mul3A_562 : vector<16xi32>
        %add3A_564 = arith.addi %mul3A_563, %gather3A_560 : vector<16xi32>
        tpu.vector_store_idx %arg7[%add3A_564], %broadcast_in_dim3A_559 masked %eq3A_2 : memref<3936xi32, #tpu.memory_space<vmem>>[vector<16xi32>], vector<16xi32>, vector<16xi1>
        %add3A_565 = arith.constant 1 : i32
        %add3A_566 = vector.broadcast %add3A_565 : i32 to vector<16xi32>
        %add3A_567 = arith.addi %gather3A_560, %add3A_566 : vector<16xi32>
        tpu.vector_store_idx %arg8[%broadcast_in_dim3A_547], %add3A_567 masked %eq3A_2 : memref<128xi32, #tpu.memory_space<vmem>>[vector<16xi32>], vector<16xi32>, vector<16xi1>
        %not3A = arith.constant dense<true> : vector<16xi1>
        %not3A_568 = arith.xori %eq3A_536, %not3A : vector<16xi1>
        %and3A_569 = arith.andi %while3A_535, %not3A_568 : vector<16xi1>
        scf.yield %and3A_569 : vector<16xi1>
      }
    }
    %scan3A_335 = arith.constant 128 : i32
    "tpu.region"() ({
      %run_scoped3A = tpu.sem_alloc : memref<!tpu.dma_semaphore, #tpu.memory_space<semaphore_mem>>
      %dma_start3A_490 = arith.constant 8192 : i32
      %dma_start3A_491 = tpu.memref_slice %arg2[%dma_start3A_490] : memref<16384xi32, #tpu.memory_space<hbm>> -> memref<2048xi32, #tpu.memory_space<hbm>>
      %dma_start3A_492 = arith.constant 8192 : i32
      %dma_start3A_493 = tpu.memref_slice %arg2[%dma_start3A_492] : memref<16384xi32, #tpu.memory_space<hbm>> -> memref<2048xi32, #tpu.memory_space<hbm>>
      tpu.enqueue_dma source(%dma_start3A_493 : memref<2048xi32, #tpu.memory_space<hbm>>) target(%arg6 : memref<2048xi32, #tpu.memory_space<vmem>>) target_semaphore(%run_scoped3A : memref<!tpu.dma_semaphore, #tpu.memory_space<semaphore_mem>>)
      %dma_wait3A_494 = arith.constant 8192 : i32
      %dma_wait3A_495 = tpu.memref_slice %arg2[%dma_wait3A_494] : memref<16384xi32, #tpu.memory_space<hbm>> -> memref<2048xi32, #tpu.memory_space<hbm>>
      %dma_wait3A_496 = arith.constant 8192 : i32
      %dma_wait3A_497 = tpu.memref_slice %arg2[%dma_wait3A_496] : memref<16384xi32, #tpu.memory_space<hbm>> -> memref<2048xi32, #tpu.memory_space<hbm>>
      tpu.wait_dma2 semaphore(%run_scoped3A : memref<!tpu.dma_semaphore, #tpu.memory_space<semaphore_mem>>) src(%dma_wait3A_497 : memref<2048xi32, #tpu.memory_space<hbm>>) dst(%arg6 : memref<2048xi32, #tpu.memory_space<vmem>>)
      tpu.yield
    }) : () -> ()
    %scan3A_336 = arith.constant 0 : i32
    %scan3A_337 = arith.constant 512 : i32
    %scan3A_338 = arith.constant 128 : i32
    %scan3A_339 = arith.addi %scan3A_337, %scan3A_338 : i32
    %scan3A_340 = arith.constant 1 : i32
    scf.for %scan3A_490 = %scan3A_337 to %scan3A_339 step %scan3A_340  : i32 {
      %and3A = arith.constant 127 : i32
      %and3A_491 = arith.andi %scan3A_490, %and3A : i32
      %mul3A_492 = arith.constant 16 : i32
      %mul3A_493 = arith.muli %and3A_491, %mul3A_492 : i32
      %add3A_494 = vector.broadcast %mul3A_493 : i32 to vector<16xi32>
      %add3A_495 = arith.addi %add3A_494, %iota3A : vector<16xi32>
      %gather3A = tpu.vector_load_idx %arg6[%add3A_495] : memref<2048xi32, #tpu.memory_space<vmem>>[vector<16xi32>], vector<16xi32>,
      %shift_right_arithmetic3A = arith.constant 8 : i32
      %shift_right_arithmetic3A_496 = vector.broadcast %shift_right_arithmetic3A : i32 to vector<16xi32>
      %shift_right_arithmetic3A_497 = arith.shrsi %gather3A, %shift_right_arithmetic3A_496 : vector<16xi32>
      %and3A_498 = arith.constant 255 : i32
      %and3A_499 = vector.broadcast %and3A_498 : i32 to vector<16xi32>
      %and3A_500 = arith.andi %gather3A, %and3A_499 : vector<16xi32>
      %and3A_501 = arith.constant 31 : i32
      %and3A_502 = vector.broadcast %and3A_501 : i32 to vector<16xi32>
      %and3A_503 = arith.andi %shift_right_arithmetic3A_497, %and3A_502 : vector<16xi32>
      %eq3A_504 = vector.broadcast %add3A : i32 to vector<16xi32>
      %eq3A_505 = arith.cmpi eq, %and3A_503, %eq3A_504 : vector<16xi32>
      %shift_right_arithmetic3A_506 = arith.constant 5 : i32
      %shift_right_arithmetic3A_507 = vector.broadcast %shift_right_arithmetic3A_506 : i32 to vector<16xi32>
      %shift_right_arithmetic3A_508 = arith.shrsi %shift_right_arithmetic3A_497, %shift_right_arithmetic3A_507 : vector<16xi32>
      %mul3A_509 = arith.constant 16 : i32
      %mul3A_510 = arith.muli %scan3A_490, %mul3A_509 : i32
      %add3A_511 = vector.broadcast %mul3A_510 : i32 to vector<16xi32>
      %add3A_512 = arith.addi %add3A_511, %iota3A : vector<16xi32>
      %shift_left3A = arith.constant 8 : i32
      %shift_left3A_513 = vector.broadcast %shift_left3A : i32 to vector<16xi32>
      %shift_left3A_514 = arith.shli %add3A_512, %shift_left3A_513 : vector<16xi32>
      %or3A = arith.ori %shift_left3A_514, %and3A_500 : vector<16xi32>
      %jit3A_515 = arith.constant 1 : i32
      %jit3A_516 = arith.constant 0 : i32
      %broadcast_in_dim3A_517 = vector.broadcast %jit3A_515 : i32 to vector<16xi32>
      %broadcast_in_dim3A_518 = vector.broadcast %jit3A_516 : i32 to vector<16xi32>
      %select_n3A_519 = arith.select %eq3A_505, %broadcast_in_dim3A_517, %broadcast_in_dim3A_518 : vector<16xi1>, vector<16xi32>
      %reduce_sum3A = arith.constant true
      %reduce_sum3A_520 = vector.broadcast %reduce_sum3A : i1 to vector<16xi1>
      %reduce_sum3A_521 = tpu.scan <sum>, %select_n3A_519 masked %reduce_sum3A_520 : vector<16xi32>, vector<16xi1> -> vector<16xi32>
      %reduce_sum3A_522 = vector.extract %reduce_sum3A_521[15] : i32 from vector<16xi32>
      %while3A_523 = arith.constant 0 : i32
      %while3A_524 = arith.subi %reduce_sum3A_522, %while3A_523 : i32
      %while3A_525 = arith.addi %while3A_523, %while3A_524 : i32
      %while3A_526 = arith.constant 1 : i32
      %while3A_527 = arith.divsi %while3A_524, %while3A_526 : i32
      %while3A_528 = arith.muli %while3A_527, %while3A_526 : i32
      %while3A_529 = arith.addi %while3A_523, %while3A_528 : i32
      %while3A_530 = arith.constant 1 : i32
      %while3A_531 = scf.for %while3A_534 = %while3A_523 to %while3A_529 step %while3A_530 iter_args(%while3A_535 = %eq3A_505) -> (vector<16xi1>)  : i32 {
        %all_reduce_ffs3A = tpu.all_reduce %while3A_535 {dim = 0 : i64, kind = #tpu.reduction_kind<find_first_set>} : vector<16xi1> -> vector<16xi32>
        %eq3A_536 = arith.cmpi eq, %iota3A, %all_reduce_ffs3A : vector<16xi32>
        %jit3A_537 = arith.constant -1 : i32
        %broadcast_in_dim3A_538 = vector.broadcast %jit3A_537 : i32 to vector<16xi32>
        %select_n3A_539 = arith.select %eq3A_536, %shift_right_arithmetic3A_508, %broadcast_in_dim3A_538 : vector<16xi1>, vector<16xi32>
        %reduce_max3A = arith.constant true
        %reduce_max3A_540 = vector.broadcast %reduce_max3A : i1 to vector<16xi1>
        %reduce_max3A_541 = arith.constant -2147483648 : i32
        %reduce_max3A_542 = vector.broadcast %reduce_max3A_541 : i32 to vector<16xi32>
        %reduce_max3A_543 = arith.xori %select_n3A_539, %reduce_max3A_542 : vector<16xi32>
        %reduce_max3A_544 = tpu.scan <max>, %reduce_max3A_543 masked %reduce_max3A_540 : vector<16xi32>, vector<16xi1> -> vector<16xi32>
        %reduce_max3A_545 = arith.xori %reduce_max3A_544, %reduce_max3A_542 : vector<16xi32>
        %reduce_max3A_546 = vector.extract %reduce_max3A_545[15] : i32 from vector<16xi32>
        %broadcast_in_dim3A_547 = vector.broadcast %reduce_max3A_546 : i32 to vector<16xi32>
        %jit3A_548 = arith.constant -1 : i32
        %broadcast_in_dim3A_549 = vector.broadcast %jit3A_548 : i32 to vector<16xi32>
        %select_n3A_550 = arith.select %eq3A_536, %or3A, %broadcast_in_dim3A_549 : vector<16xi1>, vector<16xi32>
        %reduce_max3A_551 = arith.constant true
        %reduce_max3A_552 = vector.broadcast %reduce_max3A_551 : i1 to vector<16xi1>
        %reduce_max3A_553 = arith.constant -2147483648 : i32
        %reduce_max3A_554 = vector.broadcast %reduce_max3A_553 : i32 to vector<16xi32>
        %reduce_max3A_555 = arith.xori %select_n3A_550, %reduce_max3A_554 : vector<16xi32>
        %reduce_max3A_556 = tpu.scan <max>, %reduce_max3A_555 masked %reduce_max3A_552 : vector<16xi32>, vector<16xi1> -> vector<16xi32>
        %reduce_max3A_557 = arith.xori %reduce_max3A_556, %reduce_max3A_554 : vector<16xi32>
        %reduce_max3A_558 = vector.extract %reduce_max3A_557[15] : i32 from vector<16xi32>
        %broadcast_in_dim3A_559 = vector.broadcast %reduce_max3A_558 : i32 to vector<16xi32>
        %gather3A_560 = tpu.vector_load_idx %arg8[%broadcast_in_dim3A_547] : memref<128xi32, #tpu.memory_space<vmem>>[vector<16xi32>], vector<16xi32>,
        %mul3A_561 = arith.constant 32 : i32
        %mul3A_562 = vector.broadcast %mul3A_561 : i32 to vector<16xi32>
        %mul3A_563 = arith.muli %broadcast_in_dim3A_547, %mul3A_562 : vector<16xi32>
        %add3A_564 = arith.addi %mul3A_563, %gather3A_560 : vector<16xi32>
        tpu.vector_store_idx %arg7[%add3A_564], %broadcast_in_dim3A_559 masked %eq3A_2 : memref<3936xi32, #tpu.memory_space<vmem>>[vector<16xi32>], vector<16xi32>, vector<16xi1>
        %add3A_565 = arith.constant 1 : i32
        %add3A_566 = vector.broadcast %add3A_565 : i32 to vector<16xi32>
        %add3A_567 = arith.addi %gather3A_560, %add3A_566 : vector<16xi32>
        tpu.vector_store_idx %arg8[%broadcast_in_dim3A_547], %add3A_567 masked %eq3A_2 : memref<128xi32, #tpu.memory_space<vmem>>[vector<16xi32>], vector<16xi32>, vector<16xi1>
        %not3A = arith.constant dense<true> : vector<16xi1>
        %not3A_568 = arith.xori %eq3A_536, %not3A : vector<16xi1>
        %and3A_569 = arith.andi %while3A_535, %not3A_568 : vector<16xi1>
        scf.yield %and3A_569 : vector<16xi1>
      }
      %while3A_532 = arith.constant 1 : i32
      %while3A_533 = scf.for %while3A_534 = %while3A_529 to %while3A_525 step %while3A_532 iter_args(%while3A_535 = %while3A_531) -> (vector<16xi1>)  : i32 {
        %all_reduce_ffs3A = tpu.all_reduce %while3A_535 {dim = 0 : i64, kind = #tpu.reduction_kind<find_first_set>} : vector<16xi1> -> vector<16xi32>
        %eq3A_536 = arith.cmpi eq, %iota3A, %all_reduce_ffs3A : vector<16xi32>
        %jit3A_537 = arith.constant -1 : i32
        %broadcast_in_dim3A_538 = vector.broadcast %jit3A_537 : i32 to vector<16xi32>
        %select_n3A_539 = arith.select %eq3A_536, %shift_right_arithmetic3A_508, %broadcast_in_dim3A_538 : vector<16xi1>, vector<16xi32>
        %reduce_max3A = arith.constant true
        %reduce_max3A_540 = vector.broadcast %reduce_max3A : i1 to vector<16xi1>
        %reduce_max3A_541 = arith.constant -2147483648 : i32
        %reduce_max3A_542 = vector.broadcast %reduce_max3A_541 : i32 to vector<16xi32>
        %reduce_max3A_543 = arith.xori %select_n3A_539, %reduce_max3A_542 : vector<16xi32>
        %reduce_max3A_544 = tpu.scan <max>, %reduce_max3A_543 masked %reduce_max3A_540 : vector<16xi32>, vector<16xi1> -> vector<16xi32>
        %reduce_max3A_545 = arith.xori %reduce_max3A_544, %reduce_max3A_542 : vector<16xi32>
        %reduce_max3A_546 = vector.extract %reduce_max3A_545[15] : i32 from vector<16xi32>
        %broadcast_in_dim3A_547 = vector.broadcast %reduce_max3A_546 : i32 to vector<16xi32>
        %jit3A_548 = arith.constant -1 : i32
        %broadcast_in_dim3A_549 = vector.broadcast %jit3A_548 : i32 to vector<16xi32>
        %select_n3A_550 = arith.select %eq3A_536, %or3A, %broadcast_in_dim3A_549 : vector<16xi1>, vector<16xi32>
        %reduce_max3A_551 = arith.constant true
        %reduce_max3A_552 = vector.broadcast %reduce_max3A_551 : i1 to vector<16xi1>
        %reduce_max3A_553 = arith.constant -2147483648 : i32
        %reduce_max3A_554 = vector.broadcast %reduce_max3A_553 : i32 to vector<16xi32>
        %reduce_max3A_555 = arith.xori %select_n3A_550, %reduce_max3A_554 : vector<16xi32>
        %reduce_max3A_556 = tpu.scan <max>, %reduce_max3A_555 masked %reduce_max3A_552 : vector<16xi32>, vector<16xi1> -> vector<16xi32>
        %reduce_max3A_557 = arith.xori %reduce_max3A_556, %reduce_max3A_554 : vector<16xi32>
        %reduce_max3A_558 = vector.extract %reduce_max3A_557[15] : i32 from vector<16xi32>
        %broadcast_in_dim3A_559 = vector.broadcast %reduce_max3A_558 : i32 to vector<16xi32>
        %gather3A_560 = tpu.vector_load_idx %arg8[%broadcast_in_dim3A_547] : memref<128xi32, #tpu.memory_space<vmem>>[vector<16xi32>], vector<16xi32>,
        %mul3A_561 = arith.constant 32 : i32
        %mul3A_562 = vector.broadcast %mul3A_561 : i32 to vector<16xi32>
        %mul3A_563 = arith.muli %broadcast_in_dim3A_547, %mul3A_562 : vector<16xi32>
        %add3A_564 = arith.addi %mul3A_563, %gather3A_560 : vector<16xi32>
        tpu.vector_store_idx %arg7[%add3A_564], %broadcast_in_dim3A_559 masked %eq3A_2 : memref<3936xi32, #tpu.memory_space<vmem>>[vector<16xi32>], vector<16xi32>, vector<16xi1>
        %add3A_565 = arith.constant 1 : i32
        %add3A_566 = vector.broadcast %add3A_565 : i32 to vector<16xi32>
        %add3A_567 = arith.addi %gather3A_560, %add3A_566 : vector<16xi32>
        tpu.vector_store_idx %arg8[%broadcast_in_dim3A_547], %add3A_567 masked %eq3A_2 : memref<128xi32, #tpu.memory_space<vmem>>[vector<16xi32>], vector<16xi32>, vector<16xi1>
        %not3A = arith.constant dense<true> : vector<16xi1>
        %not3A_568 = arith.xori %eq3A_536, %not3A : vector<16xi1>
        %and3A_569 = arith.andi %while3A_535, %not3A_568 : vector<16xi1>
        scf.yield %and3A_569 : vector<16xi1>
      }
    }
    %scan3A_341 = arith.constant 128 : i32
    "tpu.region"() ({
      %run_scoped3A = tpu.sem_alloc : memref<!tpu.dma_semaphore, #tpu.memory_space<semaphore_mem>>
      %dma_start3A_490 = arith.constant 10240 : i32
      %dma_start3A_491 = tpu.memref_slice %arg2[%dma_start3A_490] : memref<16384xi32, #tpu.memory_space<hbm>> -> memref<2048xi32, #tpu.memory_space<hbm>>
      %dma_start3A_492 = arith.constant 10240 : i32
      %dma_start3A_493 = tpu.memref_slice %arg2[%dma_start3A_492] : memref<16384xi32, #tpu.memory_space<hbm>> -> memref<2048xi32, #tpu.memory_space<hbm>>
      tpu.enqueue_dma source(%dma_start3A_493 : memref<2048xi32, #tpu.memory_space<hbm>>) target(%arg6 : memref<2048xi32, #tpu.memory_space<vmem>>) target_semaphore(%run_scoped3A : memref<!tpu.dma_semaphore, #tpu.memory_space<semaphore_mem>>)
      %dma_wait3A_494 = arith.constant 10240 : i32
      %dma_wait3A_495 = tpu.memref_slice %arg2[%dma_wait3A_494] : memref<16384xi32, #tpu.memory_space<hbm>> -> memref<2048xi32, #tpu.memory_space<hbm>>
      %dma_wait3A_496 = arith.constant 10240 : i32
      %dma_wait3A_497 = tpu.memref_slice %arg2[%dma_wait3A_496] : memref<16384xi32, #tpu.memory_space<hbm>> -> memref<2048xi32, #tpu.memory_space<hbm>>
      tpu.wait_dma2 semaphore(%run_scoped3A : memref<!tpu.dma_semaphore, #tpu.memory_space<semaphore_mem>>) src(%dma_wait3A_497 : memref<2048xi32, #tpu.memory_space<hbm>>) dst(%arg6 : memref<2048xi32, #tpu.memory_space<vmem>>)
      tpu.yield
    }) : () -> ()
    %scan3A_342 = arith.constant 0 : i32
    %scan3A_343 = arith.constant 640 : i32
    %scan3A_344 = arith.constant 128 : i32
    %scan3A_345 = arith.addi %scan3A_343, %scan3A_344 : i32
    %scan3A_346 = arith.constant 1 : i32
    scf.for %scan3A_490 = %scan3A_343 to %scan3A_345 step %scan3A_346  : i32 {
      %and3A = arith.constant 127 : i32
      %and3A_491 = arith.andi %scan3A_490, %and3A : i32
      %mul3A_492 = arith.constant 16 : i32
      %mul3A_493 = arith.muli %and3A_491, %mul3A_492 : i32
      %add3A_494 = vector.broadcast %mul3A_493 : i32 to vector<16xi32>
      %add3A_495 = arith.addi %add3A_494, %iota3A : vector<16xi32>
      %gather3A = tpu.vector_load_idx %arg6[%add3A_495] : memref<2048xi32, #tpu.memory_space<vmem>>[vector<16xi32>], vector<16xi32>,
      %shift_right_arithmetic3A = arith.constant 8 : i32
      %shift_right_arithmetic3A_496 = vector.broadcast %shift_right_arithmetic3A : i32 to vector<16xi32>
      %shift_right_arithmetic3A_497 = arith.shrsi %gather3A, %shift_right_arithmetic3A_496 : vector<16xi32>
      %and3A_498 = arith.constant 255 : i32
      %and3A_499 = vector.broadcast %and3A_498 : i32 to vector<16xi32>
      %and3A_500 = arith.andi %gather3A, %and3A_499 : vector<16xi32>
      %and3A_501 = arith.constant 31 : i32
      %and3A_502 = vector.broadcast %and3A_501 : i32 to vector<16xi32>
      %and3A_503 = arith.andi %shift_right_arithmetic3A_497, %and3A_502 : vector<16xi32>
      %eq3A_504 = vector.broadcast %add3A : i32 to vector<16xi32>
      %eq3A_505 = arith.cmpi eq, %and3A_503, %eq3A_504 : vector<16xi32>
      %shift_right_arithmetic3A_506 = arith.constant 5 : i32
      %shift_right_arithmetic3A_507 = vector.broadcast %shift_right_arithmetic3A_506 : i32 to vector<16xi32>
      %shift_right_arithmetic3A_508 = arith.shrsi %shift_right_arithmetic3A_497, %shift_right_arithmetic3A_507 : vector<16xi32>
      %mul3A_509 = arith.constant 16 : i32
      %mul3A_510 = arith.muli %scan3A_490, %mul3A_509 : i32
      %add3A_511 = vector.broadcast %mul3A_510 : i32 to vector<16xi32>
      %add3A_512 = arith.addi %add3A_511, %iota3A : vector<16xi32>
      %shift_left3A = arith.constant 8 : i32
      %shift_left3A_513 = vector.broadcast %shift_left3A : i32 to vector<16xi32>
      %shift_left3A_514 = arith.shli %add3A_512, %shift_left3A_513 : vector<16xi32>
      %or3A = arith.ori %shift_left3A_514, %and3A_500 : vector<16xi32>
      %jit3A_515 = arith.constant 1 : i32
      %jit3A_516 = arith.constant 0 : i32
      %broadcast_in_dim3A_517 = vector.broadcast %jit3A_515 : i32 to vector<16xi32>
      %broadcast_in_dim3A_518 = vector.broadcast %jit3A_516 : i32 to vector<16xi32>
      %select_n3A_519 = arith.select %eq3A_505, %broadcast_in_dim3A_517, %broadcast_in_dim3A_518 : vector<16xi1>, vector<16xi32>
      %reduce_sum3A = arith.constant true
      %reduce_sum3A_520 = vector.broadcast %reduce_sum3A : i1 to vector<16xi1>
      %reduce_sum3A_521 = tpu.scan <sum>, %select_n3A_519 masked %reduce_sum3A_520 : vector<16xi32>, vector<16xi1> -> vector<16xi32>
      %reduce_sum3A_522 = vector.extract %reduce_sum3A_521[15] : i32 from vector<16xi32>
      %while3A_523 = arith.constant 0 : i32
      %while3A_524 = arith.subi %reduce_sum3A_522, %while3A_523 : i32
      %while3A_525 = arith.addi %while3A_523, %while3A_524 : i32
      %while3A_526 = arith.constant 1 : i32
      %while3A_527 = arith.divsi %while3A_524, %while3A_526 : i32
      %while3A_528 = arith.muli %while3A_527, %while3A_526 : i32
      %while3A_529 = arith.addi %while3A_523, %while3A_528 : i32
      %while3A_530 = arith.constant 1 : i32
      %while3A_531 = scf.for %while3A_534 = %while3A_523 to %while3A_529 step %while3A_530 iter_args(%while3A_535 = %eq3A_505) -> (vector<16xi1>)  : i32 {
        %all_reduce_ffs3A = tpu.all_reduce %while3A_535 {dim = 0 : i64, kind = #tpu.reduction_kind<find_first_set>} : vector<16xi1> -> vector<16xi32>
        %eq3A_536 = arith.cmpi eq, %iota3A, %all_reduce_ffs3A : vector<16xi32>
        %jit3A_537 = arith.constant -1 : i32
        %broadcast_in_dim3A_538 = vector.broadcast %jit3A_537 : i32 to vector<16xi32>
        %select_n3A_539 = arith.select %eq3A_536, %shift_right_arithmetic3A_508, %broadcast_in_dim3A_538 : vector<16xi1>, vector<16xi32>
        %reduce_max3A = arith.constant true
        %reduce_max3A_540 = vector.broadcast %reduce_max3A : i1 to vector<16xi1>
        %reduce_max3A_541 = arith.constant -2147483648 : i32
        %reduce_max3A_542 = vector.broadcast %reduce_max3A_541 : i32 to vector<16xi32>
        %reduce_max3A_543 = arith.xori %select_n3A_539, %reduce_max3A_542 : vector<16xi32>
        %reduce_max3A_544 = tpu.scan <max>, %reduce_max3A_543 masked %reduce_max3A_540 : vector<16xi32>, vector<16xi1> -> vector<16xi32>
        %reduce_max3A_545 = arith.xori %reduce_max3A_544, %reduce_max3A_542 : vector<16xi32>
        %reduce_max3A_546 = vector.extract %reduce_max3A_545[15] : i32 from vector<16xi32>
        %broadcast_in_dim3A_547 = vector.broadcast %reduce_max3A_546 : i32 to vector<16xi32>
        %jit3A_548 = arith.constant -1 : i32
        %broadcast_in_dim3A_549 = vector.broadcast %jit3A_548 : i32 to vector<16xi32>
        %select_n3A_550 = arith.select %eq3A_536, %or3A, %broadcast_in_dim3A_549 : vector<16xi1>, vector<16xi32>
        %reduce_max3A_551 = arith.constant true
        %reduce_max3A_552 = vector.broadcast %reduce_max3A_551 : i1 to vector<16xi1>
        %reduce_max3A_553 = arith.constant -2147483648 : i32
        %reduce_max3A_554 = vector.broadcast %reduce_max3A_553 : i32 to vector<16xi32>
        %reduce_max3A_555 = arith.xori %select_n3A_550, %reduce_max3A_554 : vector<16xi32>
        %reduce_max3A_556 = tpu.scan <max>, %reduce_max3A_555 masked %reduce_max3A_552 : vector<16xi32>, vector<16xi1> -> vector<16xi32>
        %reduce_max3A_557 = arith.xori %reduce_max3A_556, %reduce_max3A_554 : vector<16xi32>
        %reduce_max3A_558 = vector.extract %reduce_max3A_557[15] : i32 from vector<16xi32>
        %broadcast_in_dim3A_559 = vector.broadcast %reduce_max3A_558 : i32 to vector<16xi32>
        %gather3A_560 = tpu.vector_load_idx %arg8[%broadcast_in_dim3A_547] : memref<128xi32, #tpu.memory_space<vmem>>[vector<16xi32>], vector<16xi32>,
        %mul3A_561 = arith.constant 32 : i32
        %mul3A_562 = vector.broadcast %mul3A_561 : i32 to vector<16xi32>
        %mul3A_563 = arith.muli %broadcast_in_dim3A_547, %mul3A_562 : vector<16xi32>
        %add3A_564 = arith.addi %mul3A_563, %gather3A_560 : vector<16xi32>
        tpu.vector_store_idx %arg7[%add3A_564], %broadcast_in_dim3A_559 masked %eq3A_2 : memref<3936xi32, #tpu.memory_space<vmem>>[vector<16xi32>], vector<16xi32>, vector<16xi1>
        %add3A_565 = arith.constant 1 : i32
        %add3A_566 = vector.broadcast %add3A_565 : i32 to vector<16xi32>
        %add3A_567 = arith.addi %gather3A_560, %add3A_566 : vector<16xi32>
        tpu.vector_store_idx %arg8[%broadcast_in_dim3A_547], %add3A_567 masked %eq3A_2 : memref<128xi32, #tpu.memory_space<vmem>>[vector<16xi32>], vector<16xi32>, vector<16xi1>
        %not3A = arith.constant dense<true> : vector<16xi1>
        %not3A_568 = arith.xori %eq3A_536, %not3A : vector<16xi1>
        %and3A_569 = arith.andi %while3A_535, %not3A_568 : vector<16xi1>
        scf.yield %and3A_569 : vector<16xi1>
      }
      %while3A_532 = arith.constant 1 : i32
      %while3A_533 = scf.for %while3A_534 = %while3A_529 to %while3A_525 step %while3A_532 iter_args(%while3A_535 = %while3A_531) -> (vector<16xi1>)  : i32 {
        %all_reduce_ffs3A = tpu.all_reduce %while3A_535 {dim = 0 : i64, kind = #tpu.reduction_kind<find_first_set>} : vector<16xi1> -> vector<16xi32>
        %eq3A_536 = arith.cmpi eq, %iota3A, %all_reduce_ffs3A : vector<16xi32>
        %jit3A_537 = arith.constant -1 : i32
        %broadcast_in_dim3A_538 = vector.broadcast %jit3A_537 : i32 to vector<16xi32>
        %select_n3A_539 = arith.select %eq3A_536, %shift_right_arithmetic3A_508, %broadcast_in_dim3A_538 : vector<16xi1>, vector<16xi32>
        %reduce_max3A = arith.constant true
        %reduce_max3A_540 = vector.broadcast %reduce_max3A : i1 to vector<16xi1>
        %reduce_max3A_541 = arith.constant -2147483648 : i32
        %reduce_max3A_542 = vector.broadcast %reduce_max3A_541 : i32 to vector<16xi32>
        %reduce_max3A_543 = arith.xori %select_n3A_539, %reduce_max3A_542 : vector<16xi32>
        %reduce_max3A_544 = tpu.scan <max>, %reduce_max3A_543 masked %reduce_max3A_540 : vector<16xi32>, vector<16xi1> -> vector<16xi32>
        %reduce_max3A_545 = arith.xori %reduce_max3A_544, %reduce_max3A_542 : vector<16xi32>
        %reduce_max3A_546 = vector.extract %reduce_max3A_545[15] : i32 from vector<16xi32>
        %broadcast_in_dim3A_547 = vector.broadcast %reduce_max3A_546 : i32 to vector<16xi32>
        %jit3A_548 = arith.constant -1 : i32
        %broadcast_in_dim3A_549 = vector.broadcast %jit3A_548 : i32 to vector<16xi32>
        %select_n3A_550 = arith.select %eq3A_536, %or3A, %broadcast_in_dim3A_549 : vector<16xi1>, vector<16xi32>
        %reduce_max3A_551 = arith.constant true
        %reduce_max3A_552 = vector.broadcast %reduce_max3A_551 : i1 to vector<16xi1>
        %reduce_max3A_553 = arith.constant -2147483648 : i32
        %reduce_max3A_554 = vector.broadcast %reduce_max3A_553 : i32 to vector<16xi32>
        %reduce_max3A_555 = arith.xori %select_n3A_550, %reduce_max3A_554 : vector<16xi32>
        %reduce_max3A_556 = tpu.scan <max>, %reduce_max3A_555 masked %reduce_max3A_552 : vector<16xi32>, vector<16xi1> -> vector<16xi32>
        %reduce_max3A_557 = arith.xori %reduce_max3A_556, %reduce_max3A_554 : vector<16xi32>
        %reduce_max3A_558 = vector.extract %reduce_max3A_557[15] : i32 from vector<16xi32>
        %broadcast_in_dim3A_559 = vector.broadcast %reduce_max3A_558 : i32 to vector<16xi32>
        %gather3A_560 = tpu.vector_load_idx %arg8[%broadcast_in_dim3A_547] : memref<128xi32, #tpu.memory_space<vmem>>[vector<16xi32>], vector<16xi32>,
        %mul3A_561 = arith.constant 32 : i32
        %mul3A_562 = vector.broadcast %mul3A_561 : i32 to vector<16xi32>
        %mul3A_563 = arith.muli %broadcast_in_dim3A_547, %mul3A_562 : vector<16xi32>
        %add3A_564 = arith.addi %mul3A_563, %gather3A_560 : vector<16xi32>
        tpu.vector_store_idx %arg7[%add3A_564], %broadcast_in_dim3A_559 masked %eq3A_2 : memref<3936xi32, #tpu.memory_space<vmem>>[vector<16xi32>], vector<16xi32>, vector<16xi1>
        %add3A_565 = arith.constant 1 : i32
        %add3A_566 = vector.broadcast %add3A_565 : i32 to vector<16xi32>
        %add3A_567 = arith.addi %gather3A_560, %add3A_566 : vector<16xi32>
        tpu.vector_store_idx %arg8[%broadcast_in_dim3A_547], %add3A_567 masked %eq3A_2 : memref<128xi32, #tpu.memory_space<vmem>>[vector<16xi32>], vector<16xi32>, vector<16xi1>
        %not3A = arith.constant dense<true> : vector<16xi1>
        %not3A_568 = arith.xori %eq3A_536, %not3A : vector<16xi1>
        %and3A_569 = arith.andi %while3A_535, %not3A_568 : vector<16xi1>
        scf.yield %and3A_569 : vector<16xi1>
      }
    }
    %scan3A_347 = arith.constant 128 : i32
    "tpu.region"() ({
      %run_scoped3A = tpu.sem_alloc : memref<!tpu.dma_semaphore, #tpu.memory_space<semaphore_mem>>
      %dma_start3A_490 = arith.constant 12288 : i32
      %dma_start3A_491 = tpu.memref_slice %arg2[%dma_start3A_490] : memref<16384xi32, #tpu.memory_space<hbm>> -> memref<2048xi32, #tpu.memory_space<hbm>>
      %dma_start3A_492 = arith.constant 12288 : i32
      %dma_start3A_493 = tpu.memref_slice %arg2[%dma_start3A_492] : memref<16384xi32, #tpu.memory_space<hbm>> -> memref<2048xi32, #tpu.memory_space<hbm>>
      tpu.enqueue_dma source(%dma_start3A_493 : memref<2048xi32, #tpu.memory_space<hbm>>) target(%arg6 : memref<2048xi32, #tpu.memory_space<vmem>>) target_semaphore(%run_scoped3A : memref<!tpu.dma_semaphore, #tpu.memory_space<semaphore_mem>>)
      %dma_wait3A_494 = arith.constant 12288 : i32
      %dma_wait3A_495 = tpu.memref_slice %arg2[%dma_wait3A_494] : memref<16384xi32, #tpu.memory_space<hbm>> -> memref<2048xi32, #tpu.memory_space<hbm>>
      %dma_wait3A_496 = arith.constant 12288 : i32
      %dma_wait3A_497 = tpu.memref_slice %arg2[%dma_wait3A_496] : memref<16384xi32, #tpu.memory_space<hbm>> -> memref<2048xi32, #tpu.memory_space<hbm>>
      tpu.wait_dma2 semaphore(%run_scoped3A : memref<!tpu.dma_semaphore, #tpu.memory_space<semaphore_mem>>) src(%dma_wait3A_497 : memref<2048xi32, #tpu.memory_space<hbm>>) dst(%arg6 : memref<2048xi32, #tpu.memory_space<vmem>>)
      tpu.yield
    }) : () -> ()
    %scan3A_348 = arith.constant 0 : i32
    %scan3A_349 = arith.constant 768 : i32
    %scan3A_350 = arith.constant 128 : i32
    %scan3A_351 = arith.addi %scan3A_349, %scan3A_350 : i32
    %scan3A_352 = arith.constant 1 : i32
    scf.for %scan3A_490 = %scan3A_349 to %scan3A_351 step %scan3A_352  : i32 {
      %and3A = arith.constant 127 : i32
      %and3A_491 = arith.andi %scan3A_490, %and3A : i32
      %mul3A_492 = arith.constant 16 : i32
      %mul3A_493 = arith.muli %and3A_491, %mul3A_492 : i32
      %add3A_494 = vector.broadcast %mul3A_493 : i32 to vector<16xi32>
      %add3A_495 = arith.addi %add3A_494, %iota3A : vector<16xi32>
      %gather3A = tpu.vector_load_idx %arg6[%add3A_495] : memref<2048xi32, #tpu.memory_space<vmem>>[vector<16xi32>], vector<16xi32>,
      %shift_right_arithmetic3A = arith.constant 8 : i32
      %shift_right_arithmetic3A_496 = vector.broadcast %shift_right_arithmetic3A : i32 to vector<16xi32>
      %shift_right_arithmetic3A_497 = arith.shrsi %gather3A, %shift_right_arithmetic3A_496 : vector<16xi32>
      %and3A_498 = arith.constant 255 : i32
      %and3A_499 = vector.broadcast %and3A_498 : i32 to vector<16xi32>
      %and3A_500 = arith.andi %gather3A, %and3A_499 : vector<16xi32>
      %and3A_501 = arith.constant 31 : i32
      %and3A_502 = vector.broadcast %and3A_501 : i32 to vector<16xi32>
      %and3A_503 = arith.andi %shift_right_arithmetic3A_497, %and3A_502 : vector<16xi32>
      %eq3A_504 = vector.broadcast %add3A : i32 to vector<16xi32>
      %eq3A_505 = arith.cmpi eq, %and3A_503, %eq3A_504 : vector<16xi32>
      %shift_right_arithmetic3A_506 = arith.constant 5 : i32
      %shift_right_arithmetic3A_507 = vector.broadcast %shift_right_arithmetic3A_506 : i32 to vector<16xi32>
      %shift_right_arithmetic3A_508 = arith.shrsi %shift_right_arithmetic3A_497, %shift_right_arithmetic3A_507 : vector<16xi32>
      %mul3A_509 = arith.constant 16 : i32
      %mul3A_510 = arith.muli %scan3A_490, %mul3A_509 : i32
      %add3A_511 = vector.broadcast %mul3A_510 : i32 to vector<16xi32>
      %add3A_512 = arith.addi %add3A_511, %iota3A : vector<16xi32>
      %shift_left3A = arith.constant 8 : i32
      %shift_left3A_513 = vector.broadcast %shift_left3A : i32 to vector<16xi32>
      %shift_left3A_514 = arith.shli %add3A_512, %shift_left3A_513 : vector<16xi32>
      %or3A = arith.ori %shift_left3A_514, %and3A_500 : vector<16xi32>
      %jit3A_515 = arith.constant 1 : i32
      %jit3A_516 = arith.constant 0 : i32
      %broadcast_in_dim3A_517 = vector.broadcast %jit3A_515 : i32 to vector<16xi32>
      %broadcast_in_dim3A_518 = vector.broadcast %jit3A_516 : i32 to vector<16xi32>
      %select_n3A_519 = arith.select %eq3A_505, %broadcast_in_dim3A_517, %broadcast_in_dim3A_518 : vector<16xi1>, vector<16xi32>
      %reduce_sum3A = arith.constant true
      %reduce_sum3A_520 = vector.broadcast %reduce_sum3A : i1 to vector<16xi1>
      %reduce_sum3A_521 = tpu.scan <sum>, %select_n3A_519 masked %reduce_sum3A_520 : vector<16xi32>, vector<16xi1> -> vector<16xi32>
      %reduce_sum3A_522 = vector.extract %reduce_sum3A_521[15] : i32 from vector<16xi32>
      %while3A_523 = arith.constant 0 : i32
      %while3A_524 = arith.subi %reduce_sum3A_522, %while3A_523 : i32
      %while3A_525 = arith.addi %while3A_523, %while3A_524 : i32
      %while3A_526 = arith.constant 1 : i32
      %while3A_527 = arith.divsi %while3A_524, %while3A_526 : i32
      %while3A_528 = arith.muli %while3A_527, %while3A_526 : i32
      %while3A_529 = arith.addi %while3A_523, %while3A_528 : i32
      %while3A_530 = arith.constant 1 : i32
      %while3A_531 = scf.for %while3A_534 = %while3A_523 to %while3A_529 step %while3A_530 iter_args(%while3A_535 = %eq3A_505) -> (vector<16xi1>)  : i32 {
        %all_reduce_ffs3A = tpu.all_reduce %while3A_535 {dim = 0 : i64, kind = #tpu.reduction_kind<find_first_set>} : vector<16xi1> -> vector<16xi32>
        %eq3A_536 = arith.cmpi eq, %iota3A, %all_reduce_ffs3A : vector<16xi32>
        %jit3A_537 = arith.constant -1 : i32
        %broadcast_in_dim3A_538 = vector.broadcast %jit3A_537 : i32 to vector<16xi32>
        %select_n3A_539 = arith.select %eq3A_536, %shift_right_arithmetic3A_508, %broadcast_in_dim3A_538 : vector<16xi1>, vector<16xi32>
        %reduce_max3A = arith.constant true
        %reduce_max3A_540 = vector.broadcast %reduce_max3A : i1 to vector<16xi1>
        %reduce_max3A_541 = arith.constant -2147483648 : i32
        %reduce_max3A_542 = vector.broadcast %reduce_max3A_541 : i32 to vector<16xi32>
        %reduce_max3A_543 = arith.xori %select_n3A_539, %reduce_max3A_542 : vector<16xi32>
        %reduce_max3A_544 = tpu.scan <max>, %reduce_max3A_543 masked %reduce_max3A_540 : vector<16xi32>, vector<16xi1> -> vector<16xi32>
        %reduce_max3A_545 = arith.xori %reduce_max3A_544, %reduce_max3A_542 : vector<16xi32>
        %reduce_max3A_546 = vector.extract %reduce_max3A_545[15] : i32 from vector<16xi32>
        %broadcast_in_dim3A_547 = vector.broadcast %reduce_max3A_546 : i32 to vector<16xi32>
        %jit3A_548 = arith.constant -1 : i32
        %broadcast_in_dim3A_549 = vector.broadcast %jit3A_548 : i32 to vector<16xi32>
        %select_n3A_550 = arith.select %eq3A_536, %or3A, %broadcast_in_dim3A_549 : vector<16xi1>, vector<16xi32>
        %reduce_max3A_551 = arith.constant true
        %reduce_max3A_552 = vector.broadcast %reduce_max3A_551 : i1 to vector<16xi1>
        %reduce_max3A_553 = arith.constant -2147483648 : i32
        %reduce_max3A_554 = vector.broadcast %reduce_max3A_553 : i32 to vector<16xi32>
        %reduce_max3A_555 = arith.xori %select_n3A_550, %reduce_max3A_554 : vector<16xi32>
        %reduce_max3A_556 = tpu.scan <max>, %reduce_max3A_555 masked %reduce_max3A_552 : vector<16xi32>, vector<16xi1> -> vector<16xi32>
        %reduce_max3A_557 = arith.xori %reduce_max3A_556, %reduce_max3A_554 : vector<16xi32>
        %reduce_max3A_558 = vector.extract %reduce_max3A_557[15] : i32 from vector<16xi32>
        %broadcast_in_dim3A_559 = vector.broadcast %reduce_max3A_558 : i32 to vector<16xi32>
        %gather3A_560 = tpu.vector_load_idx %arg8[%broadcast_in_dim3A_547] : memref<128xi32, #tpu.memory_space<vmem>>[vector<16xi32>], vector<16xi32>,
        %mul3A_561 = arith.constant 32 : i32
        %mul3A_562 = vector.broadcast %mul3A_561 : i32 to vector<16xi32>
        %mul3A_563 = arith.muli %broadcast_in_dim3A_547, %mul3A_562 : vector<16xi32>
        %add3A_564 = arith.addi %mul3A_563, %gather3A_560 : vector<16xi32>
        tpu.vector_store_idx %arg7[%add3A_564], %broadcast_in_dim3A_559 masked %eq3A_2 : memref<3936xi32, #tpu.memory_space<vmem>>[vector<16xi32>], vector<16xi32>, vector<16xi1>
        %add3A_565 = arith.constant 1 : i32
        %add3A_566 = vector.broadcast %add3A_565 : i32 to vector<16xi32>
        %add3A_567 = arith.addi %gather3A_560, %add3A_566 : vector<16xi32>
        tpu.vector_store_idx %arg8[%broadcast_in_dim3A_547], %add3A_567 masked %eq3A_2 : memref<128xi32, #tpu.memory_space<vmem>>[vector<16xi32>], vector<16xi32>, vector<16xi1>
        %not3A = arith.constant dense<true> : vector<16xi1>
        %not3A_568 = arith.xori %eq3A_536, %not3A : vector<16xi1>
        %and3A_569 = arith.andi %while3A_535, %not3A_568 : vector<16xi1>
        scf.yield %and3A_569 : vector<16xi1>
      }
      %while3A_532 = arith.constant 1 : i32
      %while3A_533 = scf.for %while3A_534 = %while3A_529 to %while3A_525 step %while3A_532 iter_args(%while3A_535 = %while3A_531) -> (vector<16xi1>)  : i32 {
        %all_reduce_ffs3A = tpu.all_reduce %while3A_535 {dim = 0 : i64, kind = #tpu.reduction_kind<find_first_set>} : vector<16xi1> -> vector<16xi32>
        %eq3A_536 = arith.cmpi eq, %iota3A, %all_reduce_ffs3A : vector<16xi32>
        %jit3A_537 = arith.constant -1 : i32
        %broadcast_in_dim3A_538 = vector.broadcast %jit3A_537 : i32 to vector<16xi32>
        %select_n3A_539 = arith.select %eq3A_536, %shift_right_arithmetic3A_508, %broadcast_in_dim3A_538 : vector<16xi1>, vector<16xi32>
        %reduce_max3A = arith.constant true
        %reduce_max3A_540 = vector.broadcast %reduce_max3A : i1 to vector<16xi1>
        %reduce_max3A_541 = arith.constant -2147483648 : i32
        %reduce_max3A_542 = vector.broadcast %reduce_max3A_541 : i32 to vector<16xi32>
        %reduce_max3A_543 = arith.xori %select_n3A_539, %reduce_max3A_542 : vector<16xi32>
        %reduce_max3A_544 = tpu.scan <max>, %reduce_max3A_543 masked %reduce_max3A_540 : vector<16xi32>, vector<16xi1> -> vector<16xi32>
        %reduce_max3A_545 = arith.xori %reduce_max3A_544, %reduce_max3A_542 : vector<16xi32>
        %reduce_max3A_546 = vector.extract %reduce_max3A_545[15] : i32 from vector<16xi32>
        %broadcast_in_dim3A_547 = vector.broadcast %reduce_max3A_546 : i32 to vector<16xi32>
        %jit3A_548 = arith.constant -1 : i32
        %broadcast_in_dim3A_549 = vector.broadcast %jit3A_548 : i32 to vector<16xi32>
        %select_n3A_550 = arith.select %eq3A_536, %or3A, %broadcast_in_dim3A_549 : vector<16xi1>, vector<16xi32>
        %reduce_max3A_551 = arith.constant true
        %reduce_max3A_552 = vector.broadcast %reduce_max3A_551 : i1 to vector<16xi1>
        %reduce_max3A_553 = arith.constant -2147483648 : i32
        %reduce_max3A_554 = vector.broadcast %reduce_max3A_553 : i32 to vector<16xi32>
        %reduce_max3A_555 = arith.xori %select_n3A_550, %reduce_max3A_554 : vector<16xi32>
        %reduce_max3A_556 = tpu.scan <max>, %reduce_max3A_555 masked %reduce_max3A_552 : vector<16xi32>, vector<16xi1> -> vector<16xi32>
        %reduce_max3A_557 = arith.xori %reduce_max3A_556, %reduce_max3A_554 : vector<16xi32>
        %reduce_max3A_558 = vector.extract %reduce_max3A_557[15] : i32 from vector<16xi32>
        %broadcast_in_dim3A_559 = vector.broadcast %reduce_max3A_558 : i32 to vector<16xi32>
        %gather3A_560 = tpu.vector_load_idx %arg8[%broadcast_in_dim3A_547] : memref<128xi32, #tpu.memory_space<vmem>>[vector<16xi32>], vector<16xi32>,
        %mul3A_561 = arith.constant 32 : i32
        %mul3A_562 = vector.broadcast %mul3A_561 : i32 to vector<16xi32>
        %mul3A_563 = arith.muli %broadcast_in_dim3A_547, %mul3A_562 : vector<16xi32>
        %add3A_564 = arith.addi %mul3A_563, %gather3A_560 : vector<16xi32>
        tpu.vector_store_idx %arg7[%add3A_564], %broadcast_in_dim3A_559 masked %eq3A_2 : memref<3936xi32, #tpu.memory_space<vmem>>[vector<16xi32>], vector<16xi32>, vector<16xi1>
        %add3A_565 = arith.constant 1 : i32
        %add3A_566 = vector.broadcast %add3A_565 : i32 to vector<16xi32>
        %add3A_567 = arith.addi %gather3A_560, %add3A_566 : vector<16xi32>
        tpu.vector_store_idx %arg8[%broadcast_in_dim3A_547], %add3A_567 masked %eq3A_2 : memref<128xi32, #tpu.memory_space<vmem>>[vector<16xi32>], vector<16xi32>, vector<16xi1>
        %not3A = arith.constant dense<true> : vector<16xi1>
        %not3A_568 = arith.xori %eq3A_536, %not3A : vector<16xi1>
        %and3A_569 = arith.andi %while3A_535, %not3A_568 : vector<16xi1>
        scf.yield %and3A_569 : vector<16xi1>
      }
    }
    %scan3A_353 = arith.constant 128 : i32
    "tpu.region"() ({
      %run_scoped3A = tpu.sem_alloc : memref<!tpu.dma_semaphore, #tpu.memory_space<semaphore_mem>>
      %dma_start3A_490 = arith.constant 14336 : i32
      %dma_start3A_491 = tpu.memref_slice %arg2[%dma_start3A_490] : memref<16384xi32, #tpu.memory_space<hbm>> -> memref<2048xi32, #tpu.memory_space<hbm>>
      %dma_start3A_492 = arith.constant 14336 : i32
      %dma_start3A_493 = tpu.memref_slice %arg2[%dma_start3A_492] : memref<16384xi32, #tpu.memory_space<hbm>> -> memref<2048xi32, #tpu.memory_space<hbm>>
      tpu.enqueue_dma source(%dma_start3A_493 : memref<2048xi32, #tpu.memory_space<hbm>>) target(%arg6 : memref<2048xi32, #tpu.memory_space<vmem>>) target_semaphore(%run_scoped3A : memref<!tpu.dma_semaphore, #tpu.memory_space<semaphore_mem>>)
      %dma_wait3A_494 = arith.constant 14336 : i32
      %dma_wait3A_495 = tpu.memref_slice %arg2[%dma_wait3A_494] : memref<16384xi32, #tpu.memory_space<hbm>> -> memref<2048xi32, #tpu.memory_space<hbm>>
      %dma_wait3A_496 = arith.constant 14336 : i32
      %dma_wait3A_497 = tpu.memref_slice %arg2[%dma_wait3A_496] : memref<16384xi32, #tpu.memory_space<hbm>> -> memref<2048xi32, #tpu.memory_space<hbm>>
      tpu.wait_dma2 semaphore(%run_scoped3A : memref<!tpu.dma_semaphore, #tpu.memory_space<semaphore_mem>>) src(%dma_wait3A_497 : memref<2048xi32, #tpu.memory_space<hbm>>) dst(%arg6 : memref<2048xi32, #tpu.memory_space<vmem>>)
      tpu.yield
    }) : () -> ()
    %scan3A_354 = arith.constant 0 : i32
    %scan3A_355 = arith.constant 896 : i32
    %scan3A_356 = arith.constant 128 : i32
    %scan3A_357 = arith.addi %scan3A_355, %scan3A_356 : i32
    %scan3A_358 = arith.constant 1 : i32
    scf.for %scan3A_490 = %scan3A_355 to %scan3A_357 step %scan3A_358  : i32 {
      %and3A = arith.constant 127 : i32
      %and3A_491 = arith.andi %scan3A_490, %and3A : i32
      %mul3A_492 = arith.constant 16 : i32
      %mul3A_493 = arith.muli %and3A_491, %mul3A_492 : i32
      %add3A_494 = vector.broadcast %mul3A_493 : i32 to vector<16xi32>
      %add3A_495 = arith.addi %add3A_494, %iota3A : vector<16xi32>
      %gather3A = tpu.vector_load_idx %arg6[%add3A_495] : memref<2048xi32, #tpu.memory_space<vmem>>[vector<16xi32>], vector<16xi32>,
      %shift_right_arithmetic3A = arith.constant 8 : i32
      %shift_right_arithmetic3A_496 = vector.broadcast %shift_right_arithmetic3A : i32 to vector<16xi32>
      %shift_right_arithmetic3A_497 = arith.shrsi %gather3A, %shift_right_arithmetic3A_496 : vector<16xi32>
      %and3A_498 = arith.constant 255 : i32
      %and3A_499 = vector.broadcast %and3A_498 : i32 to vector<16xi32>
      %and3A_500 = arith.andi %gather3A, %and3A_499 : vector<16xi32>
      %and3A_501 = arith.constant 31 : i32
      %and3A_502 = vector.broadcast %and3A_501 : i32 to vector<16xi32>
      %and3A_503 = arith.andi %shift_right_arithmetic3A_497, %and3A_502 : vector<16xi32>
      %eq3A_504 = vector.broadcast %add3A : i32 to vector<16xi32>
      %eq3A_505 = arith.cmpi eq, %and3A_503, %eq3A_504 : vector<16xi32>
      %shift_right_arithmetic3A_506 = arith.constant 5 : i32
      %shift_right_arithmetic3A_507 = vector.broadcast %shift_right_arithmetic3A_506 : i32 to vector<16xi32>
      %shift_right_arithmetic3A_508 = arith.shrsi %shift_right_arithmetic3A_497, %shift_right_arithmetic3A_507 : vector<16xi32>
      %mul3A_509 = arith.constant 16 : i32
      %mul3A_510 = arith.muli %scan3A_490, %mul3A_509 : i32
      %add3A_511 = vector.broadcast %mul3A_510 : i32 to vector<16xi32>
      %add3A_512 = arith.addi %add3A_511, %iota3A : vector<16xi32>
      %shift_left3A = arith.constant 8 : i32
      %shift_left3A_513 = vector.broadcast %shift_left3A : i32 to vector<16xi32>
      %shift_left3A_514 = arith.shli %add3A_512, %shift_left3A_513 : vector<16xi32>
      %or3A = arith.ori %shift_left3A_514, %and3A_500 : vector<16xi32>
      %jit3A_515 = arith.constant 1 : i32
      %jit3A_516 = arith.constant 0 : i32
      %broadcast_in_dim3A_517 = vector.broadcast %jit3A_515 : i32 to vector<16xi32>
      %broadcast_in_dim3A_518 = vector.broadcast %jit3A_516 : i32 to vector<16xi32>
      %select_n3A_519 = arith.select %eq3A_505, %broadcast_in_dim3A_517, %broadcast_in_dim3A_518 : vector<16xi1>, vector<16xi32>
      %reduce_sum3A = arith.constant true
      %reduce_sum3A_520 = vector.broadcast %reduce_sum3A : i1 to vector<16xi1>
      %reduce_sum3A_521 = tpu.scan <sum>, %select_n3A_519 masked %reduce_sum3A_520 : vector<16xi32>, vector<16xi1> -> vector<16xi32>
      %reduce_sum3A_522 = vector.extract %reduce_sum3A_521[15] : i32 from vector<16xi32>
      %while3A_523 = arith.constant 0 : i32
      %while3A_524 = arith.subi %reduce_sum3A_522, %while3A_523 : i32
      %while3A_525 = arith.addi %while3A_523, %while3A_524 : i32
      %while3A_526 = arith.constant 1 : i32
      %while3A_527 = arith.divsi %while3A_524, %while3A_526 : i32
      %while3A_528 = arith.muli %while3A_527, %while3A_526 : i32
      %while3A_529 = arith.addi %while3A_523, %while3A_528 : i32
      %while3A_530 = arith.constant 1 : i32
      %while3A_531 = scf.for %while3A_534 = %while3A_523 to %while3A_529 step %while3A_530 iter_args(%while3A_535 = %eq3A_505) -> (vector<16xi1>)  : i32 {
        %all_reduce_ffs3A = tpu.all_reduce %while3A_535 {dim = 0 : i64, kind = #tpu.reduction_kind<find_first_set>} : vector<16xi1> -> vector<16xi32>
        %eq3A_536 = arith.cmpi eq, %iota3A, %all_reduce_ffs3A : vector<16xi32>
        %jit3A_537 = arith.constant -1 : i32
        %broadcast_in_dim3A_538 = vector.broadcast %jit3A_537 : i32 to vector<16xi32>
        %select_n3A_539 = arith.select %eq3A_536, %shift_right_arithmetic3A_508, %broadcast_in_dim3A_538 : vector<16xi1>, vector<16xi32>
        %reduce_max3A = arith.constant true
        %reduce_max3A_540 = vector.broadcast %reduce_max3A : i1 to vector<16xi1>
        %reduce_max3A_541 = arith.constant -2147483648 : i32
        %reduce_max3A_542 = vector.broadcast %reduce_max3A_541 : i32 to vector<16xi32>
        %reduce_max3A_543 = arith.xori %select_n3A_539, %reduce_max3A_542 : vector<16xi32>
        %reduce_max3A_544 = tpu.scan <max>, %reduce_max3A_543 masked %reduce_max3A_540 : vector<16xi32>, vector<16xi1> -> vector<16xi32>
        %reduce_max3A_545 = arith.xori %reduce_max3A_544, %reduce_max3A_542 : vector<16xi32>
        %reduce_max3A_546 = vector.extract %reduce_max3A_545[15] : i32 from vector<16xi32>
        %broadcast_in_dim3A_547 = vector.broadcast %reduce_max3A_546 : i32 to vector<16xi32>
        %jit3A_548 = arith.constant -1 : i32
        %broadcast_in_dim3A_549 = vector.broadcast %jit3A_548 : i32 to vector<16xi32>
        %select_n3A_550 = arith.select %eq3A_536, %or3A, %broadcast_in_dim3A_549 : vector<16xi1>, vector<16xi32>
        %reduce_max3A_551 = arith.constant true
        %reduce_max3A_552 = vector.broadcast %reduce_max3A_551 : i1 to vector<16xi1>
        %reduce_max3A_553 = arith.constant -2147483648 : i32
        %reduce_max3A_554 = vector.broadcast %reduce_max3A_553 : i32 to vector<16xi32>
        %reduce_max3A_555 = arith.xori %select_n3A_550, %reduce_max3A_554 : vector<16xi32>
        %reduce_max3A_556 = tpu.scan <max>, %reduce_max3A_555 masked %reduce_max3A_552 : vector<16xi32>, vector<16xi1> -> vector<16xi32>
        %reduce_max3A_557 = arith.xori %reduce_max3A_556, %reduce_max3A_554 : vector<16xi32>
        %reduce_max3A_558 = vector.extract %reduce_max3A_557[15] : i32 from vector<16xi32>
        %broadcast_in_dim3A_559 = vector.broadcast %reduce_max3A_558 : i32 to vector<16xi32>
        %gather3A_560 = tpu.vector_load_idx %arg8[%broadcast_in_dim3A_547] : memref<128xi32, #tpu.memory_space<vmem>>[vector<16xi32>], vector<16xi32>,
        %mul3A_561 = arith.constant 32 : i32
        %mul3A_562 = vector.broadcast %mul3A_561 : i32 to vector<16xi32>
        %mul3A_563 = arith.muli %broadcast_in_dim3A_547, %mul3A_562 : vector<16xi32>
        %add3A_564 = arith.addi %mul3A_563, %gather3A_560 : vector<16xi32>
        tpu.vector_store_idx %arg7[%add3A_564], %broadcast_in_dim3A_559 masked %eq3A_2 : memref<3936xi32, #tpu.memory_space<vmem>>[vector<16xi32>], vector<16xi32>, vector<16xi1>
        %add3A_565 = arith.constant 1 : i32
        %add3A_566 = vector.broadcast %add3A_565 : i32 to vector<16xi32>
        %add3A_567 = arith.addi %gather3A_560, %add3A_566 : vector<16xi32>
        tpu.vector_store_idx %arg8[%broadcast_in_dim3A_547], %add3A_567 masked %eq3A_2 : memref<128xi32, #tpu.memory_space<vmem>>[vector<16xi32>], vector<16xi32>, vector<16xi1>
        %not3A = arith.constant dense<true> : vector<16xi1>
        %not3A_568 = arith.xori %eq3A_536, %not3A : vector<16xi1>
        %and3A_569 = arith.andi %while3A_535, %not3A_568 : vector<16xi1>
        scf.yield %and3A_569 : vector<16xi1>
      }
      %while3A_532 = arith.constant 1 : i32
      %while3A_533 = scf.for %while3A_534 = %while3A_529 to %while3A_525 step %while3A_532 iter_args(%while3A_535 = %while3A_531) -> (vector<16xi1>)  : i32 {
        %all_reduce_ffs3A = tpu.all_reduce %while3A_535 {dim = 0 : i64, kind = #tpu.reduction_kind<find_first_set>} : vector<16xi1> -> vector<16xi32>
        %eq3A_536 = arith.cmpi eq, %iota3A, %all_reduce_ffs3A : vector<16xi32>
        %jit3A_537 = arith.constant -1 : i32
        %broadcast_in_dim3A_538 = vector.broadcast %jit3A_537 : i32 to vector<16xi32>
        %select_n3A_539 = arith.select %eq3A_536, %shift_right_arithmetic3A_508, %broadcast_in_dim3A_538 : vector<16xi1>, vector<16xi32>
        %reduce_max3A = arith.constant true
        %reduce_max3A_540 = vector.broadcast %reduce_max3A : i1 to vector<16xi1>
        %reduce_max3A_541 = arith.constant -2147483648 : i32
        %reduce_max3A_542 = vector.broadcast %reduce_max3A_541 : i32 to vector<16xi32>
        %reduce_max3A_543 = arith.xori %select_n3A_539, %reduce_max3A_542 : vector<16xi32>
        %reduce_max3A_544 = tpu.scan <max>, %reduce_max3A_543 masked %reduce_max3A_540 : vector<16xi32>, vector<16xi1> -> vector<16xi32>
        %reduce_max3A_545 = arith.xori %reduce_max3A_544, %reduce_max3A_542 : vector<16xi32>
        %reduce_max3A_546 = vector.extract %reduce_max3A_545[15] : i32 from vector<16xi32>
        %broadcast_in_dim3A_547 = vector.broadcast %reduce_max3A_546 : i32 to vector<16xi32>
        %jit3A_548 = arith.constant -1 : i32
        %broadcast_in_dim3A_549 = vector.broadcast %jit3A_548 : i32 to vector<16xi32>
        %select_n3A_550 = arith.select %eq3A_536, %or3A, %broadcast_in_dim3A_549 : vector<16xi1>, vector<16xi32>
        %reduce_max3A_551 = arith.constant true
        %reduce_max3A_552 = vector.broadcast %reduce_max3A_551 : i1 to vector<16xi1>
        %reduce_max3A_553 = arith.constant -2147483648 : i32
        %reduce_max3A_554 = vector.broadcast %reduce_max3A_553 : i32 to vector<16xi32>
        %reduce_max3A_555 = arith.xori %select_n3A_550, %reduce_max3A_554 : vector<16xi32>
        %reduce_max3A_556 = tpu.scan <max>, %reduce_max3A_555 masked %reduce_max3A_552 : vector<16xi32>, vector<16xi1> -> vector<16xi32>
        %reduce_max3A_557 = arith.xori %reduce_max3A_556, %reduce_max3A_554 : vector<16xi32>
        %reduce_max3A_558 = vector.extract %reduce_max3A_557[15] : i32 from vector<16xi32>
        %broadcast_in_dim3A_559 = vector.broadcast %reduce_max3A_558 : i32 to vector<16xi32>
        %gather3A_560 = tpu.vector_load_idx %arg8[%broadcast_in_dim3A_547] : memref<128xi32, #tpu.memory_space<vmem>>[vector<16xi32>], vector<16xi32>,
        %mul3A_561 = arith.constant 32 : i32
        %mul3A_562 = vector.broadcast %mul3A_561 : i32 to vector<16xi32>
        %mul3A_563 = arith.muli %broadcast_in_dim3A_547, %mul3A_562 : vector<16xi32>
        %add3A_564 = arith.addi %mul3A_563, %gather3A_560 : vector<16xi32>
        tpu.vector_store_idx %arg7[%add3A_564], %broadcast_in_dim3A_559 masked %eq3A_2 : memref<3936xi32, #tpu.memory_space<vmem>>[vector<16xi32>], vector<16xi32>, vector<16xi1>
        %add3A_565 = arith.constant 1 : i32
        %add3A_566 = vector.broadcast %add3A_565 : i32 to vector<16xi32>
        %add3A_567 = arith.addi %gather3A_560, %add3A_566 : vector<16xi32>
        tpu.vector_store_idx %arg8[%broadcast_in_dim3A_547], %add3A_567 masked %eq3A_2 : memref<128xi32, #tpu.memory_space<vmem>>[vector<16xi32>], vector<16xi32>, vector<16xi1>
        %not3A = arith.constant dense<true> : vector<16xi1>
        %not3A_568 = arith.xori %eq3A_536, %not3A : vector<16xi1>
        %and3A_569 = arith.andi %while3A_535, %not3A_568 : vector<16xi1>
        scf.yield %and3A_569 : vector<16xi1>
      }
    }
    %scan3A_359 = arith.constant 128 : i32
    %lt3A = arith.constant 2 : i32
    %lt3A_360 = arith.cmpi slt, %add3A, %lt3A : i32
    %jit3A = arith.constant 123 : i32
    %jit3A_361 = arith.constant 122 : i32
    %select_n3A = arith.select %lt3A_360, %jit3A, %jit3A_361 : i32
    %mul3A_362 = arith.constant 256 : i32
    %mul3A_363 = arith.muli %add3A, %mul3A_362 : i32
    %dma_start3A = arith.constant 0 : i32
    %dma_start3A_364 = arith.constant 0 : i32
    %dma_start3A_365 = arith.constant 0 : i32
    %dma_start3A_366 = tpu.memref_slice %arg9[%dma_start3A, %dma_start3A_364, %dma_start3A_365] : memref<2x64x256xf32, #tpu.memory_space<vmem>> -> memref<1x64x256xf32, #tpu.memory_space<vmem>>
    %dma_start3A_367 = tpu.memref_squeeze %dma_start3A_366 : memref<1x64x256xf32, #tpu.memory_space<vmem>> -> memref<64x256xf32, #tpu.memory_space<vmem>>
    %dma_start3A_368 = arith.constant 0 : i32
    %dma_start3A_369 = tpu.memref_slice %arg3[%dma_start3A_368, %mul3A_363] : memref<64x1000000xf32, #tpu.memory_space<hbm>> -> memref<64x256xf32, #tpu.memory_space<hbm>>
    %dma_start3A_370 = arith.constant 0 : i32
    %dma_start3A_371 = arith.constant 0 : i32
    %dma_start3A_372 = tpu.memref_slice %arg9[%dma_start3A, %dma_start3A_370, %dma_start3A_371] : memref<2x64x256xf32, #tpu.memory_space<vmem>> -> memref<1x64x256xf32, #tpu.memory_space<vmem>>
    %dma_start3A_373 = tpu.memref_squeeze %dma_start3A_372 : memref<1x64x256xf32, #tpu.memory_space<vmem>> -> memref<64x256xf32, #tpu.memory_space<vmem>>
    %dma_start3A_374 = arith.constant 0 : i32
    %dma_start3A_375 = tpu.memref_slice %arg3[%dma_start3A_374, %mul3A_363] : memref<64x1000000xf32, #tpu.memory_space<hbm>> -> memref<64x256xf32, #tpu.memory_space<hbm>>
    tpu.enqueue_dma source(%dma_start3A_375 : memref<64x256xf32, #tpu.memory_space<hbm>>) target(%dma_start3A_373 : memref<64x256xf32, #tpu.memory_space<vmem>>) target_semaphore(%arg13 : memref<!tpu.dma_semaphore, #tpu.memory_space<semaphore_mem>>)
    %broadcast_in_dim3A_376 = arith.constant 0 : i32
    %broadcast_in_dim3A_377 = vector.broadcast %broadcast_in_dim3A_376 : i32 to vector<16xi32>
    %while3A = arith.constant 0 : i32
    %while3A_378 = arith.subi %select_n3A, %while3A : i32
    %while3A_379 = arith.addi %while3A, %while3A_378 : i32
    %while3A_380 = arith.constant 1 : i32
    %while3A_381 = arith.divsi %while3A_378, %while3A_380 : i32
    %while3A_382 = arith.muli %while3A_381, %while3A_380 : i32
    %while3A_383 = arith.addi %while3A, %while3A_382 : i32
    %while3A_384 = arith.constant 1 : i32
    %while3A_385 = scf.for %while3A_490 = %while3A to %while3A_383 step %while3A_384 iter_args(%while3A_491 = %broadcast_in_dim3A_377) -> (vector<16xi32>)  : i32 {
      %and3A = arith.constant 1 : i32
      %and3A_492 = arith.andi %while3A_490, %and3A : i32
      %add3A_493 = arith.constant 1 : i32
      %add3A_494 = arith.addi %while3A_490, %add3A_493 : i32
      %lt3A_495 = arith.cmpi slt, %add3A_494, %select_n3A : i32
      %eq3A_496 = arith.constant 0 : i32
      %eq3A_497 = arith.cmpi eq, %and3A_492, %eq3A_496 : i32
      %and3A_498 = arith.andi %lt3A_495, %eq3A_497 : i1
      %convert_element_type3A_499 = arith.extui %and3A_498 : i1 to i32
      %cond3A_500 = arith.constant 0 : i32
      %cond3A_501 = arith.cmpi ne, %convert_element_type3A_499, %cond3A_500 : i32
      scf.if %cond3A_501 {
        %add3A_546 = arith.constant 1 : i32
        %add3A_547 = arith.addi %while3A_490, %add3A_546 : i32
        %mul3A_548 = arith.constant 32 : i32
        %mul3A_549 = arith.muli %add3A_547, %mul3A_548 : i32
        %add3A_550 = arith.addi %add3A, %mul3A_549 : i32
        %mul3A_551 = arith.constant 256 : i32
        %mul3A_552 = arith.muli %add3A_550, %mul3A_551 : i32
        %dma_start3A_553 = arith.constant 1 : i32
        %dma_start3A_554 = arith.constant 0 : i32
        %dma_start3A_555 = arith.constant 0 : i32
        %dma_start3A_556 = tpu.memref_slice %arg9[%dma_start3A_553, %dma_start3A_554, %dma_start3A_555] : memref<2x64x256xf32, #tpu.memory_space<vmem>> -> memref<1x64x256xf32, #tpu.memory_space<vmem>>
        %dma_start3A_557 = tpu.memref_squeeze %dma_start3A_556 : memref<1x64x256xf32, #tpu.memory_space<vmem>> -> memref<64x256xf32, #tpu.memory_space<vmem>>
        %dma_start3A_558 = arith.constant 0 : i32
        %dma_start3A_559 = tpu.memref_slice %arg3[%dma_start3A_558, %mul3A_552] : memref<64x1000000xf32, #tpu.memory_space<hbm>> -> memref<64x256xf32, #tpu.memory_space<hbm>>
        %dma_start3A_560 = arith.constant 0 : i32
        %dma_start3A_561 = arith.constant 0 : i32
        %dma_start3A_562 = tpu.memref_slice %arg9[%dma_start3A_553, %dma_start3A_560, %dma_start3A_561] : memref<2x64x256xf32, #tpu.memory_space<vmem>> -> memref<1x64x256xf32, #tpu.memory_space<vmem>>
        %dma_start3A_563 = tpu.memref_squeeze %dma_start3A_562 : memref<1x64x256xf32, #tpu.memory_space<vmem>> -> memref<64x256xf32, #tpu.memory_space<vmem>>
        %dma_start3A_564 = arith.constant 0 : i32
        %dma_start3A_565 = tpu.memref_slice %arg3[%dma_start3A_564, %mul3A_552] : memref<64x1000000xf32, #tpu.memory_space<hbm>> -> memref<64x256xf32, #tpu.memory_space<hbm>>
        tpu.enqueue_dma source(%dma_start3A_565 : memref<64x256xf32, #tpu.memory_space<hbm>>) target(%dma_start3A_563 : memref<64x256xf32, #tpu.memory_space<vmem>>) target_semaphore(%arg13 : memref<!tpu.dma_semaphore, #tpu.memory_space<semaphore_mem>>)
      } else {
      }
      %add3A_502 = arith.constant 1 : i32
      %add3A_503 = arith.addi %while3A_490, %add3A_502 : i32
      %lt3A_504 = arith.cmpi slt, %add3A_503, %select_n3A : i32
      %eq3A_505 = arith.constant 1 : i32
      %eq3A_506 = arith.cmpi eq, %and3A_492, %eq3A_505 : i32
      %and3A_507 = arith.andi %lt3A_504, %eq3A_506 : i1
      %convert_element_type3A_508 = arith.extui %and3A_507 : i1 to i32
      %cond3A_509 = arith.constant 0 : i32
      %cond3A_510 = arith.cmpi ne, %convert_element_type3A_508, %cond3A_509 : i32
      scf.if %cond3A_510 {
        %add3A_546 = arith.constant 1 : i32
        %add3A_547 = arith.addi %while3A_490, %add3A_546 : i32
        %mul3A_548 = arith.constant 32 : i32
        %mul3A_549 = arith.muli %add3A_547, %mul3A_548 : i32
        %add3A_550 = arith.addi %add3A, %mul3A_549 : i32
        %mul3A_551 = arith.constant 256 : i32
        %mul3A_552 = arith.muli %add3A_550, %mul3A_551 : i32
        %dma_start3A_553 = arith.constant 0 : i32
        %dma_start3A_554 = arith.constant 0 : i32
        %dma_start3A_555 = arith.constant 0 : i32
        %dma_start3A_556 = tpu.memref_slice %arg9[%dma_start3A_553, %dma_start3A_554, %dma_start3A_555] : memref<2x64x256xf32, #tpu.memory_space<vmem>> -> memref<1x64x256xf32, #tpu.memory_space<vmem>>
        %dma_start3A_557 = tpu.memref_squeeze %dma_start3A_556 : memref<1x64x256xf32, #tpu.memory_space<vmem>> -> memref<64x256xf32, #tpu.memory_space<vmem>>
        %dma_start3A_558 = arith.constant 0 : i32
        %dma_start3A_559 = tpu.memref_slice %arg3[%dma_start3A_558, %mul3A_552] : memref<64x1000000xf32, #tpu.memory_space<hbm>> -> memref<64x256xf32, #tpu.memory_space<hbm>>
        %dma_start3A_560 = arith.constant 0 : i32
        %dma_start3A_561 = arith.constant 0 : i32
        %dma_start3A_562 = tpu.memref_slice %arg9[%dma_start3A_553, %dma_start3A_560, %dma_start3A_561] : memref<2x64x256xf32, #tpu.memory_space<vmem>> -> memref<1x64x256xf32, #tpu.memory_space<vmem>>
        %dma_start3A_563 = tpu.memref_squeeze %dma_start3A_562 : memref<1x64x256xf32, #tpu.memory_space<vmem>> -> memref<64x256xf32, #tpu.memory_space<vmem>>
        %dma_start3A_564 = arith.constant 0 : i32
        %dma_start3A_565 = tpu.memref_slice %arg3[%dma_start3A_564, %mul3A_552] : memref<64x1000000xf32, #tpu.memory_space<hbm>> -> memref<64x256xf32, #tpu.memory_space<hbm>>
        tpu.enqueue_dma source(%dma_start3A_565 : memref<64x256xf32, #tpu.memory_space<hbm>>) target(%dma_start3A_563 : memref<64x256xf32, #tpu.memory_space<vmem>>) target_semaphore(%arg13 : memref<!tpu.dma_semaphore, #tpu.memory_space<semaphore_mem>>)
      } else {
      }
      %dma_wait3A_511 = arith.constant 0 : i32
      %dma_wait3A_512 = arith.constant 0 : i32
      %dma_wait3A_513 = arith.constant 0 : i32
      %dma_wait3A_514 = tpu.memref_slice %arg9[%dma_wait3A_511, %dma_wait3A_512, %dma_wait3A_513] : memref<2x64x256xf32, #tpu.memory_space<vmem>> -> memref<1x64x256xf32, #tpu.memory_space<vmem>>
      %dma_wait3A_515 = tpu.memref_squeeze %dma_wait3A_514 : memref<1x64x256xf32, #tpu.memory_space<vmem>> -> memref<64x256xf32, #tpu.memory_space<vmem>>
      %dma_wait3A_516 = arith.constant 0 : i32
      %dma_wait3A_517 = arith.constant 0 : i32
      %dma_wait3A_518 = tpu.memref_slice %arg3[%dma_wait3A_516, %dma_wait3A_517] : memref<64x1000000xf32, #tpu.memory_space<hbm>> -> memref<64x256xf32, #tpu.memory_space<hbm>>
      %dma_wait3A_519 = arith.constant 0 : i32
      %dma_wait3A_520 = arith.constant 0 : i32
      %dma_wait3A_521 = tpu.memref_slice %arg9[%dma_wait3A_511, %dma_wait3A_519, %dma_wait3A_520] : memref<2x64x256xf32, #tpu.memory_space<vmem>> -> memref<1x64x256xf32, #tpu.memory_space<vmem>>
      %dma_wait3A_522 = tpu.memref_squeeze %dma_wait3A_521 : memref<1x64x256xf32, #tpu.memory_space<vmem>> -> memref<64x256xf32, #tpu.memory_space<vmem>>
      %dma_wait3A_523 = arith.constant 0 : i32
      %dma_wait3A_524 = arith.constant 0 : i32
      %dma_wait3A_525 = tpu.memref_slice %arg3[%dma_wait3A_523, %dma_wait3A_524] : memref<64x1000000xf32, #tpu.memory_space<hbm>> -> memref<64x256xf32, #tpu.memory_space<hbm>>
      tpu.wait_dma2 semaphore(%arg13 : memref<!tpu.dma_semaphore, #tpu.memory_space<semaphore_mem>>) src(%dma_wait3A_525 : memref<64x256xf32, #tpu.memory_space<hbm>>) dst(%dma_wait3A_522 : memref<64x256xf32, #tpu.memory_space<vmem>>)
      %broadcast_in_dim3A_526 = vector.broadcast %and3A_492 : i32 to vector<16xi32>
      %broadcast_in_dim3A_527 = vector.broadcast %while3A_490 : i32 to vector<16xi32>
      %gather3A = tpu.vector_load_idx %arg8[%broadcast_in_dim3A_527] : memref<128xi32, #tpu.memory_space<vmem>>[vector<16xi32>], vector<16xi32>,
      %reduce_max3A = arith.constant true
      %reduce_max3A_528 = vector.broadcast %reduce_max3A : i1 to vector<16xi1>
      %reduce_max3A_529 = arith.constant -2147483648 : i32
      %reduce_max3A_530 = vector.broadcast %reduce_max3A_529 : i32 to vector<16xi32>
      %reduce_max3A_531 = arith.xori %gather3A, %reduce_max3A_530 : vector<16xi32>
      %reduce_max3A_532 = tpu.scan <max>, %reduce_max3A_531 masked %reduce_max3A_528 : vector<16xi32>, vector<16xi1> -> vector<16xi32>
      %reduce_max3A_533 = arith.xori %reduce_max3A_532, %reduce_max3A_530 : vector<16xi32>
      %reduce_max3A_534 = vector.extract %reduce_max3A_533[15] : i32 from vector<16xi32>
      %while3A_535 = arith.constant 0 : i32
      %while3A_536 = arith.subi %reduce_max3A_534, %while3A_535 : i32
      %while3A_537 = arith.addi %while3A_535, %while3A_536 : i32
      %while3A_538 = arith.constant 1 : i32
      %while3A_539 = arith.divsi %while3A_536, %while3A_538 : i32
      %while3A_540 = arith.muli %while3A_539, %while3A_538 : i32
      %while3A_541 = arith.addi %while3A_535, %while3A_540 : i32
      %while3A_542 = arith.constant 1 : i32
      scf.for %while3A_546 = %while3A_535 to %while3A_541 step %while3A_542  : i32 {
        %mul3A_547 = arith.constant 32 : i32
        %mul3A_548 = arith.muli %while3A_490, %mul3A_547 : i32
        %add3A_549 = arith.addi %mul3A_548, %while3A_546 : i32
        %broadcast_in_dim3A_550 = vector.broadcast %add3A_549 : i32 to vector<16xi32>
        %gather3A_551 = tpu.vector_load_idx %arg7[%broadcast_in_dim3A_550] : memref<3936xi32, #tpu.memory_space<vmem>>[vector<16xi32>], vector<16xi32>,
        %and3A_552 = arith.constant 255 : i32
        %and3A_553 = vector.broadcast %and3A_552 : i32 to vector<16xi32>
        %and3A_554 = arith.andi %gather3A_551, %and3A_553 : vector<16xi32>
        %shift_right_arithmetic3A = arith.constant 8 : i32
        %shift_right_arithmetic3A_555 = vector.broadcast %shift_right_arithmetic3A : i32 to vector<16xi32>
        %shift_right_arithmetic3A_556 = arith.shrsi %gather3A_551, %shift_right_arithmetic3A_555 : vector<16xi32>
        %broadcast_in_dim3A_557 = vector.broadcast %while3A_546 : i32 to vector<16xi32>
        %add3A_558 = arith.addi %while3A_491, %broadcast_in_dim3A_557 : vector<16xi32>
        %add3A_559 = arith.constant 0 : i32
        %add3A_560 = vector.broadcast %add3A_559 : i32 to vector<16xi32>
        %add3A_561 = arith.addi %add3A_560, %iota3A : vector<16xi32>
        %gather3A_562 = tpu.vector_load_idx %arg9[%broadcast_in_dim3A_526, %add3A_561, %and3A_554] : memref<2x64x256xf32, #tpu.memory_space<vmem>>[vector<16xi32>, vector<16xi32>, vector<16xi32>], vector<16xf32>,
        tpu.vector_store_idx %arg11[%add3A_558, %add3A_561], %gather3A_562 : memref<640x128xf32, #tpu.memory_space<vmem>>[vector<16xi32>, vector<16xi32>], vector<16xf32>,
        %add3A_563 = arith.constant 16 : i32
        %add3A_564 = vector.broadcast %add3A_563 : i32 to vector<16xi32>
        %add3A_565 = arith.addi %add3A_564, %iota3A : vector<16xi32>
        %gather3A_566 = tpu.vector_load_idx %arg9[%broadcast_in_dim3A_526, %add3A_565, %and3A_554] : memref<2x64x256xf32, #tpu.memory_space<vmem>>[vector<16xi32>, vector<16xi32>, vector<16xi32>], vector<16xf32>,
        tpu.vector_store_idx %arg11[%add3A_558, %add3A_565], %gather3A_566 : memref<640x128xf32, #tpu.memory_space<vmem>>[vector<16xi32>, vector<16xi32>], vector<16xf32>,
        %add3A_567 = arith.constant 32 : i32
        %add3A_568 = vector.broadcast %add3A_567 : i32 to vector<16xi32>
        %add3A_569 = arith.addi %add3A_568, %iota3A : vector<16xi32>
        %gather3A_570 = tpu.vector_load_idx %arg9[%broadcast_in_dim3A_526, %add3A_569, %and3A_554] : memref<2x64x256xf32, #tpu.memory_space<vmem>>[vector<16xi32>, vector<16xi32>, vector<16xi32>], vector<16xf32>,
        tpu.vector_store_idx %arg11[%add3A_558, %add3A_569], %gather3A_570 : memref<640x128xf32, #tpu.memory_space<vmem>>[vector<16xi32>, vector<16xi32>], vector<16xf32>,
        %add3A_571 = arith.constant 48 : i32
        %add3A_572 = vector.broadcast %add3A_571 : i32 to vector<16xi32>
        %add3A_573 = arith.addi %add3A_572, %iota3A : vector<16xi32>
        %gather3A_574 = tpu.vector_load_idx %arg9[%broadcast_in_dim3A_526, %add3A_573, %and3A_554] : memref<2x64x256xf32, #tpu.memory_space<vmem>>[vector<16xi32>, vector<16xi32>, vector<16xi32>], vector<16xf32>,
        tpu.vector_store_idx %arg11[%add3A_558, %add3A_573], %gather3A_574 : memref<640x128xf32, #tpu.memory_space<vmem>>[vector<16xi32>, vector<16xi32>], vector<16xf32>,
        %shift_right_arithmetic3A_575 = arith.constant 7 : i32
        %shift_right_arithmetic3A_576 = vector.broadcast %shift_right_arithmetic3A_575 : i32 to vector<16xi32>
        %shift_right_arithmetic3A_577 = arith.shrsi %add3A_558, %shift_right_arithmetic3A_576 : vector<16xi32>
        %and3A_578 = arith.constant 127 : i32
        %and3A_579 = vector.broadcast %and3A_578 : i32 to vector<16xi32>
        %and3A_580 = arith.andi %add3A_558, %and3A_579 : vector<16xi32>
        tpu.vector_store_idx %arg12[%shift_right_arithmetic3A_577, %and3A_580], %shift_right_arithmetic3A_556 masked %eq3A_2 : memref<5x128xi32, #tpu.memory_space<vmem>>[vector<16xi32>, vector<16xi32>], vector<16xi32>, vector<16xi1>
      }
      %while3A_543 = arith.constant 1 : i32
      scf.for %while3A_546 = %while3A_541 to %while3A_537 step %while3A_543  : i32 {
        %mul3A_547 = arith.constant 32 : i32
        %mul3A_548 = arith.muli %while3A_490, %mul3A_547 : i32
        %add3A_549 = arith.addi %mul3A_548, %while3A_546 : i32
        %broadcast_in_dim3A_550 = vector.broadcast %add3A_549 : i32 to vector<16xi32>
        %gather3A_551 = tpu.vector_load_idx %arg7[%broadcast_in_dim3A_550] : memref<3936xi32, #tpu.memory_space<vmem>>[vector<16xi32>], vector<16xi32>,
        %and3A_552 = arith.constant 255 : i32
        %and3A_553 = vector.broadcast %and3A_552 : i32 to vector<16xi32>
        %and3A_554 = arith.andi %gather3A_551, %and3A_553 : vector<16xi32>
        %shift_right_arithmetic3A = arith.constant 8 : i32
        %shift_right_arithmetic3A_555 = vector.broadcast %shift_right_arithmetic3A : i32 to vector<16xi32>
        %shift_right_arithmetic3A_556 = arith.shrsi %gather3A_551, %shift_right_arithmetic3A_555 : vector<16xi32>
        %broadcast_in_dim3A_557 = vector.broadcast %while3A_546 : i32 to vector<16xi32>
        %add3A_558 = arith.addi %while3A_491, %broadcast_in_dim3A_557 : vector<16xi32>
        %add3A_559 = arith.constant 0 : i32
        %add3A_560 = vector.broadcast %add3A_559 : i32 to vector<16xi32>
        %add3A_561 = arith.addi %add3A_560, %iota3A : vector<16xi32>
        %gather3A_562 = tpu.vector_load_idx %arg9[%broadcast_in_dim3A_526, %add3A_561, %and3A_554] : memref<2x64x256xf32, #tpu.memory_space<vmem>>[vector<16xi32>, vector<16xi32>, vector<16xi32>], vector<16xf32>,
        tpu.vector_store_idx %arg11[%add3A_558, %add3A_561], %gather3A_562 : memref<640x128xf32, #tpu.memory_space<vmem>>[vector<16xi32>, vector<16xi32>], vector<16xf32>,
        %add3A_563 = arith.constant 16 : i32
        %add3A_564 = vector.broadcast %add3A_563 : i32 to vector<16xi32>
        %add3A_565 = arith.addi %add3A_564, %iota3A : vector<16xi32>
        %gather3A_566 = tpu.vector_load_idx %arg9[%broadcast_in_dim3A_526, %add3A_565, %and3A_554] : memref<2x64x256xf32, #tpu.memory_space<vmem>>[vector<16xi32>, vector<16xi32>, vector<16xi32>], vector<16xf32>,
        tpu.vector_store_idx %arg11[%add3A_558, %add3A_565], %gather3A_566 : memref<640x128xf32, #tpu.memory_space<vmem>>[vector<16xi32>, vector<16xi32>], vector<16xf32>,
        %add3A_567 = arith.constant 32 : i32
        %add3A_568 = vector.broadcast %add3A_567 : i32 to vector<16xi32>
        %add3A_569 = arith.addi %add3A_568, %iota3A : vector<16xi32>
        %gather3A_570 = tpu.vector_load_idx %arg9[%broadcast_in_dim3A_526, %add3A_569, %and3A_554] : memref<2x64x256xf32, #tpu.memory_space<vmem>>[vector<16xi32>, vector<16xi32>, vector<16xi32>], vector<16xf32>,
        tpu.vector_store_idx %arg11[%add3A_558, %add3A_569], %gather3A_570 : memref<640x128xf32, #tpu.memory_space<vmem>>[vector<16xi32>, vector<16xi32>], vector<16xf32>,
        %add3A_571 = arith.constant 48 : i32
        %add3A_572 = vector.broadcast %add3A_571 : i32 to vector<16xi32>
        %add3A_573 = arith.addi %add3A_572, %iota3A : vector<16xi32>
        %gather3A_574 = tpu.vector_load_idx %arg9[%broadcast_in_dim3A_526, %add3A_573, %and3A_554] : memref<2x64x256xf32, #tpu.memory_space<vmem>>[vector<16xi32>, vector<16xi32>, vector<16xi32>], vector<16xf32>,
        tpu.vector_store_idx %arg11[%add3A_558, %add3A_573], %gather3A_574 : memref<640x128xf32, #tpu.memory_space<vmem>>[vector<16xi32>, vector<16xi32>], vector<16xf32>,
        %shift_right_arithmetic3A_575 = arith.constant 7 : i32
        %shift_right_arithmetic3A_576 = vector.broadcast %shift_right_arithmetic3A_575 : i32 to vector<16xi32>
        %shift_right_arithmetic3A_577 = arith.shrsi %add3A_558, %shift_right_arithmetic3A_576 : vector<16xi32>
        %and3A_578 = arith.constant 127 : i32
        %and3A_579 = vector.broadcast %and3A_578 : i32 to vector<16xi32>
        %and3A_580 = arith.andi %add3A_558, %and3A_579 : vector<16xi32>
        tpu.vector_store_idx %arg12[%shift_right_arithmetic3A_577, %and3A_580], %shift_right_arithmetic3A_556 masked %eq3A_2 : memref<5x128xi32, #tpu.memory_space<vmem>>[vector<16xi32>, vector<16xi32>], vector<16xi32>, vector<16xi1>
      }
      %broadcast_in_dim3A_544 = vector.broadcast %reduce_max3A_534 : i32 to vector<16xi32>
      %add3A_545 = arith.addi %while3A_491, %broadcast_in_dim3A_544 : vector<16xi32>
      scf.yield %add3A_545 : vector<16xi32>
    }
    %while3A_386 = arith.constant 1 : i32
    %while3A_387 = scf.for %while3A_490 = %while3A_383 to %while3A_379 step %while3A_386 iter_args(%while3A_491 = %while3A_385) -> (vector<16xi32>)  : i32 {
      %and3A = arith.constant 1 : i32
      %and3A_492 = arith.andi %while3A_490, %and3A : i32
      %add3A_493 = arith.constant 1 : i32
      %add3A_494 = arith.addi %while3A_490, %add3A_493 : i32
      %lt3A_495 = arith.cmpi slt, %add3A_494, %select_n3A : i32
      %eq3A_496 = arith.constant 0 : i32
      %eq3A_497 = arith.cmpi eq, %and3A_492, %eq3A_496 : i32
      %and3A_498 = arith.andi %lt3A_495, %eq3A_497 : i1
      %convert_element_type3A_499 = arith.extui %and3A_498 : i1 to i32
      %cond3A_500 = arith.constant 0 : i32
      %cond3A_501 = arith.cmpi ne, %convert_element_type3A_499, %cond3A_500 : i32
      scf.if %cond3A_501 {
        %add3A_546 = arith.constant 1 : i32
        %add3A_547 = arith.addi %while3A_490, %add3A_546 : i32
        %mul3A_548 = arith.constant 32 : i32
        %mul3A_549 = arith.muli %add3A_547, %mul3A_548 : i32
        %add3A_550 = arith.addi %add3A, %mul3A_549 : i32
        %mul3A_551 = arith.constant 256 : i32
        %mul3A_552 = arith.muli %add3A_550, %mul3A_551 : i32
        %dma_start3A_553 = arith.constant 1 : i32
        %dma_start3A_554 = arith.constant 0 : i32
        %dma_start3A_555 = arith.constant 0 : i32
        %dma_start3A_556 = tpu.memref_slice %arg9[%dma_start3A_553, %dma_start3A_554, %dma_start3A_555] : memref<2x64x256xf32, #tpu.memory_space<vmem>> -> memref<1x64x256xf32, #tpu.memory_space<vmem>>
        %dma_start3A_557 = tpu.memref_squeeze %dma_start3A_556 : memref<1x64x256xf32, #tpu.memory_space<vmem>> -> memref<64x256xf32, #tpu.memory_space<vmem>>
        %dma_start3A_558 = arith.constant 0 : i32
        %dma_start3A_559 = tpu.memref_slice %arg3[%dma_start3A_558, %mul3A_552] : memref<64x1000000xf32, #tpu.memory_space<hbm>> -> memref<64x256xf32, #tpu.memory_space<hbm>>
        %dma_start3A_560 = arith.constant 0 : i32
        %dma_start3A_561 = arith.constant 0 : i32
        %dma_start3A_562 = tpu.memref_slice %arg9[%dma_start3A_553, %dma_start3A_560, %dma_start3A_561] : memref<2x64x256xf32, #tpu.memory_space<vmem>> -> memref<1x64x256xf32, #tpu.memory_space<vmem>>
        %dma_start3A_563 = tpu.memref_squeeze %dma_start3A_562 : memref<1x64x256xf32, #tpu.memory_space<vmem>> -> memref<64x256xf32, #tpu.memory_space<vmem>>
        %dma_start3A_564 = arith.constant 0 : i32
        %dma_start3A_565 = tpu.memref_slice %arg3[%dma_start3A_564, %mul3A_552] : memref<64x1000000xf32, #tpu.memory_space<hbm>> -> memref<64x256xf32, #tpu.memory_space<hbm>>
        tpu.enqueue_dma source(%dma_start3A_565 : memref<64x256xf32, #tpu.memory_space<hbm>>) target(%dma_start3A_563 : memref<64x256xf32, #tpu.memory_space<vmem>>) target_semaphore(%arg13 : memref<!tpu.dma_semaphore, #tpu.memory_space<semaphore_mem>>)
      } else {
      }
      %add3A_502 = arith.constant 1 : i32
      %add3A_503 = arith.addi %while3A_490, %add3A_502 : i32
      %lt3A_504 = arith.cmpi slt, %add3A_503, %select_n3A : i32
      %eq3A_505 = arith.constant 1 : i32
      %eq3A_506 = arith.cmpi eq, %and3A_492, %eq3A_505 : i32
      %and3A_507 = arith.andi %lt3A_504, %eq3A_506 : i1
      %convert_element_type3A_508 = arith.extui %and3A_507 : i1 to i32
      %cond3A_509 = arith.constant 0 : i32
      %cond3A_510 = arith.cmpi ne, %convert_element_type3A_508, %cond3A_509 : i32
      scf.if %cond3A_510 {
        %add3A_546 = arith.constant 1 : i32
        %add3A_547 = arith.addi %while3A_490, %add3A_546 : i32
        %mul3A_548 = arith.constant 32 : i32
        %mul3A_549 = arith.muli %add3A_547, %mul3A_548 : i32
        %add3A_550 = arith.addi %add3A, %mul3A_549 : i32
        %mul3A_551 = arith.constant 256 : i32
        %mul3A_552 = arith.muli %add3A_550, %mul3A_551 : i32
        %dma_start3A_553 = arith.constant 0 : i32
        %dma_start3A_554 = arith.constant 0 : i32
        %dma_start3A_555 = arith.constant 0 : i32
        %dma_start3A_556 = tpu.memref_slice %arg9[%dma_start3A_553, %dma_start3A_554, %dma_start3A_555] : memref<2x64x256xf32, #tpu.memory_space<vmem>> -> memref<1x64x256xf32, #tpu.memory_space<vmem>>
        %dma_start3A_557 = tpu.memref_squeeze %dma_start3A_556 : memref<1x64x256xf32, #tpu.memory_space<vmem>> -> memref<64x256xf32, #tpu.memory_space<vmem>>
        %dma_start3A_558 = arith.constant 0 : i32
        %dma_start3A_559 = tpu.memref_slice %arg3[%dma_start3A_558, %mul3A_552] : memref<64x1000000xf32, #tpu.memory_space<hbm>> -> memref<64x256xf32, #tpu.memory_space<hbm>>
        %dma_start3A_560 = arith.constant 0 : i32
        %dma_start3A_561 = arith.constant 0 : i32
        %dma_start3A_562 = tpu.memref_slice %arg9[%dma_start3A_553, %dma_start3A_560, %dma_start3A_561] : memref<2x64x256xf32, #tpu.memory_space<vmem>> -> memref<1x64x256xf32, #tpu.memory_space<vmem>>
        %dma_start3A_563 = tpu.memref_squeeze %dma_start3A_562 : memref<1x64x256xf32, #tpu.memory_space<vmem>> -> memref<64x256xf32, #tpu.memory_space<vmem>>
        %dma_start3A_564 = arith.constant 0 : i32
        %dma_start3A_565 = tpu.memref_slice %arg3[%dma_start3A_564, %mul3A_552] : memref<64x1000000xf32, #tpu.memory_space<hbm>> -> memref<64x256xf32, #tpu.memory_space<hbm>>
        tpu.enqueue_dma source(%dma_start3A_565 : memref<64x256xf32, #tpu.memory_space<hbm>>) target(%dma_start3A_563 : memref<64x256xf32, #tpu.memory_space<vmem>>) target_semaphore(%arg13 : memref<!tpu.dma_semaphore, #tpu.memory_space<semaphore_mem>>)
      } else {
      }
      %dma_wait3A_511 = arith.constant 0 : i32
      %dma_wait3A_512 = arith.constant 0 : i32
      %dma_wait3A_513 = arith.constant 0 : i32
      %dma_wait3A_514 = tpu.memref_slice %arg9[%dma_wait3A_511, %dma_wait3A_512, %dma_wait3A_513] : memref<2x64x256xf32, #tpu.memory_space<vmem>> -> memref<1x64x256xf32, #tpu.memory_space<vmem>>
      %dma_wait3A_515 = tpu.memref_squeeze %dma_wait3A_514 : memref<1x64x256xf32, #tpu.memory_space<vmem>> -> memref<64x256xf32, #tpu.memory_space<vmem>>
      %dma_wait3A_516 = arith.constant 0 : i32
      %dma_wait3A_517 = arith.constant 0 : i32
      %dma_wait3A_518 = tpu.memref_slice %arg3[%dma_wait3A_516, %dma_wait3A_517] : memref<64x1000000xf32, #tpu.memory_space<hbm>> -> memref<64x256xf32, #tpu.memory_space<hbm>>
      %dma_wait3A_519 = arith.constant 0 : i32
      %dma_wait3A_520 = arith.constant 0 : i32
      %dma_wait3A_521 = tpu.memref_slice %arg9[%dma_wait3A_511, %dma_wait3A_519, %dma_wait3A_520] : memref<2x64x256xf32, #tpu.memory_space<vmem>> -> memref<1x64x256xf32, #tpu.memory_space<vmem>>
      %dma_wait3A_522 = tpu.memref_squeeze %dma_wait3A_521 : memref<1x64x256xf32, #tpu.memory_space<vmem>> -> memref<64x256xf32, #tpu.memory_space<vmem>>
      %dma_wait3A_523 = arith.constant 0 : i32
      %dma_wait3A_524 = arith.constant 0 : i32
      %dma_wait3A_525 = tpu.memref_slice %arg3[%dma_wait3A_523, %dma_wait3A_524] : memref<64x1000000xf32, #tpu.memory_space<hbm>> -> memref<64x256xf32, #tpu.memory_space<hbm>>
      tpu.wait_dma2 semaphore(%arg13 : memref<!tpu.dma_semaphore, #tpu.memory_space<semaphore_mem>>) src(%dma_wait3A_525 : memref<64x256xf32, #tpu.memory_space<hbm>>) dst(%dma_wait3A_522 : memref<64x256xf32, #tpu.memory_space<vmem>>)
      %broadcast_in_dim3A_526 = vector.broadcast %and3A_492 : i32 to vector<16xi32>
      %broadcast_in_dim3A_527 = vector.broadcast %while3A_490 : i32 to vector<16xi32>
      %gather3A = tpu.vector_load_idx %arg8[%broadcast_in_dim3A_527] : memref<128xi32, #tpu.memory_space<vmem>>[vector<16xi32>], vector<16xi32>,
      %reduce_max3A = arith.constant true
      %reduce_max3A_528 = vector.broadcast %reduce_max3A : i1 to vector<16xi1>
      %reduce_max3A_529 = arith.constant -2147483648 : i32
      %reduce_max3A_530 = vector.broadcast %reduce_max3A_529 : i32 to vector<16xi32>
      %reduce_max3A_531 = arith.xori %gather3A, %reduce_max3A_530 : vector<16xi32>
      %reduce_max3A_532 = tpu.scan <max>, %reduce_max3A_531 masked %reduce_max3A_528 : vector<16xi32>, vector<16xi1> -> vector<16xi32>
      %reduce_max3A_533 = arith.xori %reduce_max3A_532, %reduce_max3A_530 : vector<16xi32>
      %reduce_max3A_534 = vector.extract %reduce_max3A_533[15] : i32 from vector<16xi32>
      %while3A_535 = arith.constant 0 : i32
      %while3A_536 = arith.subi %reduce_max3A_534, %while3A_535 : i32
      %while3A_537 = arith.addi %while3A_535, %while3A_536 : i32
      %while3A_538 = arith.constant 1 : i32
      %while3A_539 = arith.divsi %while3A_536, %while3A_538 : i32
      %while3A_540 = arith.muli %while3A_539, %while3A_538 : i32
      %while3A_541 = arith.addi %while3A_535, %while3A_540 : i32
      %while3A_542 = arith.constant 1 : i32
      scf.for %while3A_546 = %while3A_535 to %while3A_541 step %while3A_542  : i32 {
        %mul3A_547 = arith.constant 32 : i32
        %mul3A_548 = arith.muli %while3A_490, %mul3A_547 : i32
        %add3A_549 = arith.addi %mul3A_548, %while3A_546 : i32
        %broadcast_in_dim3A_550 = vector.broadcast %add3A_549 : i32 to vector<16xi32>
        %gather3A_551 = tpu.vector_load_idx %arg7[%broadcast_in_dim3A_550] : memref<3936xi32, #tpu.memory_space<vmem>>[vector<16xi32>], vector<16xi32>,
        %and3A_552 = arith.constant 255 : i32
        %and3A_553 = vector.broadcast %and3A_552 : i32 to vector<16xi32>
        %and3A_554 = arith.andi %gather3A_551, %and3A_553 : vector<16xi32>
        %shift_right_arithmetic3A = arith.constant 8 : i32
        %shift_right_arithmetic3A_555 = vector.broadcast %shift_right_arithmetic3A : i32 to vector<16xi32>
        %shift_right_arithmetic3A_556 = arith.shrsi %gather3A_551, %shift_right_arithmetic3A_555 : vector<16xi32>
        %broadcast_in_dim3A_557 = vector.broadcast %while3A_546 : i32 to vector<16xi32>
        %add3A_558 = arith.addi %while3A_491, %broadcast_in_dim3A_557 : vector<16xi32>
        %add3A_559 = arith.constant 0 : i32
        %add3A_560 = vector.broadcast %add3A_559 : i32 to vector<16xi32>
        %add3A_561 = arith.addi %add3A_560, %iota3A : vector<16xi32>
        %gather3A_562 = tpu.vector_load_idx %arg9[%broadcast_in_dim3A_526, %add3A_561, %and3A_554] : memref<2x64x256xf32, #tpu.memory_space<vmem>>[vector<16xi32>, vector<16xi32>, vector<16xi32>], vector<16xf32>,
        tpu.vector_store_idx %arg11[%add3A_558, %add3A_561], %gather3A_562 : memref<640x128xf32, #tpu.memory_space<vmem>>[vector<16xi32>, vector<16xi32>], vector<16xf32>,
        %add3A_563 = arith.constant 16 : i32
        %add3A_564 = vector.broadcast %add3A_563 : i32 to vector<16xi32>
        %add3A_565 = arith.addi %add3A_564, %iota3A : vector<16xi32>
        %gather3A_566 = tpu.vector_load_idx %arg9[%broadcast_in_dim3A_526, %add3A_565, %and3A_554] : memref<2x64x256xf32, #tpu.memory_space<vmem>>[vector<16xi32>, vector<16xi32>, vector<16xi32>], vector<16xf32>,
        tpu.vector_store_idx %arg11[%add3A_558, %add3A_565], %gather3A_566 : memref<640x128xf32, #tpu.memory_space<vmem>>[vector<16xi32>, vector<16xi32>], vector<16xf32>,
        %add3A_567 = arith.constant 32 : i32
        %add3A_568 = vector.broadcast %add3A_567 : i32 to vector<16xi32>
        %add3A_569 = arith.addi %add3A_568, %iota3A : vector<16xi32>
        %gather3A_570 = tpu.vector_load_idx %arg9[%broadcast_in_dim3A_526, %add3A_569, %and3A_554] : memref<2x64x256xf32, #tpu.memory_space<vmem>>[vector<16xi32>, vector<16xi32>, vector<16xi32>], vector<16xf32>,
        tpu.vector_store_idx %arg11[%add3A_558, %add3A_569], %gather3A_570 : memref<640x128xf32, #tpu.memory_space<vmem>>[vector<16xi32>, vector<16xi32>], vector<16xf32>,
        %add3A_571 = arith.constant 48 : i32
        %add3A_572 = vector.broadcast %add3A_571 : i32 to vector<16xi32>
        %add3A_573 = arith.addi %add3A_572, %iota3A : vector<16xi32>
        %gather3A_574 = tpu.vector_load_idx %arg9[%broadcast_in_dim3A_526, %add3A_573, %and3A_554] : memref<2x64x256xf32, #tpu.memory_space<vmem>>[vector<16xi32>, vector<16xi32>, vector<16xi32>], vector<16xf32>,
        tpu.vector_store_idx %arg11[%add3A_558, %add3A_573], %gather3A_574 : memref<640x128xf32, #tpu.memory_space<vmem>>[vector<16xi32>, vector<16xi32>], vector<16xf32>,
        %shift_right_arithmetic3A_575 = arith.constant 7 : i32
        %shift_right_arithmetic3A_576 = vector.broadcast %shift_right_arithmetic3A_575 : i32 to vector<16xi32>
        %shift_right_arithmetic3A_577 = arith.shrsi %add3A_558, %shift_right_arithmetic3A_576 : vector<16xi32>
        %and3A_578 = arith.constant 127 : i32
        %and3A_579 = vector.broadcast %and3A_578 : i32 to vector<16xi32>
        %and3A_580 = arith.andi %add3A_558, %and3A_579 : vector<16xi32>
        tpu.vector_store_idx %arg12[%shift_right_arithmetic3A_577, %and3A_580], %shift_right_arithmetic3A_556 masked %eq3A_2 : memref<5x128xi32, #tpu.memory_space<vmem>>[vector<16xi32>, vector<16xi32>], vector<16xi32>, vector<16xi1>
      }
      %while3A_543 = arith.constant 1 : i32
      scf.for %while3A_546 = %while3A_541 to %while3A_537 step %while3A_543  : i32 {
        %mul3A_547 = arith.constant 32 : i32
        %mul3A_548 = arith.muli %while3A_490, %mul3A_547 : i32
        %add3A_549 = arith.addi %mul3A_548, %while3A_546 : i32
        %broadcast_in_dim3A_550 = vector.broadcast %add3A_549 : i32 to vector<16xi32>
        %gather3A_551 = tpu.vector_load_idx %arg7[%broadcast_in_dim3A_550] : memref<3936xi32, #tpu.memory_space<vmem>>[vector<16xi32>], vector<16xi32>,
        %and3A_552 = arith.constant 255 : i32
        %and3A_553 = vector.broadcast %and3A_552 : i32 to vector<16xi32>
        %and3A_554 = arith.andi %gather3A_551, %and3A_553 : vector<16xi32>
        %shift_right_arithmetic3A = arith.constant 8 : i32
        %shift_right_arithmetic3A_555 = vector.broadcast %shift_right_arithmetic3A : i32 to vector<16xi32>
        %shift_right_arithmetic3A_556 = arith.shrsi %gather3A_551, %shift_right_arithmetic3A_555 : vector<16xi32>
        %broadcast_in_dim3A_557 = vector.broadcast %while3A_546 : i32 to vector<16xi32>
        %add3A_558 = arith.addi %while3A_491, %broadcast_in_dim3A_557 : vector<16xi32>
        %add3A_559 = arith.constant 0 : i32
        %add3A_560 = vector.broadcast %add3A_559 : i32 to vector<16xi32>
        %add3A_561 = arith.addi %add3A_560, %iota3A : vector<16xi32>
        %gather3A_562 = tpu.vector_load_idx %arg9[%broadcast_in_dim3A_526, %add3A_561, %and3A_554] : memref<2x64x256xf32, #tpu.memory_space<vmem>>[vector<16xi32>, vector<16xi32>, vector<16xi32>], vector<16xf32>,
        tpu.vector_store_idx %arg11[%add3A_558, %add3A_561], %gather3A_562 : memref<640x128xf32, #tpu.memory_space<vmem>>[vector<16xi32>, vector<16xi32>], vector<16xf32>,
        %add3A_563 = arith.constant 16 : i32
        %add3A_564 = vector.broadcast %add3A_563 : i32 to vector<16xi32>
        %add3A_565 = arith.addi %add3A_564, %iota3A : vector<16xi32>
        %gather3A_566 = tpu.vector_load_idx %arg9[%broadcast_in_dim3A_526, %add3A_565, %and3A_554] : memref<2x64x256xf32, #tpu.memory_space<vmem>>[vector<16xi32>, vector<16xi32>, vector<16xi32>], vector<16xf32>,
        tpu.vector_store_idx %arg11[%add3A_558, %add3A_565], %gather3A_566 : memref<640x128xf32, #tpu.memory_space<vmem>>[vector<16xi32>, vector<16xi32>], vector<16xf32>,
        %add3A_567 = arith.constant 32 : i32
        %add3A_568 = vector.broadcast %add3A_567 : i32 to vector<16xi32>
        %add3A_569 = arith.addi %add3A_568, %iota3A : vector<16xi32>
        %gather3A_570 = tpu.vector_load_idx %arg9[%broadcast_in_dim3A_526, %add3A_569, %and3A_554] : memref<2x64x256xf32, #tpu.memory_space<vmem>>[vector<16xi32>, vector<16xi32>, vector<16xi32>], vector<16xf32>,
        tpu.vector_store_idx %arg11[%add3A_558, %add3A_569], %gather3A_570 : memref<640x128xf32, #tpu.memory_space<vmem>>[vector<16xi32>, vector<16xi32>], vector<16xf32>,
        %add3A_571 = arith.constant 48 : i32
        %add3A_572 = vector.broadcast %add3A_571 : i32 to vector<16xi32>
        %add3A_573 = arith.addi %add3A_572, %iota3A : vector<16xi32>
        %gather3A_574 = tpu.vector_load_idx %arg9[%broadcast_in_dim3A_526, %add3A_573, %and3A_554] : memref<2x64x256xf32, #tpu.memory_space<vmem>>[vector<16xi32>, vector<16xi32>, vector<16xi32>], vector<16xf32>,
        tpu.vector_store_idx %arg11[%add3A_558, %add3A_573], %gather3A_574 : memref<640x128xf32, #tpu.memory_space<vmem>>[vector<16xi32>, vector<16xi32>], vector<16xf32>,
        %shift_right_arithmetic3A_575 = arith.constant 7 : i32
        %shift_right_arithmetic3A_576 = vector.broadcast %shift_right_arithmetic3A_575 : i32 to vector<16xi32>
        %shift_right_arithmetic3A_577 = arith.shrsi %add3A_558, %shift_right_arithmetic3A_576 : vector<16xi32>
        %and3A_578 = arith.constant 127 : i32
        %and3A_579 = vector.broadcast %and3A_578 : i32 to vector<16xi32>
        %and3A_580 = arith.andi %add3A_558, %and3A_579 : vector<16xi32>
        tpu.vector_store_idx %arg12[%shift_right_arithmetic3A_577, %and3A_580], %shift_right_arithmetic3A_556 masked %eq3A_2 : memref<5x128xi32, #tpu.memory_space<vmem>>[vector<16xi32>, vector<16xi32>], vector<16xi32>, vector<16xi1>
      }
      %broadcast_in_dim3A_544 = vector.broadcast %reduce_max3A_534 : i32 to vector<16xi32>
      %add3A_545 = arith.addi %while3A_491, %broadcast_in_dim3A_544 : vector<16xi32>
      scf.yield %add3A_545 : vector<16xi32>
    }
    %eq3A_388 = arith.constant 2 : i32
    %eq3A_389 = arith.cmpi eq, %add3A, %eq3A_388 : i32
    %convert_element_type3A = arith.extui %eq3A_389 : i1 to i32
    %cond3A = arith.constant 0 : i32
    %cond3A_390 = arith.cmpi ne, %convert_element_type3A, %cond3A : i32
    scf.if %cond3A_390 {
      "tpu.region"() ({
        %run_scoped3A = tpu.sem_alloc : memref<!tpu.dma_semaphore, #tpu.memory_space<semaphore_mem>>
        tpu.enqueue_dma source(%arg4 : memref<64x64xf32, #tpu.memory_space<hbm>>) target(%arg10 : memref<64x64xf32, #tpu.memory_space<vmem>>) target_semaphore(%run_scoped3A : memref<!tpu.dma_semaphore, #tpu.memory_space<semaphore_mem>>)
        tpu.wait_dma2 semaphore(%run_scoped3A : memref<!tpu.dma_semaphore, #tpu.memory_space<semaphore_mem>>) src(%arg4 : memref<64x64xf32, #tpu.memory_space<hbm>>) dst(%arg10 : memref<64x64xf32, #tpu.memory_space<vmem>>)
        tpu.yield
      }) : () -> ()
      %broadcast_in_dim3A_490 = arith.constant 122 : i32
      %broadcast_in_dim3A_491 = vector.broadcast %broadcast_in_dim3A_490 : i32 to vector<16xi32>
      %gather3A = tpu.vector_load_idx %arg8[%broadcast_in_dim3A_491] : memref<128xi32, #tpu.memory_space<vmem>>[vector<16xi32>], vector<16xi32>,
      %reduce_max3A = arith.constant true
      %reduce_max3A_492 = vector.broadcast %reduce_max3A : i1 to vector<16xi1>
      %reduce_max3A_493 = arith.constant -2147483648 : i32
      %reduce_max3A_494 = vector.broadcast %reduce_max3A_493 : i32 to vector<16xi32>
      %reduce_max3A_495 = arith.xori %gather3A, %reduce_max3A_494 : vector<16xi32>
      %reduce_max3A_496 = tpu.scan <max>, %reduce_max3A_495 masked %reduce_max3A_492 : vector<16xi32>, vector<16xi1> -> vector<16xi32>
      %reduce_max3A_497 = arith.xori %reduce_max3A_496, %reduce_max3A_494 : vector<16xi32>
      %reduce_max3A_498 = vector.extract %reduce_max3A_497[15] : i32 from vector<16xi32>
      %while3A_499 = arith.constant 0 : i32
      %while3A_500 = arith.subi %reduce_max3A_498, %while3A_499 : i32
      %while3A_501 = arith.addi %while3A_499, %while3A_500 : i32
      %while3A_502 = arith.constant 1 : i32
      %while3A_503 = arith.divsi %while3A_500, %while3A_502 : i32
      %while3A_504 = arith.muli %while3A_503, %while3A_502 : i32
      %while3A_505 = arith.addi %while3A_499, %while3A_504 : i32
      %while3A_506 = arith.constant 1 : i32
      scf.for %while3A_510 = %while3A_499 to %while3A_505 step %while3A_506  : i32 {
        %add3A_511 = arith.constant 3904 : i32
        %add3A_512 = arith.addi %add3A_511, %while3A_510 : i32
        %broadcast_in_dim3A_513 = vector.broadcast %add3A_512 : i32 to vector<16xi32>
        %gather3A_514 = tpu.vector_load_idx %arg7[%broadcast_in_dim3A_513] : memref<3936xi32, #tpu.memory_space<vmem>>[vector<16xi32>], vector<16xi32>,
        %and3A = arith.constant 255 : i32
        %and3A_515 = vector.broadcast %and3A : i32 to vector<16xi32>
        %and3A_516 = arith.andi %gather3A_514, %and3A_515 : vector<16xi32>
        %shift_right_arithmetic3A = arith.constant 8 : i32
        %shift_right_arithmetic3A_517 = vector.broadcast %shift_right_arithmetic3A : i32 to vector<16xi32>
        %shift_right_arithmetic3A_518 = arith.shrsi %gather3A_514, %shift_right_arithmetic3A_517 : vector<16xi32>
        %broadcast_in_dim3A_519 = vector.broadcast %while3A_510 : i32 to vector<16xi32>
        %add3A_520 = arith.addi %while3A_387, %broadcast_in_dim3A_519 : vector<16xi32>
        %add3A_521 = arith.constant 0 : i32
        %add3A_522 = vector.broadcast %add3A_521 : i32 to vector<16xi32>
        %add3A_523 = arith.addi %add3A_522, %iota3A : vector<16xi32>
        %gather3A_524 = tpu.vector_load_idx %arg10[%add3A_523, %and3A_516] : memref<64x64xf32, #tpu.memory_space<vmem>>[vector<16xi32>, vector<16xi32>], vector<16xf32>,
        tpu.vector_store_idx %arg11[%add3A_520, %add3A_523], %gather3A_524 : memref<640x128xf32, #tpu.memory_space<vmem>>[vector<16xi32>, vector<16xi32>], vector<16xf32>,
        %add3A_525 = arith.constant 16 : i32
        %add3A_526 = vector.broadcast %add3A_525 : i32 to vector<16xi32>
        %add3A_527 = arith.addi %add3A_526, %iota3A : vector<16xi32>
        %gather3A_528 = tpu.vector_load_idx %arg10[%add3A_527, %and3A_516] : memref<64x64xf32, #tpu.memory_space<vmem>>[vector<16xi32>, vector<16xi32>], vector<16xf32>,
        tpu.vector_store_idx %arg11[%add3A_520, %add3A_527], %gather3A_528 : memref<640x128xf32, #tpu.memory_space<vmem>>[vector<16xi32>, vector<16xi32>], vector<16xf32>,
        %add3A_529 = arith.constant 32 : i32
        %add3A_530 = vector.broadcast %add3A_529 : i32 to vector<16xi32>
        %add3A_531 = arith.addi %add3A_530, %iota3A : vector<16xi32>
        %gather3A_532 = tpu.vector_load_idx %arg10[%add3A_531, %and3A_516] : memref<64x64xf32, #tpu.memory_space<vmem>>[vector<16xi32>, vector<16xi32>], vector<16xf32>,
        tpu.vector_store_idx %arg11[%add3A_520, %add3A_531], %gather3A_532 : memref<640x128xf32, #tpu.memory_space<vmem>>[vector<16xi32>, vector<16xi32>], vector<16xf32>,
        %add3A_533 = arith.constant 48 : i32
        %add3A_534 = vector.broadcast %add3A_533 : i32 to vector<16xi32>
        %add3A_535 = arith.addi %add3A_534, %iota3A : vector<16xi32>
        %gather3A_536 = tpu.vector_load_idx %arg10[%add3A_535, %and3A_516] : memref<64x64xf32, #tpu.memory_space<vmem>>[vector<16xi32>, vector<16xi32>], vector<16xf32>,
        tpu.vector_store_idx %arg11[%add3A_520, %add3A_535], %gather3A_536 : memref<640x128xf32, #tpu.memory_space<vmem>>[vector<16xi32>, vector<16xi32>], vector<16xf32>,
        %shift_right_arithmetic3A_537 = arith.constant 7 : i32
        %shift_right_arithmetic3A_538 = vector.broadcast %shift_right_arithmetic3A_537 : i32 to vector<16xi32>
        %shift_right_arithmetic3A_539 = arith.shrsi %add3A_520, %shift_right_arithmetic3A_538 : vector<16xi32>
        %and3A_540 = arith.constant 127 : i32
        %and3A_541 = vector.broadcast %and3A_540 : i32 to vector<16xi32>
        %and3A_542 = arith.andi %add3A_520, %and3A_541 : vector<16xi32>
        tpu.vector_store_idx %arg12[%shift_right_arithmetic3A_539, %and3A_542], %shift_right_arithmetic3A_518 masked %eq3A_2 : memref<5x128xi32, #tpu.memory_space<vmem>>[vector<16xi32>, vector<16xi32>], vector<16xi32>, vector<16xi1>
      }
      %while3A_507 = arith.constant 1 : i32
      scf.for %while3A_510 = %while3A_505 to %while3A_501 step %while3A_507  : i32 {
        %add3A_511 = arith.constant 3904 : i32
        %add3A_512 = arith.addi %add3A_511, %while3A_510 : i32
        %broadcast_in_dim3A_513 = vector.broadcast %add3A_512 : i32 to vector<16xi32>
        %gather3A_514 = tpu.vector_load_idx %arg7[%broadcast_in_dim3A_513] : memref<3936xi32, #tpu.memory_space<vmem>>[vector<16xi32>], vector<16xi32>,
        %and3A = arith.constant 255 : i32
        %and3A_515 = vector.broadcast %and3A : i32 to vector<16xi32>
        %and3A_516 = arith.andi %gather3A_514, %and3A_515 : vector<16xi32>
        %shift_right_arithmetic3A = arith.constant 8 : i32
        %shift_right_arithmetic3A_517 = vector.broadcast %shift_right_arithmetic3A : i32 to vector<16xi32>
        %shift_right_arithmetic3A_518 = arith.shrsi %gather3A_514, %shift_right_arithmetic3A_517 : vector<16xi32>
        %broadcast_in_dim3A_519 = vector.broadcast %while3A_510 : i32 to vector<16xi32>
        %add3A_520 = arith.addi %while3A_387, %broadcast_in_dim3A_519 : vector<16xi32>
        %add3A_521 = arith.constant 0 : i32
        %add3A_522 = vector.broadcast %add3A_521 : i32 to vector<16xi32>
        %add3A_523 = arith.addi %add3A_522, %iota3A : vector<16xi32>
        %gather3A_524 = tpu.vector_load_idx %arg10[%add3A_523, %and3A_516] : memref<64x64xf32, #tpu.memory_space<vmem>>[vector<16xi32>, vector<16xi32>], vector<16xf32>,
        tpu.vector_store_idx %arg11[%add3A_520, %add3A_523], %gather3A_524 : memref<640x128xf32, #tpu.memory_space<vmem>>[vector<16xi32>, vector<16xi32>], vector<16xf32>,
        %add3A_525 = arith.constant 16 : i32
        %add3A_526 = vector.broadcast %add3A_525 : i32 to vector<16xi32>
        %add3A_527 = arith.addi %add3A_526, %iota3A : vector<16xi32>
        %gather3A_528 = tpu.vector_load_idx %arg10[%add3A_527, %and3A_516] : memref<64x64xf32, #tpu.memory_space<vmem>>[vector<16xi32>, vector<16xi32>], vector<16xf32>,
        tpu.vector_store_idx %arg11[%add3A_520, %add3A_527], %gather3A_528 : memref<640x128xf32, #tpu.memory_space<vmem>>[vector<16xi32>, vector<16xi32>], vector<16xf32>,
        %add3A_529 = arith.constant 32 : i32
        %add3A_530 = vector.broadcast %add3A_529 : i32 to vector<16xi32>
        %add3A_531 = arith.addi %add3A_530, %iota3A : vector<16xi32>
        %gather3A_532 = tpu.vector_load_idx %arg10[%add3A_531, %and3A_516] : memref<64x64xf32, #tpu.memory_space<vmem>>[vector<16xi32>, vector<16xi32>], vector<16xf32>,
        tpu.vector_store_idx %arg11[%add3A_520, %add3A_531], %gather3A_532 : memref<640x128xf32, #tpu.memory_space<vmem>>[vector<16xi32>, vector<16xi32>], vector<16xf32>,
        %add3A_533 = arith.constant 48 : i32
        %add3A_534 = vector.broadcast %add3A_533 : i32 to vector<16xi32>
        %add3A_535 = arith.addi %add3A_534, %iota3A : vector<16xi32>
        %gather3A_536 = tpu.vector_load_idx %arg10[%add3A_535, %and3A_516] : memref<64x64xf32, #tpu.memory_space<vmem>>[vector<16xi32>, vector<16xi32>], vector<16xf32>,
        tpu.vector_store_idx %arg11[%add3A_520, %add3A_535], %gather3A_536 : memref<640x128xf32, #tpu.memory_space<vmem>>[vector<16xi32>, vector<16xi32>], vector<16xf32>,
        %shift_right_arithmetic3A_537 = arith.constant 7 : i32
        %shift_right_arithmetic3A_538 = vector.broadcast %shift_right_arithmetic3A_537 : i32 to vector<16xi32>
        %shift_right_arithmetic3A_539 = arith.shrsi %add3A_520, %shift_right_arithmetic3A_538 : vector<16xi32>
        %and3A_540 = arith.constant 127 : i32
        %and3A_541 = vector.broadcast %and3A_540 : i32 to vector<16xi32>
        %and3A_542 = arith.andi %add3A_520, %and3A_541 : vector<16xi32>
        tpu.vector_store_idx %arg12[%shift_right_arithmetic3A_539, %and3A_542], %shift_right_arithmetic3A_518 masked %eq3A_2 : memref<5x128xi32, #tpu.memory_space<vmem>>[vector<16xi32>, vector<16xi32>], vector<16xi32>, vector<16xi1>
      }
      %broadcast_in_dim3A_508 = vector.broadcast %reduce_max3A_498 : i32 to vector<16xi32>
      %add3A_509 = arith.addi %while3A_387, %broadcast_in_dim3A_508 : vector<16xi32>
    } else {
    }
    %dma_start3A_391 = arith.constant 0 : i32
    %dma_start3A_392 = arith.constant 0 : i32
    %dma_start3A_393 = arith.constant 0 : i32
    %dma_start3A_394 = tpu.memref_slice %arg11[%dma_start3A_392, %dma_start3A_393] : memref<640x128xf32, #tpu.memory_space<vmem>> -> memref<128x128xf32, #tpu.memory_space<vmem>>
    %dma_start3A_395 = arith.constant 0 : i32
    %dma_start3A_396 = tpu.memref_slice %arg12[%dma_start3A_391, %dma_start3A_395] : memref<5x128xi32, #tpu.memory_space<vmem>> -> memref<1x128xi32, #tpu.memory_space<vmem>>
    %dma_start3A_397 = tpu.memref_squeeze %dma_start3A_396 : memref<1x128xi32, #tpu.memory_space<vmem>> -> memref<128xi32, #tpu.memory_space<vmem>>
    %dma_start3A_398 = arith.constant 0 : i32
    %dma_start3A_399 = arith.constant 0 : i32
    %dma_start3A_400 = tpu.memref_slice %arg5[%dma_start3A_398, %dma_start3A_399] : memref<16512x128xf32, #tpu.memory_space<hbm>> -> memref<16512x128xf32, #tpu.memory_space<hbm>>
    tpu.enqueue_indirect_dma source(%dma_start3A_394 : memref<128x128xf32, #tpu.memory_space<vmem>>) target(%dma_start3A_400 : memref<16512x128xf32, #tpu.memory_space<hbm>>) offsets(%dma_start3A_397 : memref<128xi32, #tpu.memory_space<vmem>>) semaphore(%arg13 : memref<!tpu.dma_semaphore, #tpu.memory_space<semaphore_mem>>)
    %dma_start3A_401 = arith.constant 1 : i32
    %dma_start3A_402 = arith.constant 128 : i32
    %dma_start3A_403 = arith.constant 0 : i32
    %dma_start3A_404 = tpu.memref_slice %arg11[%dma_start3A_402, %dma_start3A_403] : memref<640x128xf32, #tpu.memory_space<vmem>> -> memref<128x128xf32, #tpu.memory_space<vmem>>
    %dma_start3A_405 = arith.constant 0 : i32
    %dma_start3A_406 = tpu.memref_slice %arg12[%dma_start3A_401, %dma_start3A_405] : memref<5x128xi32, #tpu.memory_space<vmem>> -> memref<1x128xi32, #tpu.memory_space<vmem>>
    %dma_start3A_407 = tpu.memref_squeeze %dma_start3A_406 : memref<1x128xi32, #tpu.memory_space<vmem>> -> memref<128xi32, #tpu.memory_space<vmem>>
    %dma_start3A_408 = arith.constant 0 : i32
    %dma_start3A_409 = arith.constant 0 : i32
    %dma_start3A_410 = tpu.memref_slice %arg5[%dma_start3A_408, %dma_start3A_409] : memref<16512x128xf32, #tpu.memory_space<hbm>> -> memref<16512x128xf32, #tpu.memory_space<hbm>>
    tpu.enqueue_indirect_dma source(%dma_start3A_404 : memref<128x128xf32, #tpu.memory_space<vmem>>) target(%dma_start3A_410 : memref<16512x128xf32, #tpu.memory_space<hbm>>) offsets(%dma_start3A_407 : memref<128xi32, #tpu.memory_space<vmem>>) semaphore(%arg13 : memref<!tpu.dma_semaphore, #tpu.memory_space<semaphore_mem>>)
    %dma_start3A_411 = arith.constant 2 : i32
    %dma_start3A_412 = arith.constant 256 : i32
    %dma_start3A_413 = arith.constant 0 : i32
    %dma_start3A_414 = tpu.memref_slice %arg11[%dma_start3A_412, %dma_start3A_413] : memref<640x128xf32, #tpu.memory_space<vmem>> -> memref<128x128xf32, #tpu.memory_space<vmem>>
    %dma_start3A_415 = arith.constant 0 : i32
    %dma_start3A_416 = tpu.memref_slice %arg12[%dma_start3A_411, %dma_start3A_415] : memref<5x128xi32, #tpu.memory_space<vmem>> -> memref<1x128xi32, #tpu.memory_space<vmem>>
    %dma_start3A_417 = tpu.memref_squeeze %dma_start3A_416 : memref<1x128xi32, #tpu.memory_space<vmem>> -> memref<128xi32, #tpu.memory_space<vmem>>
    %dma_start3A_418 = arith.constant 0 : i32
    %dma_start3A_419 = arith.constant 0 : i32
    %dma_start3A_420 = tpu.memref_slice %arg5[%dma_start3A_418, %dma_start3A_419] : memref<16512x128xf32, #tpu.memory_space<hbm>> -> memref<16512x128xf32, #tpu.memory_space<hbm>>
    tpu.enqueue_indirect_dma source(%dma_start3A_414 : memref<128x128xf32, #tpu.memory_space<vmem>>) target(%dma_start3A_420 : memref<16512x128xf32, #tpu.memory_space<hbm>>) offsets(%dma_start3A_417 : memref<128xi32, #tpu.memory_space<vmem>>) semaphore(%arg13 : memref<!tpu.dma_semaphore, #tpu.memory_space<semaphore_mem>>)
    %dma_start3A_421 = arith.constant 3 : i32
    %dma_start3A_422 = arith.constant 384 : i32
    %dma_start3A_423 = arith.constant 0 : i32
    %dma_start3A_424 = tpu.memref_slice %arg11[%dma_start3A_422, %dma_start3A_423] : memref<640x128xf32, #tpu.memory_space<vmem>> -> memref<128x128xf32, #tpu.memory_space<vmem>>
    %dma_start3A_425 = arith.constant 0 : i32
    %dma_start3A_426 = tpu.memref_slice %arg12[%dma_start3A_421, %dma_start3A_425] : memref<5x128xi32, #tpu.memory_space<vmem>> -> memref<1x128xi32, #tpu.memory_space<vmem>>
    %dma_start3A_427 = tpu.memref_squeeze %dma_start3A_426 : memref<1x128xi32, #tpu.memory_space<vmem>> -> memref<128xi32, #tpu.memory_space<vmem>>
    %dma_start3A_428 = arith.constant 0 : i32
    %dma_start3A_429 = arith.constant 0 : i32
    %dma_start3A_430 = tpu.memref_slice %arg5[%dma_start3A_428, %dma_start3A_429] : memref<16512x128xf32, #tpu.memory_space<hbm>> -> memref<16512x128xf32, #tpu.memory_space<hbm>>
    tpu.enqueue_indirect_dma source(%dma_start3A_424 : memref<128x128xf32, #tpu.memory_space<vmem>>) target(%dma_start3A_430 : memref<16512x128xf32, #tpu.memory_space<hbm>>) offsets(%dma_start3A_427 : memref<128xi32, #tpu.memory_space<vmem>>) semaphore(%arg13 : memref<!tpu.dma_semaphore, #tpu.memory_space<semaphore_mem>>)
    %dma_start3A_431 = arith.constant 4 : i32
    %dma_start3A_432 = arith.constant 512 : i32
    %dma_start3A_433 = arith.constant 0 : i32
    %dma_start3A_434 = tpu.memref_slice %arg11[%dma_start3A_432, %dma_start3A_433] : memref<640x128xf32, #tpu.memory_space<vmem>> -> memref<128x128xf32, #tpu.memory_space<vmem>>
    %dma_start3A_435 = arith.constant 0 : i32
    %dma_start3A_436 = tpu.memref_slice %arg12[%dma_start3A_431, %dma_start3A_435] : memref<5x128xi32, #tpu.memory_space<vmem>> -> memref<1x128xi32, #tpu.memory_space<vmem>>
    %dma_start3A_437 = tpu.memref_squeeze %dma_start3A_436 : memref<1x128xi32, #tpu.memory_space<vmem>> -> memref<128xi32, #tpu.memory_space<vmem>>
    %dma_start3A_438 = arith.constant 0 : i32
    %dma_start3A_439 = arith.constant 0 : i32
    %dma_start3A_440 = tpu.memref_slice %arg5[%dma_start3A_438, %dma_start3A_439] : memref<16512x128xf32, #tpu.memory_space<hbm>> -> memref<16512x128xf32, #tpu.memory_space<hbm>>
    tpu.enqueue_indirect_dma source(%dma_start3A_434 : memref<128x128xf32, #tpu.memory_space<vmem>>) target(%dma_start3A_440 : memref<16512x128xf32, #tpu.memory_space<hbm>>) offsets(%dma_start3A_437 : memref<128xi32, #tpu.memory_space<vmem>>) semaphore(%arg13 : memref<!tpu.dma_semaphore, #tpu.memory_space<semaphore_mem>>)
    %dma_wait3A = arith.constant 0 : i32
    %dma_wait3A_441 = arith.constant 0 : i32
    %dma_wait3A_442 = arith.constant 0 : i32
    %dma_wait3A_443 = tpu.memref_slice %arg11[%dma_wait3A_441, %dma_wait3A_442] : memref<640x128xf32, #tpu.memory_space<vmem>> -> memref<128x128xf32, #tpu.memory_space<vmem>>
    %dma_wait3A_444 = arith.constant 0 : i32
    %dma_wait3A_445 = tpu.memref_slice %arg12[%dma_wait3A, %dma_wait3A_444] : memref<5x128xi32, #tpu.memory_space<vmem>> -> memref<1x128xi32, #tpu.memory_space<vmem>>
    %dma_wait3A_446 = tpu.memref_squeeze %dma_wait3A_445 : memref<1x128xi32, #tpu.memory_space<vmem>> -> memref<128xi32, #tpu.memory_space<vmem>>
    %dma_wait3A_447 = arith.constant 0 : i32
    %dma_wait3A_448 = arith.constant 0 : i32
    %dma_wait3A_449 = tpu.memref_slice %arg5[%dma_wait3A_447, %dma_wait3A_448] : memref<16512x128xf32, #tpu.memory_space<hbm>> -> memref<16512x128xf32, #tpu.memory_space<hbm>>
    tpu.wait_indirect_dma semaphore(%arg13 : memref<!tpu.dma_semaphore, #tpu.memory_space<semaphore_mem>>) src(%dma_wait3A_443 : memref<128x128xf32, #tpu.memory_space<vmem>>) dst(%dma_wait3A_449 : memref<16512x128xf32, #tpu.memory_space<hbm>>)
    %dma_wait3A_450 = arith.constant 1 : i32
    %dma_wait3A_451 = arith.constant 128 : i32
    %dma_wait3A_452 = arith.constant 0 : i32
    %dma_wait3A_453 = tpu.memref_slice %arg11[%dma_wait3A_451, %dma_wait3A_452] : memref<640x128xf32, #tpu.memory_space<vmem>> -> memref<128x128xf32, #tpu.memory_space<vmem>>
    %dma_wait3A_454 = arith.constant 0 : i32
    %dma_wait3A_455 = tpu.memref_slice %arg12[%dma_wait3A_450, %dma_wait3A_454] : memref<5x128xi32, #tpu.memory_space<vmem>> -> memref<1x128xi32, #tpu.memory_space<vmem>>
    %dma_wait3A_456 = tpu.memref_squeeze %dma_wait3A_455 : memref<1x128xi32, #tpu.memory_space<vmem>> -> memref<128xi32, #tpu.memory_space<vmem>>
    %dma_wait3A_457 = arith.constant 0 : i32
    %dma_wait3A_458 = arith.constant 0 : i32
    %dma_wait3A_459 = tpu.memref_slice %arg5[%dma_wait3A_457, %dma_wait3A_458] : memref<16512x128xf32, #tpu.memory_space<hbm>> -> memref<16512x128xf32, #tpu.memory_space<hbm>>
    tpu.wait_indirect_dma semaphore(%arg13 : memref<!tpu.dma_semaphore, #tpu.memory_space<semaphore_mem>>) src(%dma_wait3A_453 : memref<128x128xf32, #tpu.memory_space<vmem>>) dst(%dma_wait3A_459 : memref<16512x128xf32, #tpu.memory_space<hbm>>)
    %dma_wait3A_460 = arith.constant 2 : i32
    %dma_wait3A_461 = arith.constant 256 : i32
    %dma_wait3A_462 = arith.constant 0 : i32
    %dma_wait3A_463 = tpu.memref_slice %arg11[%dma_wait3A_461, %dma_wait3A_462] : memref<640x128xf32, #tpu.memory_space<vmem>> -> memref<128x128xf32, #tpu.memory_space<vmem>>
    %dma_wait3A_464 = arith.constant 0 : i32
    %dma_wait3A_465 = tpu.memref_slice %arg12[%dma_wait3A_460, %dma_wait3A_464] : memref<5x128xi32, #tpu.memory_space<vmem>> -> memref<1x128xi32, #tpu.memory_space<vmem>>
    %dma_wait3A_466 = tpu.memref_squeeze %dma_wait3A_465 : memref<1x128xi32, #tpu.memory_space<vmem>> -> memref<128xi32, #tpu.memory_space<vmem>>
    %dma_wait3A_467 = arith.constant 0 : i32
    %dma_wait3A_468 = arith.constant 0 : i32
    %dma_wait3A_469 = tpu.memref_slice %arg5[%dma_wait3A_467, %dma_wait3A_468] : memref<16512x128xf32, #tpu.memory_space<hbm>> -> memref<16512x128xf32, #tpu.memory_space<hbm>>
    tpu.wait_indirect_dma semaphore(%arg13 : memref<!tpu.dma_semaphore, #tpu.memory_space<semaphore_mem>>) src(%dma_wait3A_463 : memref<128x128xf32, #tpu.memory_space<vmem>>) dst(%dma_wait3A_469 : memref<16512x128xf32, #tpu.memory_space<hbm>>)
    %dma_wait3A_470 = arith.constant 3 : i32
    %dma_wait3A_471 = arith.constant 384 : i32
    %dma_wait3A_472 = arith.constant 0 : i32
    %dma_wait3A_473 = tpu.memref_slice %arg11[%dma_wait3A_471, %dma_wait3A_472] : memref<640x128xf32, #tpu.memory_space<vmem>> -> memref<128x128xf32, #tpu.memory_space<vmem>>
    %dma_wait3A_474 = arith.constant 0 : i32
    %dma_wait3A_475 = tpu.memref_slice %arg12[%dma_wait3A_470, %dma_wait3A_474] : memref<5x128xi32, #tpu.memory_space<vmem>> -> memref<1x128xi32, #tpu.memory_space<vmem>>
    %dma_wait3A_476 = tpu.memref_squeeze %dma_wait3A_475 : memref<1x128xi32, #tpu.memory_space<vmem>> -> memref<128xi32, #tpu.memory_space<vmem>>
    %dma_wait3A_477 = arith.constant 0 : i32
    %dma_wait3A_478 = arith.constant 0 : i32
    %dma_wait3A_479 = tpu.memref_slice %arg5[%dma_wait3A_477, %dma_wait3A_478] : memref<16512x128xf32, #tpu.memory_space<hbm>> -> memref<16512x128xf32, #tpu.memory_space<hbm>>
    tpu.wait_indirect_dma semaphore(%arg13 : memref<!tpu.dma_semaphore, #tpu.memory_space<semaphore_mem>>) src(%dma_wait3A_473 : memref<128x128xf32, #tpu.memory_space<vmem>>) dst(%dma_wait3A_479 : memref<16512x128xf32, #tpu.memory_space<hbm>>)
    %dma_wait3A_480 = arith.constant 4 : i32
    %dma_wait3A_481 = arith.constant 512 : i32
    %dma_wait3A_482 = arith.constant 0 : i32
    %dma_wait3A_483 = tpu.memref_slice %arg11[%dma_wait3A_481, %dma_wait3A_482] : memref<640x128xf32, #tpu.memory_space<vmem>> -> memref<128x128xf32, #tpu.memory_space<vmem>>
    %dma_wait3A_484 = arith.constant 0 : i32
    %dma_wait3A_485 = tpu.memref_slice %arg12[%dma_wait3A_480, %dma_wait3A_484] : memref<5x128xi32, #tpu.memory_space<vmem>> -> memref<1x128xi32, #tpu.memory_space<vmem>>
    %dma_wait3A_486 = tpu.memref_squeeze %dma_wait3A_485 : memref<1x128xi32, #tpu.memory_space<vmem>> -> memref<128xi32, #tpu.memory_space<vmem>>
    %dma_wait3A_487 = arith.constant 0 : i32
    %dma_wait3A_488 = arith.constant 0 : i32
    %dma_wait3A_489 = tpu.memref_slice %arg5[%dma_wait3A_487, %dma_wait3A_488] : memref<16512x128xf32, #tpu.memory_space<hbm>> -> memref<16512x128xf32, #tpu.memory_space<hbm>>
    tpu.wait_indirect_dma semaphore(%arg13 : memref<!tpu.dma_semaphore, #tpu.memory_space<semaphore_mem>>) src(%dma_wait3A_483 : memref<128x128xf32, #tpu.memory_space<vmem>>) dst(%dma_wait3A_489 : memref<16512x128xf32, #tpu.memory_space<hbm>>)
    return
  }
}

</mosaic_0001>

<sc_bundles>
// kernel: kernel.3.cloned.1.call-start
scs
__scs_entry_jumppad:
0x0: {  	(pc) =	sbr.rel $0x88, $3  }
0x1: {  	(tag) =	ssettag $0x0;
	lr =	simm.s32 $0x1  }
0x2: {  	[smem:$0x3F9F] =	sst lr;
	_ =	strace $0xD0000000  }
0x3: {  	_ = 	snop  }
0x4: {  	_ = 	snop  }
0x5: {  	_ = 	snop  }
0x6: {  	_ = 	snop  }
0x7: {  	_ = 	snop  }
__scs_overlays_trampoline_lowered:
0x8: {  	[smem:$0x3FAE] =	sst s0  }
0x9: {  	[smem:$0x3FAF] =	sst s1  }
0xa: {  	[smem:$0x3FB0] =	sst s2  }
0xb: {  	[smem:$0x3FB1] =	sst s3  }
0xc: {  	[smem:$0x3FB2] =	sst s4  }
0xd: {  	[smem:$0x3FB3] =	sst s5  }
0xe: {  	[smem:$0x3FB4] =	sst s6  }
0xf: {  	[smem:$0x3FB5] =	sst s7  }
0x10: {  	[smem:$0x3FB6] =	sst s8  }
0x11: {  	[smem:$0x3FB7] =	sst s9;
	s0 =	simm.s32 @!p0 $0x0  }
0x12: {  	s1 =	sld [smem:$0x3F9D];
	s0 =	simm.s32 @p0 $0x1  }
0x13: {  	[smem:$0x3FB8] =	sst s0;
	s0 =	simm.s32 @!p1 $0x0  }
0x14: {  	s2 =	sld [smem:$0x3F9C];
	s0 =	simm.s32 @p1 $0x1  }
0x15: {  	[smem:$0x3FB9] =	sst s0;
	s0 =	simm.s32 @!p2 $0x0  }
0x16: {  	s3 =	sld [smem:$0x3FDB];
	s0 =	simm.s32 @p2 $0x1  }
0x17: {  	s4 =	simm.s32 $0x1BF5;
	[smem:$0x3FBB] =	sst s0  }
0x18: {  	s0 =	sld [smem:$0x3F9E];
	_ =	swait.ge [sflag:s4], $0x0  }
0x19: {  	s7 =	sld [smem:$0x3F9F]  }
0x1a: {  	s8 =	sadd.s32 $0xFFFFE003, lr  }
0x1b: {  	s9 =	sadd.s32 $0xFFFFFEF7, lr;
	s5 =	simm.s32 $0xFFFFFFFF;
	p2 =	slt.u32 s8, $0xFFFFF086  }
0x1c: {  	p1 =	slt.u32 s9, $0xF7A;
	s5 =	simm.s32 @!p2 $0x0  }
0x1d: {  	s5 =	simm.s32 @p1 $0x1;
	p0 =	seq.s32 s7, s2  }
0x1e: {  	s7 =	smul.u32 @!p0 $0xF7A, s2;
	p2 =	seq.s32 @!p0 s5, $0x0  }
0x1f: {  	s9 =	smul.u32 $0xF7A, s1;
	s8 =	simm.s32 @!p0 $0x1BF5;
	p2 =	por !p2, p0  }
0x20: {  	[sflag:s8] =	ssyncset.s32 @!p0 $0xFFFFF086;
	s6 =	sadd.s32 @!p0 s3, s7;
	s7 =	simm.s32 @!p0 $0x108  }
0x21: {  	s3 =	sadd.s32 s3, s9;
	s6 =	sadd.s32 @!p0 $0x88, s6;
	s7 =	simm.s32 @p2 $0x1082  }
0x22: {  	[simem:s7], [sflag:s8] =	dma.local @!p0 [hbm:s6], $0xF7A  }
0x23: {  	s9 =	sor.u32 $0xD0000000, s2;
	s6 =	simm.s32 $0x108;
	_ =	swait.ge @!p0 [sflag:s8], $0x0  }
0x24: {  	s3 =	sadd.s32 $0x88, s3;
	s6 =	simm.s32 @!p1 $0x1082;
	[sflag:s4] =	ssyncset.s32 $0xFFFFF086  }
0x25: {  	[simem:s6], [sflag:s4] =	dma.local [hbm:s3], $0xF7A  }
0x26: {  	[smem:$0x3F9F] =	sst s1;
	(tag) =	ssettag s2;
	_ =	strace s9  }
0x27: {  	s1 =	sld [smem:$0x3FAF]  }
0x28: {  	s2 =	sld [smem:$0x3FB0]  }
0x29: {  	s4 =	sld [smem:$0x3FB2]  }
0x2a: {  	p0 =	seq.s32 s5, $0x0;
	s5 =	sld [smem:$0x3FB3]  }
0x2b: {  	s6 =	sld [smem:$0x3FB4]  }
0x2c: {  	s7 =	sld [smem:$0x3FB5]  }
0x2d: {  	s3 =	simm.s32 $0x108;
	s8 =	sld [smem:$0x3FB6]  }
0x2e: {  	s3 =	simm.s32 @!p0 $0x1082;
	s9 =	sld [smem:$0x3FB7]  }
0x2f: {  	lr =	sadd.s32 s0, s3;
	s0 =	sld [smem:$0x3FAE]  }
0x30: {  	s3 =	sld [smem:$0x3FB1]  }
0x31: {  	[smem:$0x3FBA] =	sst s10  }
0x32: {  	s10 =	sld [smem:$0x3FB8];
	_ =	sdelay $0x3  }
0x33: {  	p0 =	seq.s32 s10, $0x1;
	s10 =	sld [smem:$0x3FBA];
	_ =	sdelay $0x3  }
0x34: {  	[smem:$0x3FBA] =	sst s10  }
0x35: {  	s10 =	sld [smem:$0x3FB9];
	_ =	sdelay $0x3  }
0x36: {  	p1 =	seq.s32 s10, $0x1;
	s10 =	sld [smem:$0x3FBA];
	_ =	sdelay $0x3  }
0x37: {  	[smem:$0x3FBA] =	sst s10  }
0x38: {  	s10 =	sld [smem:$0x3FBB]  }
0x39: {  	_ = 	snop;
	(pc) =	sbr.ind lr, $3  }
0x3a: {  	_ = 	snop  }
0x3b: {  	_ = 	snop  }
0x3c: {  	p2 =	seq.s32 s10, $0x1;
	s10 =	sld [smem:$0x3FBA]  }
0x3d: {  	_ =	shalt  }
0x3e: {  	_ =	shalt  }
0x3f: {  	_ =	shalt  }
0x40: {  	_ =	shalt  }
0x41: {  	_ =	shalt  }
0x42: {  	_ =	shalt  }
0x43: {  	_ =	shalt  }
0x44: {  	_ =	shalt  }
0x45: {  	_ =	shalt  }
0x46: {  	_ =	shalt  }
0x47: {  	_ =	shalt  }
0x48: {  	_ =	shalt  }
0x49: {  	_ =	shalt  }
0x4a: {  	_ =	shalt  }
0x4b: {  	_ =	shalt  }
0x4c: {  	_ =	shalt  }
0x4d: {  	_ =	shalt  }
0x4e: {  	_ =	shalt  }
0x4f: {  	_ =	shalt  }
0x50: {  	_ =	shalt  }
0x51: {  	_ =	shalt  }
0x52: {  	_ =	shalt  }
0x53: {  	_ =	shalt  }
0x54: {  	_ =	shalt  }
0x55: {  	_ =	shalt  }
0x56: {  	_ =	shalt  }
0x57: {  	_ =	shalt  }
0x58: {  	_ =	shalt  }
0x59: {  	_ =	shalt  }
0x5a: {  	_ =	shalt  }
0x5b: {  	_ =	shalt  }
0x5c: {  	_ =	shalt  }
0x5d: {  	_ =	shalt  }
0x5e: {  	_ =	shalt  }
0x5f: {  	_ =	shalt  }
0x60: {  	_ =	shalt  }
0x61: {  	_ =	shalt  }
0x62: {  	_ =	shalt  }
0x63: {  	_ =	shalt  }
0x64: {  	_ =	shalt  }
0x65: {  	_ =	shalt  }
0x66: {  	_ =	shalt  }
0x67: {  	_ =	shalt  }
0x68: {  	_ =	shalt  }
0x69: {  	_ =	shalt  }
0x6a: {  	_ =	shalt  }
0x6b: {  	_ =	shalt  }
0x6c: {  	_ =	shalt  }
0x6d: {  	_ =	shalt  }
0x6e: {  	_ =	shalt  }
0x6f: {  	_ =	shalt  }
0x70: {  	_ =	shalt  }
0x71: {  	_ =	shalt  }
0x72: {  	_ =	shalt  }
0x73: {  	_ =	shalt  }
0x74: {  	_ =	shalt  }
0x75: {  	_ =	shalt  }
0x76: {  	_ =	shalt  }
0x77: {  	_ =	shalt  }
0x78: {  	_ =	shalt  }
0x79: {  	_ =	shalt  }
0x7a: {  	_ =	shalt  }
0x7b: {  	_ =	shalt  }
0x7c: {  	_ =	shalt  }
0x7d: {  	_ =	shalt  }
0x7e: {  	_ =	shalt  }
0x7f: {  	_ =	shalt  }
0x80: {  	_ =	shalt  }
0x81: {  	_ =	shalt  }
0x82: {  	_ =	shalt  }
0x83: {  	_ =	shalt  }
0x84: {  	_ =	shalt  }
0x85: {  	_ =	shalt  }
0x86: {  	_ =	shalt  }
0x87: {  	_ =	shalt  }
.Lfunc_end0:
.L_simem_size_0:
called_computation_lowered:
.L_overlay_start_0:
0x88: {  	s2 =	sld [smem:$0x3FD9]  }
0x89: {  	s3 =	sld [smem:$0x3FFE];
	_ =	sdelay $0x1  }
0x8a: {  	s1 =	srdreg.scid  }
0x8b: {  	s0 =	sand.u32 $0x1, s1  }
0x8c: {  	s17 =	sshll.u32 s0, $0xA;
	s2 =	sadd.s32 s3, s2  }
0x8d: {  	s2 =	sadd.s32 s2, s17  }
0x8e: {  	[smem:$0x3FC6] =	sst s2  }
0x8f: {  	_ = 	snop  }
0x90: {  	s2 =	sld [smem:$0x3FC9]  }
0x91: {  	s18 =	sld [smem:$0x3FC8]  }
0x92: {  	s4 =	sld [smem:$0x3FD0];
	(tm) =	ssettm $0x1  }
0x93: {  	s5 =	sld [smem:$0x3FFB];
	_ =	sdelay $0x3  }
0x94: {  	_ =	strace s5  }
0x95: {  	s5 =	sld [smem:$0x3FFC];
	_ =	sdelay $0x3  }
0x96: {  	_ =	strace s5  }
0x97: {  	s5 =	sld [smem:$0x3FFD];
	_ =	sdelay $0x3  }
0x98: {  	_ =	strace s5  }
0x99: {  	_ =	strace $0x8FFFFFFF  }
0x9a: {  	s19 =	sld [smem:$0x3FDB];
	_ =	sdelay $0x1  }
0x9b: {  	s6 =	simm.s32 $_scs_section_size  }
0x9c: {  	s7 =	simm.s32 $_size__tile_overlayer_lowered;
	s8 =	simm.s32 $_tile_overlayer_lowered  }
0x9d: {  	s22 =	simm.s32 $0x1BFF;
	s21 =	sshll.u32 s8, $0x1;
	s5 =	sadd.s32 s6, s19  }
0x9e: {  	s9 =	simm.s32 $0x0;
	s20 =	sshll.u32 s7, $0x1;
	s7 =	sadd.s32 s21, s5  }
0x9f: {  	[timem:s9], [sflag:s22] =	dma.local [hbm:s7], s20  }
0xa0: {  	_ =	swait.ge [sflag:s22], s20  }
0xa1: {  	s6 =	ssub.s32 $0x0, s20;
	[sflag:s22] =	ssyncset.done $0x0  }
0xa2: {  	[sflag:s22] =	ssyncadd.s32 s6;
	_ =	sdelay $0x1  }
0xa3: {  	s23 =	simm.s32 $0x1B8B  }
0xa4: {  	_ =	swait.ge [sflag:s23], $0x1  }
0xa5: {  	[sflag:s23] =	ssyncset.done $0x0  }
0xa6: {  	s25 =	simm.s32 $0x1B8E;
	s24 =	sld [smem:$0x3FFE];
	[sflag:s23] =	ssyncadd.s32 $0xFFFFFFFF  }
0xa7: {  	s26 =	simm.s32 $execute0_lowered;
	[smem:$0x3FD2] =	sst s25  }
0xa8: {  	s7 =	sshll.u32 s26, $0x1;
	_ =	strace $0x80000046;
	[dreg:$0x1] =	wrdreg $0xFFFFFFFF  }
0xa9: {  	s28 =	simm.s32 $_size_execute0_lowered;
	s5 =	sadd.s32 s5, s7;
	[dreg:$0x0] =	wrdreg $0x0  }
0xaa: {  	s7 =	sshll.u32 s28, $0x1;
	[dreg:$0x2] =	wrdreg s5  }
0xab: {  	[dreg:$0x3] =	wrdreg s7  }
0xac: {  	[dreg:$0x4] =	wrdreg $0xC0  }
0xad: {  	_ =	task [dreg:s9], $0x5FFFF  }
0xae: {  	[dreg:$0x1] =	wrdreg $0xFFFFFFFF  }
0xaf: {  	[dreg:$0x0] =	wrdreg $0x60  }
0xb0: {  	[dreg:$0x2] =	wrdreg s2  }
0xb1: {  	[dreg:$0x3] =	wrdreg s18  }
0xb2: {  	[dreg:$0x4] =	wrdreg s4  }
0xb3: {  	[dreg:$0x5] =	wrdreg s24  }
0xb4: {  	[dreg:$0x6] =	wrdreg $0x9  }
0xb5: {  	_ =	task.clear_ibuf [dreg:s9], $0x7FFFF;
	_ =	strace $0x90000046  }
0xb6: {  	s29 =	simm.s32 $0x9;
	_ =	strace $0x80000048  }
0xb7: {  	_ =	swait.ge [sflag:s29], $0x1  }
0xb8: {  	[sflag:s29] =	ssyncadd.s32 $0xFFFFFFFF  }
0xb9: {  	_ =	strace $0x90000048  }
0xba: {  	_ =	sfence  }
0xbb: {  	s30 =	sld [smem:$0x0];
	_ =	sdelay $0x2  }
0xbc: {  	s31 =	sshll.u32 s1, $0xD;
	s1 =	sshrl.u32 s1, $0x2  }
0xbd: {  	s3 =	sand.u32 $0x4000, s31;
	s1 =	sadd.s32 s1, s30  }
0xbe: {  	s0 =	sor.u32 s3, s0;
	s1 =	sshll.u32 s1, $0x11  }
0xbf: {  	s0 =	sor.u32 s1, s0  }
0xc0: {  	s0 =	sadd.s32 $0x8F2B, s0  }
0xc1: {  	[sflag:s0] =	ssyncadd.remote.s32 $0x1  }
0xc2: {  	_ =	sfence.sel $0xFFFF  }
0xc3: {  	[dreg:$0x0] =	wrdreg $0xFFFFFFFF;
	(pc) =	sbr.abs _section_cstart, $3  }
0xc4: {  	[dreg:$0x1] =	wrdreg $0xFFFFFFFF  }
0xc5: {  	_ =	task.clear_ibuf [dreg:s9], $0x2FFFF;
	_ =	strace $0x9FFFFFFF  }
0xc6: {  	(tm) =	ssettm $0x7FFFFFFF  }
0xc7: {  	_ =	shalt  }
tec
execute0_lowered:
.L_overlay_start_1:
0x0: {  	(tag) =	ssettag $0x1  }
0x1: {  	v0 =	vimm.s32 $0xB80  }
0x2: {  	vm14 =	vcmask $0x300;
	vm13 =	vcmask $0x704;
	vm12 =	vcmask $0xB08  }
0x3: {  	vm11 =	vcmask $0xF0C;
	vm10 =	vcmask $0x1310;
	vm9 =	vcmask $0x1714  }
0x4: {  	vm8 =	vcmask $0x1B18;
	vm7 =	vcmask $0x1F1C;
	vm6 =	vcmask $0x2320  }
0x5: {  	vm5 =	vcmask $0x2724;
	vm4 =	vcmask $0x2B28;
	vm3 =	vcmask $0x2F2C  }
0x6: {  	vm2 =	vcmask $0x3330;
	vm1 =	vcmask $0x3734;
	vm0 =	vcmask $0x3B38  }
0x7: {  	v13 =	vimm.s32 $0x1B80;
	v14 =	vimm.s32 $0x2B80;
	v15 =	vimm.s32 $0x3B80  }
0x8: {  	v0 =	vsel vm14, $0x0, v0;
	v13 =	vsel vm14, $0x1000, v13;
	v14 =	vsel vm14, $0x2000, v14  }
0x9: {  	s0 =	srdreg.scid;
	s1 =	stileid.u32;
	v15 =	vsel vm14, $0x3000, v15;
	v0 =	vsel vm13, $0x80, v0;
	v13 =	vsel vm13, $0x1080, v13  }
0xa: {  	s3 =	sand.u32 $0x1, s0;
	s26 =	sshll.u32 s1, $0x1;
	v14 =	vsel vm13, $0x2080, v14;
	v15 =	vsel vm13, $0x3080, v15;
	v0 =	vsel vm12, $0x100, v0  }
0xb: {  	s0 =	sor.u32 s3, s26;
	v13 =	vsel vm12, $0x1100, v13;
	v14 =	vsel vm12, $0x2100, v14;
	v15 =	vsel vm12, $0x3100, v15  }
0xc: {  	v1 =	vsel vm11, $0x180, v0;
	v0 =	vmov s0;
	v13 =	vsel vm11, $0x1180, v13  }
0xd: {  	v14 =	vsel vm11, $0x2180, v14;
	v15 =	vsel vm11, $0x3180, v15;
	v2 =	vsel vm10, $0x200, v1  }
0xe: {  	v1 =	vimm.s32 $0x0;
	v13 =	vsel vm10, $0x1200, v13;
	v14 =	vsel vm10, $0x2200, v14  }
0xf: {  	v15 =	vsel vm10, $0x3200, v15;
	v3 =	vsel vm9, $0x280, v2;
	v2 =	vlaneseq.u32  }
0x10: {  	v13 =	vsel vm9, $0x1280, v13;
	v14 =	vsel vm9, $0x2280, v14;
	v15 =	vsel vm9, $0x3280, v15  }
0x11: {  	v4 =	vsel vm8, $0x300, v3;
	v3 =	vor.u32 $0x4000, v2;
	v11 =	vmul.u32 $0x100, v2  }
0x12: {  	s13 =	rddreg [dreg:$0x0];
	v13 =	vsel vm8, $0x1300, v13;
	v14 =	vsel vm8, $0x2300, v14;
	v15 =	vsel vm8, $0x3300, v15  }
0x13: {  	s2 =	rddreg [dreg:$0x1];
	v5 =	vsel vm7, $0x380, v4;
	v4 =	vor.u32 $0x4010, v2;
	v13 =	vsel vm7, $0x1380, v13  }
0x14: {  	s4 =	rddreg [dreg:$0x3];
	s5 =	simm.s32 $0x0;
	v14 =	vsel vm7, $0x2380, v14;
	v15 =	vsel vm7, $0x3380, v15;
	v6 =	vsel vm6, $0x800, v5  }
0x15: {  	s14 =	simm.s32 $0x7B;
	s18 =	simm.s32 $0x1780;
	s19 =	simm.s32 $0x800;
	v5 =	vor.u32 $0x4020, v2;
	v13 =	vsel vm6, $0x1800, v13;
	v14 =	vsel vm6, $0x2800, v14  }
0x16: {  	s20 =	simm.s32 $0x2;
	s22 =	simm.s32 $0x1800;
	s23 =	simm.s32 $0x1;
	v15 =	vsel vm6, $0x3800, v15;
	v7 =	vsel vm5, $0x880, v6;
	v6 =	vor.u32 $0x4030, v2  }
0x17: {  	s24 =	simm.s32 $0xB800;
	s25 =	simm.s32 $0x1F800;
	s28 =	simm.s32 $0x80;
	v13 =	vsel vm5, $0x1880, v13;
	v14 =	vsel vm5, $0x2880, v14;
	v15 =	vsel vm5, $0x3880, v15  }
0x18: {  	s30 =	simm.s32 $0x0;
	[smem:$0x7FF] =	sst s5;
	s6 =	sadd.s32 $0x400, s4;
	v8 =	vsel vm4, $0x900, v7;
	v7 =	vor.u32 $0x4040, v2;
	v13 =	vsel vm4, $0x1900, v13  }
0x19: {  	s29 =	sadd.s32 $0x100, s13;
	s8 =	sadd.s32 $0x200, s13;
	s9 =	sadd.s32 $0x300, s13;
	v14 =	vsel vm4, $0x2900, v14;
	v15 =	vsel vm4, $0x3900, v15;
	v9 =	vsel vm3, $0x980, v8  }
0x1a: {  	s10 =	sadd.s32 $0x400, s13;
	s11 =	sadd.s32 $0x500, s13;
	s12 =	sadd.s32 $0x600, s13;
	v8 =	vor.u32 $0x4050, v2;
	v13 =	vsel vm3, $0x1980, v13;
	v14 =	vsel vm3, $0x2980, v14  }
.Ltmp0:
0x1b: {  	s13 =	sadd.s32 $0x700, s13;
	p0 =	seq.s32 s1, $0x0;
	v15 =	vsel vm3, $0x3980, v15;
	v10 =	vsel vm2, $0xA00, v9;
	v9 =	vor.u32 $0x4060, v2;
	(pc) =	sbr.rel .LBB2_1-.Ltmp0, $4  }
0x1c: {  	s3 =	ssub.s32 $0x2, s3;
	_ =	strace $0x80000047;
	[dreg:$0x5] =	wrdreg s29;
	v13 =	vsel vm2, $0x1A00, v13;
	v14 =	vsel vm2, $0x2A00, v14;
	v15 =	vsel vm2, $0x3A00, v15  }
0x1d: {  	s14 =	simm.s32 @!p0 $0x7A;
	s26 =	simm.s32 $0x9800;
	s7 =	sshrl.u32 s3, $0x1;
	v12 =	vsel vm1, $0xA80, v10;
	v10 =	vor.u32 $0x4070, v2;
	v13 =	vsel vm1, $0x1A80, v13  }
0x1e: {  	s31 =	sshll.u32 s0, $0x8;
	s16 =	sshll.u32 s0, $0xB;
	s3 =	ssub.s32 s3, s7;
	v14 =	vsel vm1, $0x2A80, v14;
	v15 =	vsel vm1, $0x3A80, v15;
	v12 =	vsel vm0, $0xB00, v12  }
0x1f: {  	p0 =	sne.s32 s0, $0x2;
	s15 =	sadd.s32 s2, s31;
	s17 =	smax.u32 s3, $0x1;
	v13 =	vsel vm0, $0x1B00, v13;
	v14 =	vsel vm0, $0x2B00, v14;
	v15 =	vsel vm0, $0x3B00, v15  }
.LBB2_117:
0x20: {  	_ = 	snop  }
.LBB2_122:
0x21: {  	_ =	sdelay $0x3  }
0x22: {  	[tilespmem:v21+s25+$0x0] =	vst.idx.msk @p1 $0x1, v26  }
0x23: {  	v17 =	vld.idx.msk [tilespmem:v25+s19+$0x0], $0xffff;
	_ =	sdelay $0x3  }
0x24: {  	v18 =	vmul.u32 $0x80, v2  }
0x25: {  	v19 =	vand.u32 $0xFF, v17  }
0x26: {  	v20 =	vadd.s32 v18, v19;
	_ =	sdelay $0x2  }
0x27: {  	v16 =	vadd.s32 s4, v16  }
0x28: {  	v59 =	vshll.u32 v16, $0x7  }
0x29: {  	v22 =	vor.u32 v2, v59;
	v23 =	vor.u32 $0x800, v18;
	v20 =	vld.idx.msk [tilespmem:v20+s26+$0x0], $0xffff  }
0x2a: {  	v23 =	vadd.s32 v23, v19;
	_ =	sdelay $0x3  }
0x2b: {  	v60 =	vor.u32 $0x10, v2;
	[tilespmem:v22+s24+$0x0] =	vst.idx.msk $0xffff, v20  }
0x2c: {  	v61 =	vor.u32 $0x1000, v18;
	v20 =	vor.u32 v60, v59;
	v22 =	vld.idx.msk [tilespmem:v23+s26+$0x0], $0xffff  }
0x2d: {  	v23 =	vadd.s32 v61, v19;
	_ =	sdelay $0x3  }
0x2e: {  	v62 =	vor.u32 $0x20, v2;
	[tilespmem:v20+s24+$0x0] =	vst.idx.msk $0xffff, v22  }
0x2f: {  	v18 =	vor.u32 $0x1800, v18;
	v20 =	vor.u32 v62, v59;
	v22 =	vld.idx.msk [tilespmem:v23+s26+$0x0], $0xffff  }
0x30: {  	v18 =	vadd.s32 v18, v19;
	_ =	sdelay $0x3  }
0x31: {  	v63 =	vor.u32 $0x30, v2;
	[tilespmem:v20+s24+$0x0] =	vst.idx.msk $0xffff, v22  }
0x32: {  	v19 =	vor.u32 v63, v59;
	v18 =	vld.idx.msk [tilespmem:v18+s26+$0x0], $0xffff;
	_ =	sdelay $0x4  }
0x33: {  	v17 =	vshra.s32 v17, $0x8;
	[tilespmem:v19+s24+$0x0] =	vst.idx.msk $0xffff, v18  }
0x34: {  	[tilespmem:v16+s25+$0x0] =	vst.idx.msk $0x1, v17  }
.LBB2_123:
0x35: {  	[hbm4b:s6+s28] =	stream.indirect.scatter [tilespmem:s24], [sflag:$0x1], $0x80, s25, s28, $0xb8;
	[tilespmem:$0x1FC00] =	vst v63  }
0x36: {  	s0 =	simm.s32 $0x1F880;
	s1 =	simm.s32 $0xF800  }
0x37: {  	[hbm4b:s6+s28] =	stream.indirect.scatter [tilespmem:s1], [sflag:$0x1], $0x80, s0, s28, $0xb8;
	[tilespmem:$0x1FC00] =	vst v63  }
0x38: {  	s3 =	simm.s32 $0x1F900;
	s4 =	simm.s32 $0x13800  }
0x39: {  	[hbm4b:s6+s28] =	stream.indirect.scatter [tilespmem:s4], [sflag:$0x1], $0x80, s3, s28, $0xb8;
	[tilespmem:$0x1FC00] =	vst v63  }
0x3a: {  	s7 =	simm.s32 $0x1F980;
	s21 =	simm.s32 $0x17800  }
0x3b: {  	[hbm4b:s6+s28] =	stream.indirect.scatter [tilespmem:s21], [sflag:$0x1], $0x80, s7, s28, $0xb8;
	[tilespmem:$0x1FC00] =	vst v63  }
0x3c: {  	s29 =	simm.s32 $0x1FA00;
	s31 =	simm.s32 $0x1B800  }
0x3d: {  	[hbm4b:s6+s28] =	stream.indirect.scatter [tilespmem:s31], [sflag:$0x1], $0x80, s29, s28, $0xb8;
	[tilespmem:$0x1FC00] =	vst v63  }
0x3e: {  	_ =	swait.ge [sflag:s23], $0x4000  }
0x3f: {  	[sflag:s23] =	ssyncset.done $0x0  }
0x40: {  	[sflag:s23] =	ssyncadd.s32 $0xFFFFC000  }
0x41: {  	_ =	swait.ge [sflag:s23], $0x4000  }
0x42: {  	[sflag:s23] =	ssyncset.done $0x0  }
0x43: {  	[sflag:s23] =	ssyncadd.s32 $0xFFFFC000  }
0x44: {  	_ =	swait.ge [sflag:s23], $0x4000  }
0x45: {  	[sflag:s23] =	ssyncset.done $0x0  }
0x46: {  	s30 =	sadd.s32 $0x1, s30;
	[sflag:s23] =	ssyncadd.s32 $0xFFFFC000  }
0x47: {  	p1 =	sne.s32 s30, s17;
	_ =	swait.ge [sflag:s23], $0x4000  }
.Ltmp1:
0x48: {  	[sflag:s23] =	ssyncset.done $0x0;
	(pc) =	sbr.rel @!p1 .LBB2_124-.Ltmp1, $4  }
0x49: {  	[sflag:s23] =	ssyncadd.s32 $0xFFFFC000  }
0x4a: {  	_ =	swait.ge [sflag:s23], $0x4000  }
0x4b: {  	[sflag:s23] =	ssyncset.done $0x0  }
0x4c: {  	[sflag:s23] =	ssyncadd.s32 $0xFFFFC000  }
.LBB2_1:
0x4d: {  	[tilespmem:$0x1780] =	vst v1  }
0x4e: {  	[tilespmem:$0x1790] =	vst v1  }
0x4f: {  	[tilespmem:$0x17A0] =	vst v1  }
0x50: {  	[tilespmem:$0x17B0] =	vst v1  }
0x51: {  	[tilespmem:$0x17C0] =	vst v1  }
0x52: {  	[tilespmem:$0x17D0] =	vst v1  }
0x53: {  	[tilespmem:$0x17E0] =	vst v1  }
0x54: {  	[tilespmem:$0x17F0] =	vst v1  }
0x55: {  	[tilespmem:$0x1F800] =	vst v3  }
0x56: {  	[tilespmem:$0x1F810] =	vst v4  }
0x57: {  	[tilespmem:$0x1F820] =	vst v5  }
0x58: {  	[tilespmem:$0x1F830] =	vst v6  }
0x59: {  	[tilespmem:$0x1F840] =	vst v7  }
0x5a: {  	[tilespmem:$0x1F850] =	vst v8  }
0x5b: {  	[tilespmem:$0x1F860] =	vst v9  }
0x5c: {  	[tilespmem:$0x1F870] =	vst v10  }
0x5d: {  	[tilespmem:$0x1F880] =	vst v3  }
0x5e: {  	[tilespmem:$0x1F890] =	vst v4  }
0x5f: {  	[tilespmem:$0x1F8A0] =	vst v5  }
0x60: {  	[tilespmem:$0x1F8B0] =	vst v6  }
0x61: {  	[tilespmem:$0x1F8C0] =	vst v7  }
0x62: {  	[tilespmem:$0x1F8D0] =	vst v8  }
0x63: {  	[tilespmem:$0x1F8E0] =	vst v9  }
0x64: {  	[tilespmem:$0x1F8F0] =	vst v10  }
0x65: {  	[tilespmem:$0x1F900] =	vst v3  }
0x66: {  	[tilespmem:$0x1F910] =	vst v4  }
0x67: {  	[tilespmem:$0x1F920] =	vst v5  }
0x68: {  	[tilespmem:$0x1F930] =	vst v6  }
0x69: {  	[tilespmem:$0x1F940] =	vst v7  }
0x6a: {  	[tilespmem:$0x1F950] =	vst v8  }
0x6b: {  	[tilespmem:$0x1F960] =	vst v9  }
0x6c: {  	[tilespmem:$0x1F970] =	vst v10  }
0x6d: {  	[tilespmem:$0x1F980] =	vst v3  }
0x6e: {  	[tilespmem:$0x1F990] =	vst v4  }
0x6f: {  	[tilespmem:$0x1F9A0] =	vst v5  }
0x70: {  	[tilespmem:$0x1F9B0] =	vst v6  }
0x71: {  	[tilespmem:$0x1F9C0] =	vst v7  }
0x72: {  	[tilespmem:$0x1F9D0] =	vst v8  }
0x73: {  	[tilespmem:$0x1F9E0] =	vst v9  }
0x74: {  	[tilespmem:$0x1F9F0] =	vst v10  }
0x75: {  	[tilespmem:$0x1FA00] =	vst v3  }
0x76: {  	[tilespmem:$0x1FA10] =	vst v4  }
0x77: {  	[tilespmem:$0x1FA20] =	vst v5  }
0x78: {  	[tilespmem:$0x1FA30] =	vst v6  }
0x79: {  	[tilespmem:$0x1FA40] =	vst v7  }
0x7a: {  	[tilespmem:$0x1FA50] =	vst v8  }
0x7b: {  	[tilespmem:$0x1FA60] =	vst v9  }
.Ltmp2:
0x7c: {  	[tilespmem:$0x1FA70] =	vst v10;
	s0 =	rddreg [dreg:$0x0];
	(pc) =	sbr.rel .LBB2_2-.Ltmp2, $4  }
0x7d: {  	[tilespmem:s5], [sflag:$0x2] =	stream.linear.gather [hbm4b:s0+s5], $0x800, $0x38;
	[tilespmem:$0x1FC00] =	vst v63  }
0x7e: {  	_ =	swait.ge [sflag:s20], $0x800  }
0x7f: {  	[sflag:s20] =	ssyncset.done $0x0  }
0x80: {  	s31 =	simm.s32 $0x0;
	[sflag:s20] =	ssyncadd.s32 $0xFFFFF800  }
.LBB2_4:
0x81: {  	_ = 	snop  }
.LBB2_12:
0x82: {  	_ =	sdelay $0x3  }
0x83: {  	[tilespmem:v19+s18+$0x0] =	vst.idx.msk @p3 $0x1, v21  }
0x84: {  	v16 =	vld.idx.msk @p2 [tilespmem:v20+s18+$0x0], $0xffff  }
0x85: {  	v17, _, _ =	vpop (xrf0)  }
0x86: {  	(v2sf) =	vpush v17, $0xF  }
0x87: {  	v17 =	vmov @p2 v20  }
0x88: {  	v19 =	vshll.u32 @p2 v17, $0x5;
	s4 =	spop @p1 (v2sf)  }
0x89: {  	s4 =	sxor.u32 @p1 $0x80000000, s4;
	v19 =	vadd.s32 @p2 v16, v19  }
0x8a: {  	v17 =	vpsel p2, v17, v0;
	v20 =	vmov @p1 s4  }
0x8b: {  	v18 =	vpsel p1, v20, v18;
	_ =	sdelay $0x1  }
0x8c: {  	v20 =	vmov @p2 s3;
	v16 =	vadd.s32 @p2 $0x1, v16  }
0x8d: {  	v16 =	vpsel p2, v16, v0;
	[tilespmem:v19+s19+$0x0] =	vst.idx.msk @p2 $0x1, v20  }
0x8e: {  	[tilespmem:v17+s18+$0x0] =	vst.idx.msk @p2 $0x1, v16  }
0x8f: {  	v16 =	vld.idx.msk @p1 [tilespmem:v18+s18+$0x0], $0xffff;
	_ =	sdelay $0x2  }
0x90: {  	v17, _, _ =	vpop (xrf0)  }
0x91: {  	s3 =	spop @p1 (v2sf);
	(v2sf) =	vpush v17, $0xF;
	v17 =	vshll.u32 @p1 v18, $0x5  }
0x92: {  	s21 =	spop (v2sf);
	v17 =	vadd.s32 @p1 v16, v17  }
0x93: {  	v18 =	vpsel p1, v18, v0;
	s4 =	sxor.u32 $0x80000000, s21  }
0x94: {  	s3 =	sxor.u32 @p1 $0x80000000, s3;
	v62 =	vmov s4  }
0x95: {  	s0 =	smov.u32 @p1 s3  }
0x96: {  	v20 =	vmov @p1 s0;
	v16 =	vadd.s32 @p1 $0x1, v16  }
0x97: {  	v16 =	vpsel p1, v16, v0;
	[tilespmem:v17+s19+$0x0] =	vst.idx.msk @p1 $0x1, v20  }
0x98: {  	[tilespmem:v18+s18+$0x0] =	vst.idx.msk @p1 $0x1, v16  }
0x99: {  	v16 =	vld.idx.msk [tilespmem:v62+s18+$0x0], $0xffff;
	_ =	sdelay $0x3  }
0x9a: {  	v17 =	vshll.u32 v62, $0x5  }
0x9b: {  	v17 =	vadd.s32 v16, v17;
	_ =	sdelay $0x1  }
0x9c: {  	s29 =	spop (v2sf)  }
0x9d: {  	s0 =	sxor.u32 $0x80000000, s29  }
0x9e: {  	v63 =	vmov s0  }
0x9f: {  	v16 =	vadd.s32 $0x1, v16;
	[tilespmem:v17+s19+$0x0] =	vst.idx.msk $0x1, v63  }
0xa0: {  	[tilespmem:v62+s18+$0x0] =	vst.idx.msk $0x1, v16  }
.LBB2_13:
0xa1: {  	s31 =	sadd.s32 $0x1, s31  }
0xa2: {  	p1 =	sne.s32 s31, $0x80  }
.Ltmp3:
0xa3: {  	_ = 	snop;
	(pc) =	sbr.rel @!p1 .LBB2_14-.Ltmp3, $1  }
0xa4: {  	_ =	sdelay $0x3  }
.LBB2_2:
0xa5: {  	s0 =	sshll.u32 s31, $0x4  }
0xa6: {  	v16 =	vor.u32 s0, v2;
	_ =	sdelay $0x4  }
0xa7: {  	v17 =	vld.idx.msk [tilespmem:v16+s5+$0x0], $0xffff;
	_ =	sdelay $0x4  }
0xa8: {  	v18 =	vshrl.u32 v17, $0x8  }
0xa9: {  	v18 =	vand.u32 $0x1F, v18  }
0xaa: {  	vm0 =	veq.s32 v18, v0  }
0xab: {  	v18 =	vsel vm0, $0x1, v1  }
0xac: {  	(xrf0) =	vadd.scan.msk.s32 $0xffff, v18;
	_ =	sdelay $0x5  }
0xad: {  	v18, _, _ =	vpop (xrf0)  }
0xae: {  	(v2sf) =	vpush v18, $0xF;
	_ =	sdelay $0xe  }
0xaf: {  	s0 =	spop (v2sf)  }
0xb0: {  	p1 =	slt.s32 s0, $0x1  }
.Ltmp4:
0xb1: {  	_ = 	snop;
	(pc) =	sbr.rel @p1 .LBB2_13-.Ltmp4, $1  }
0xb2: {  	_ =	sdelay $0x3  }
0xb3: {  	v18 =	vmctz.xlane vm0;
	p4 =	sne.s32 s0, $0x1  }
.Ltmp5:
0xb4: {  	v19 =	vand.u32 $0xFF, v17;
	v16 =	vshll.u32 v16, $0x8;
	v17 =	vshra.s32 v17, $0xD;
	(pc) =	sbr.rel @!p4 .LBB2_4-.Ltmp5, $4  }
0xb5: {  	v19 =	vor.u32 v16, v19;
	v16 =	vxor.u32 $0x80000000, v17;
	vm1 =	vne.s32 v18, v2  }
0xb6: {  	v17 =	vor.u32 $0x80000000, v19;
	v18 =	vsel vm1, $0x7FFFFFFF, v16  }
0xb7: {  	s0 =	sadd.s32 $0xFFFFFFFF, s0;
	v19 =	vsel vm1, $0x7FFFFFFF, v17;
	(xrf0) =	vmax.scan.msk.u32 $0xffff, v18  }
0xb8: {  	p1 =	por $0x0, $0x0;
	p2 =	por $0x0, $0x0;
	p3 =	por $0x0, $0x0;
	vm0 =	vmand vm0, vm1;
	(xrf0) =	vmax.scan.msk.u32 $0xffff, v19  }
0xb9: {  	v18 =	vmctz.xlane vm0;
	_ =	sdelay $0x3  }
0xba: {  	vm1 =	vne.s32 v18, v2;
	v18, _, _ =	vpop (xrf0)  }
0xbb: {  	p4 =	sne.s32 s0, $0x1;
	(v2sf) =	vpush v18, $0xF  }
.Ltmp6:
0xbc: {  	_ = 	snop;
	(pc) =	sbr.rel @!p4 .LBB2_6-.Ltmp6, $4  }
0xbd: {  	_ = 	snop  }
0xbe: {  	v19 =	vsel vm1, $0x7FFFFFFF, v16  }
0xbf: {  	v20 =	vsel vm1, $0x7FFFFFFF, v17;
	(xrf0) =	vmax.scan.msk.u32 $0xffff, v19;
	v18, _, _ =	vpop (xrf0)  }
0xc0: {  	s0 =	sadd.s32 $0xFFFFFFFF, s0;
	p1 =	por $0x1, $0x1;
	vm0 =	vmand vm0, vm1;
	(xrf0) =	vmax.scan.msk.u32 $0xffff, v20;
	(v2sf) =	vpush v18, $0xF  }
0xc1: {  	_ =	sdelay $0x8  }
0xc2: {  	v18 =	vmctz.xlane vm0  }
0xc3: {  	p4 =	sne.s32 s0, $0x1  }
.Ltmp7:
0xc4: {  	_ = 	snop;
	(pc) =	sbr.rel @!p4 .LBB2_8-.Ltmp7, $4  }
0xc5: {  	vm1 =	vne.s32 v18, v2  }
0xc6: {  	v19 =	vsel vm1, $0x7FFFFFFF, v16;
	v18, _, _ =	vpop (xrf0);
	s3 =	spop (v2sf)  }
0xc7: {  	v20 =	vsel vm1, $0x7FFFFFFF, v17;
	(xrf0) =	vmax.scan.msk.u32 $0xffff, v19;
	(v2sf) =	vpush v18, $0xF;
	v18, _, _ =	vpop (xrf0);
	s4 =	sxor.u32 $0x80000000, s3;
	s21 =	spop (v2sf)  }
0xc8: {  	p2 =	por $0x1, $0x1;
	vm0 =	vmand vm0, vm1;
	(xrf0) =	vmax.scan.msk.u32 $0xffff, v20;
	(v2sf) =	vpush v18, $0xF;
	s3 =	sadd.s32 $0xFFFFFFFF, s0;
	v18 =	vmov s4;
	s0 =	sxor.u32 $0x80000000, s21  }
0xc9: {  	_ =	sdelay $0x3  }
0xca: {  	v19 =	vld.idx.msk [tilespmem:v18+s18+$0x0], $0xffff;
	_ =	sdelay $0x2  }
0xcb: {  	v20 =	vshll.u32 v18, $0x5;
	_ =	sdelay $0x1  }
0xcc: {  	v21 =	vmctz.xlane vm0;
	v22 =	vadd.s32 v19, v20  }
0xcd: {  	v20, _, _ =	vpop (xrf0)  }
0xce: {  	vm1 =	vne.s32 v21, v2;
	(v2sf) =	vpush v20, $0xF;
	v20, _, _ =	vpop (xrf0)  }
0xcf: {  	v21 =	vsel vm1, $0x7FFFFFFF, v16;
	(v2sf) =	vpush v20, $0xF  }
0xd0: {  	p4 =	sne.s32 s3, $0x1;
	(xrf0) =	vmax.scan.msk.u32 $0xffff, v21;
	v21 =	vmov s0  }
.Ltmp8:
0xd1: {  	[tilespmem:v22+s19+$0x0] =	vst.idx.msk $0x1, v21;
	v21 =	vadd.s32 $0x1, v19;
	v19 =	vmov v18;
	(pc) =	sbr.rel @!p4 .LBB2_10-.Ltmp8, $4  }
0xd2: {  	_ = 	snop  }
0xd3: {  	s4 =	spop (v2sf)  }
0xd4: {  	v23 =	vsel vm1, $0x7FFFFFFF, v17;
	s4 =	sxor.u32 $0x80000000, s4;
	s21 =	spop (v2sf)  }
0xd5: {  	p3 =	por $0x1, $0x1;
	vm0 =	vmand vm0, vm1;
	(xrf0) =	vmax.scan.msk.u32 $0xffff, v23;
	v20 =	vmov s4;
	s4 =	sadd.s32 $0xFFFFFFFF, s3;
	s3 =	sxor.u32 $0x80000000, s21  }
.LBB2_11:
0xd6: {  	p4 =	sne.s32 s4, $0x1;
	s4 =	sadd.s32 $0xFFFFFFFF, s4;
	[tilespmem:v19+s18+$0x0] =	vst.idx.msk $0x1, v21;
	v19 =	vmov v20  }
0xd7: {  	v21 =	vld.idx.msk [tilespmem:v20+s18+$0x0], $0xffff;
	_ =	sdelay $0x2  }
0xd8: {  	v20, _, _ =	vpop (xrf0)  }
0xd9: {  	(v2sf) =	vpush v20, $0xF;
	v20, _, _ =	vpop (xrf0)  }
0xda: {  	(v2sf) =	vpush v20, $0xF;
	v20 =	vshll.u32 v19, $0x5  }
0xdb: {  	v22 =	vmctz.xlane vm0;
	s21 =	spop (v2sf);
	v23 =	vadd.s32 v21, v20  }
.Ltmp9:
0xdc: {  	s21 =	sxor.u32 $0x80000000, s21;
	s29 =	spop (v2sf);
	(pc) =	sbr.rel @p4 .LBB2_11-.Ltmp9, $4  }
0xdd: {  	vm1 =	vne.s32 v22, v2;
	v20 =	vmov s21;
	s21 =	sxor.u32 $0x80000000, s29  }
0xde: {  	v22 =	vsel vm1, $0x7FFFFFFF, v16;
	v24 =	vsel vm1, $0x7FFFFFFF, v17;
	vm0 =	vmand vm0, vm1  }
0xdf: {  	(xrf0) =	vmax.scan.msk.u32 $0xffff, v22;
	v22 =	vmov s3;
	s3 =	smov.u32 s21  }
0xe0: {  	v21 =	vadd.s32 $0x1, v21;
	(xrf0) =	vmax.scan.msk.u32 $0xffff, v24;
	[tilespmem:v23+s19+$0x0] =	vst.idx.msk $0x1, v22  }
.Ltmp10:
0xe1: {  	_ = 	snop;
	(pc) =	sbr.rel .LBB2_12-.Ltmp10, $1  }
0xe2: {  	_ =	sdelay $0x3  }
.LBB2_6:
.Ltmp11:
0xe3: {  	(pc) =	sbr.rel .LBB2_12-.Ltmp11, $2  }
0xe4: {  	_ =	sdelay $0x2  }
0xe5: {  	_ = 	snop  }
.LBB2_8:
.Ltmp12:
0xe6: {  	(pc) =	sbr.rel .LBB2_12-.Ltmp12, $2  }
0xe7: {  	_ =	sdelay $0x2  }
0xe8: {  	v20 =	vmov v18;
	s3 =	smov.u32 s0  }
.LBB2_10:
.Ltmp13:
0xe9: {  	(pc) =	sbr.rel .LBB2_12-.Ltmp13, $2  }
0xea: {  	_ =	sdelay $0x2  }
0xeb: {  	v19 =	vmov v18  }
.LBB2_14:
.Ltmp14:
0xec: {  	s0 =	rddreg [dreg:$0x5];
	(pc) =	sbr.rel .LBB2_15-.Ltmp14, $4  }
0xed: {  	[tilespmem:s5], [sflag:$0x2] =	stream.linear.gather [hbm4b:s0+s5], $0x800, $0x38;
	[tilespmem:$0x1FC00] =	vst v63  }
0xee: {  	_ =	swait.ge [sflag:s20], $0x800  }
0xef: {  	[sflag:s20] =	ssyncset.done $0x0  }
0xf0: {  	s31 =	simm.s32 $0x80;
	[sflag:s20] =	ssyncadd.s32 $0xFFFFF800  }
.LBB2_17:
0xf1: {  	_ = 	snop  }
.LBB2_25:
0xf2: {  	_ =	sdelay $0x3  }
0xf3: {  	[tilespmem:v19+s18+$0x0] =	vst.idx.msk @p3 $0x1, v21  }
0xf4: {  	v16 =	vld.idx.msk @p2 [tilespmem:v20+s18+$0x0], $0xffff  }
0xf5: {  	v17, _, _ =	vpop (xrf0)  }
0xf6: {  	(v2sf) =	vpush v17, $0xF  }
0xf7: {  	v17 =	vmov @p2 v20  }
0xf8: {  	v19 =	vshll.u32 @p2 v17, $0x5;
	s4 =	spop @p1 (v2sf)  }
0xf9: {  	s4 =	sxor.u32 @p1 $0x80000000, s4;
	v19 =	vadd.s32 @p2 v16, v19  }
0xfa: {  	v17 =	vpsel p2, v17, v0;
	v20 =	vmov @p1 s4  }
0xfb: {  	v18 =	vpsel p1, v20, v18;
	_ =	sdelay $0x1  }
0xfc: {  	v20 =	vmov @p2 s3;
	v16 =	vadd.s32 @p2 $0x1, v16  }
0xfd: {  	v16 =	vpsel p2, v16, v0;
	[tilespmem:v19+s19+$0x0] =	vst.idx.msk @p2 $0x1, v20  }
0xfe: {  	[tilespmem:v17+s18+$0x0] =	vst.idx.msk @p2 $0x1, v16  }
0xff: {  	v16 =	vld.idx.msk @p1 [tilespmem:v18+s18+$0x0], $0xffff;
	_ =	sdelay $0x2  }
0x100: {  	v17, _, _ =	vpop (xrf0)  }
0x101: {  	s3 =	spop @p1 (v2sf);
	(v2sf) =	vpush v17, $0xF;
	v17 =	vshll.u32 @p1 v18, $0x5  }
0x102: {  	s21 =	spop (v2sf);
	v17 =	vadd.s32 @p1 v16, v17  }
0x103: {  	v18 =	vpsel p1, v18, v0;
	s4 =	sxor.u32 $0x80000000, s21  }
0x104: {  	s3 =	sxor.u32 @p1 $0x80000000, s3;
	v62 =	vmov s4  }
0x105: {  	s0 =	smov.u32 @p1 s3  }
0x106: {  	v20 =	vmov @p1 s0;
	v16 =	vadd.s32 @p1 $0x1, v16  }
0x107: {  	v16 =	vpsel p1, v16, v0;
	[tilespmem:v17+s19+$0x0] =	vst.idx.msk @p1 $0x1, v20  }
0x108: {  	[tilespmem:v18+s18+$0x0] =	vst.idx.msk @p1 $0x1, v16  }
0x109: {  	v16 =	vld.idx.msk [tilespmem:v62+s18+$0x0], $0xffff;
	_ =	sdelay $0x3  }
0x10a: {  	v17 =	vshll.u32 v62, $0x5  }
0x10b: {  	v17 =	vadd.s32 v16, v17;
	_ =	sdelay $0x1  }
0x10c: {  	s29 =	spop (v2sf)  }
0x10d: {  	s0 =	sxor.u32 $0x80000000, s29  }
0x10e: {  	v63 =	vmov s0  }
0x10f: {  	v16 =	vadd.s32 $0x1, v16;
	[tilespmem:v17+s19+$0x0] =	vst.idx.msk $0x1, v63  }
0x110: {  	[tilespmem:v62+s18+$0x0] =	vst.idx.msk $0x1, v16  }
.LBB2_26:
0x111: {  	s31 =	sadd.s32 $0x1, s31  }
0x112: {  	p1 =	sne.s32 s31, $0x100  }
.Ltmp15:
0x113: {  	_ = 	snop;
	(pc) =	sbr.rel @!p1 .LBB2_27-.Ltmp15, $1  }
0x114: {  	_ =	sdelay $0x3  }
.LBB2_15:
0x115: {  	s3 =	sshll.u32 s31, $0x4  }
0x116: {  	s0 =	sand.u32 $0x7F0, s3  }
0x117: {  	v16 =	vor.u32 s0, v2;
	_ =	sdelay $0x4  }
0x118: {  	v16 =	vld.idx.msk [tilespmem:v16+s5+$0x0], $0xffff;
	_ =	sdelay $0x4  }
0x119: {  	v17 =	vshrl.u32 v16, $0x8  }
0x11a: {  	v17 =	vand.u32 $0x1F, v17  }
0x11b: {  	vm0 =	veq.s32 v17, v0  }
0x11c: {  	v17 =	vsel vm0, $0x1, v1  }
0x11d: {  	(xrf0) =	vadd.scan.msk.s32 $0xffff, v17;
	_ =	sdelay $0x5  }
0x11e: {  	v17, _, _ =	vpop (xrf0)  }
0x11f: {  	(v2sf) =	vpush v17, $0xF;
	_ =	sdelay $0xe  }
0x120: {  	s0 =	spop (v2sf)  }
0x121: {  	p1 =	slt.s32 s0, $0x1  }
.Ltmp16:
0x122: {  	_ = 	snop;
	(pc) =	sbr.rel @p1 .LBB2_26-.Ltmp16, $1  }
0x123: {  	_ =	sdelay $0x3  }
0x124: {  	v17 =	vmov s3  }
0x125: {  	v18 =	vmctz.xlane vm0;
	p4 =	sne.s32 s0, $0x1;
	v17 =	vshll.u32 v17, $0x8  }
.Ltmp17:
0x126: {  	v19 =	vand.u32 $0xFF, v16;
	v16 =	vshra.s32 v16, $0xD;
	v17 =	vor.u32 v11, v17;
	(pc) =	sbr.rel @!p4 .LBB2_17-.Ltmp17, $4  }
0x127: {  	v16 =	vxor.u32 $0x80000000, v16;
	vm1 =	vne.s32 v18, v2;
	v17 =	vor.u32 v17, v19  }
0x128: {  	v18 =	vsel vm1, $0x7FFFFFFF, v16;
	v17 =	vor.u32 $0x80000000, v17  }
0x129: {  	s0 =	sadd.s32 $0xFFFFFFFF, s0;
	(xrf0) =	vmax.scan.msk.u32 $0xffff, v18;
	v19 =	vsel vm1, $0x7FFFFFFF, v17  }
0x12a: {  	p1 =	por $0x0, $0x0;
	p2 =	por $0x0, $0x0;
	p3 =	por $0x0, $0x0;
	vm0 =	vmand vm0, vm1;
	(xrf0) =	vmax.scan.msk.u32 $0xffff, v19  }
0x12b: {  	v18 =	vmctz.xlane vm0;
	_ =	sdelay $0x3  }
0x12c: {  	vm1 =	vne.s32 v18, v2;
	v18, _, _ =	vpop (xrf0)  }
0x12d: {  	p4 =	sne.s32 s0, $0x1;
	(v2sf) =	vpush v18, $0xF  }
.Ltmp18:
0x12e: {  	_ = 	snop;
	(pc) =	sbr.rel @!p4 .LBB2_19-.Ltmp18, $4  }
0x12f: {  	_ = 	snop  }
0x130: {  	v19 =	vsel vm1, $0x7FFFFFFF, v16  }
0x131: {  	v20 =	vsel vm1, $0x7FFFFFFF, v17;
	(xrf0) =	vmax.scan.msk.u32 $0xffff, v19;
	v18, _, _ =	vpop (xrf0)  }
0x132: {  	s0 =	sadd.s32 $0xFFFFFFFF, s0;
	p1 =	por $0x1, $0x1;
	vm0 =	vmand vm0, vm1;
	(xrf0) =	vmax.scan.msk.u32 $0xffff, v20;
	(v2sf) =	vpush v18, $0xF  }
0x133: {  	_ =	sdelay $0x8  }
0x134: {  	v18 =	vmctz.xlane vm0  }
0x135: {  	p4 =	sne.s32 s0, $0x1  }
.Ltmp19:
0x136: {  	_ = 	snop;
	(pc) =	sbr.rel @!p4 .LBB2_21-.Ltmp19, $4  }
0x137: {  	vm1 =	vne.s32 v18, v2  }
0x138: {  	v19 =	vsel vm1, $0x7FFFFFFF, v16;
	v18, _, _ =	vpop (xrf0);
	s3 =	spop (v2sf)  }
0x139: {  	v20 =	vsel vm1, $0x7FFFFFFF, v17;
	(xrf0) =	vmax.scan.msk.u32 $0xffff, v19;
	(v2sf) =	vpush v18, $0xF;
	v18, _, _ =	vpop (xrf0);
	s4 =	sxor.u32 $0x80000000, s3;
	s21 =	spop (v2sf)  }
0x13a: {  	p2 =	por $0x1, $0x1;
	vm0 =	vmand vm0, vm1;
	(xrf0) =	vmax.scan.msk.u32 $0xffff, v20;
	(v2sf) =	vpush v18, $0xF;
	s3 =	sadd.s32 $0xFFFFFFFF, s0;
	v18 =	vmov s4;
	s0 =	sxor.u32 $0x80000000, s21  }
0x13b: {  	_ =	sdelay $0x3  }
0x13c: {  	v19 =	vld.idx.msk [tilespmem:v18+s18+$0x0], $0xffff;
	_ =	sdelay $0x2  }
0x13d: {  	v20 =	vshll.u32 v18, $0x5;
	_ =	sdelay $0x1  }
0x13e: {  	v21 =	vmctz.xlane vm0;
	v22 =	vadd.s32 v19, v20  }
0x13f: {  	v20, _, _ =	vpop (xrf0)  }
0x140: {  	vm1 =	vne.s32 v21, v2;
	(v2sf) =	vpush v20, $0xF;
	v20, _, _ =	vpop (xrf0)  }
0x141: {  	v21 =	vsel vm1, $0x7FFFFFFF, v16;
	(v2sf) =	vpush v20, $0xF  }
0x142: {  	p4 =	sne.s32 s3, $0x1;
	(xrf0) =	vmax.scan.msk.u32 $0xffff, v21;
	v21 =	vmov s0  }
.Ltmp20:
0x143: {  	[tilespmem:v22+s19+$0x0] =	vst.idx.msk $0x1, v21;
	v21 =	vadd.s32 $0x1, v19;
	v19 =	vmov v18;
	(pc) =	sbr.rel @!p4 .LBB2_23-.Ltmp20, $4  }
0x144: {  	_ = 	snop  }
0x145: {  	s4 =	spop (v2sf)  }
0x146: {  	v23 =	vsel vm1, $0x7FFFFFFF, v17;
	s4 =	sxor.u32 $0x80000000, s4;
	s21 =	spop (v2sf)  }
0x147: {  	p3 =	por $0x1, $0x1;
	vm0 =	vmand vm0, vm1;
	(xrf0) =	vmax.scan.msk.u32 $0xffff, v23;
	v20 =	vmov s4;
	s4 =	sadd.s32 $0xFFFFFFFF, s3;
	s3 =	sxor.u32 $0x80000000, s21  }
.LBB2_24:
0x148: {  	p4 =	sne.s32 s4, $0x1;
	s4 =	sadd.s32 $0xFFFFFFFF, s4;
	[tilespmem:v19+s18+$0x0] =	vst.idx.msk $0x1, v21;
	v19 =	vmov v20  }
0x149: {  	v21 =	vld.idx.msk [tilespmem:v20+s18+$0x0], $0xffff;
	_ =	sdelay $0x2  }
0x14a: {  	v20, _, _ =	vpop (xrf0)  }
0x14b: {  	(v2sf) =	vpush v20, $0xF;
	v20, _, _ =	vpop (xrf0)  }
0x14c: {  	(v2sf) =	vpush v20, $0xF;
	v20 =	vshll.u32 v19, $0x5  }
0x14d: {  	v22 =	vmctz.xlane vm0;
	s21 =	spop (v2sf);
	v23 =	vadd.s32 v21, v20  }
.Ltmp21:
0x14e: {  	s21 =	sxor.u32 $0x80000000, s21;
	s29 =	spop (v2sf);
	(pc) =	sbr.rel @p4 .LBB2_24-.Ltmp21, $4  }
0x14f: {  	vm1 =	vne.s32 v22, v2;
	v20 =	vmov s21;
	s21 =	sxor.u32 $0x80000000, s29  }
0x150: {  	v22 =	vsel vm1, $0x7FFFFFFF, v16;
	v24 =	vsel vm1, $0x7FFFFFFF, v17;
	vm0 =	vmand vm0, vm1  }
0x151: {  	(xrf0) =	vmax.scan.msk.u32 $0xffff, v22;
	v22 =	vmov s3;
	s3 =	smov.u32 s21  }
0x152: {  	v21 =	vadd.s32 $0x1, v21;
	(xrf0) =	vmax.scan.msk.u32 $0xffff, v24;
	[tilespmem:v23+s19+$0x0] =	vst.idx.msk $0x1, v22  }
.Ltmp22:
0x153: {  	_ = 	snop;
	(pc) =	sbr.rel .LBB2_25-.Ltmp22, $1  }
0x154: {  	_ =	sdelay $0x3  }
.LBB2_19:
.Ltmp23:
0x155: {  	(pc) =	sbr.rel .LBB2_25-.Ltmp23, $2  }
0x156: {  	_ =	sdelay $0x2  }
0x157: {  	_ = 	snop  }
.LBB2_21:
.Ltmp24:
0x158: {  	(pc) =	sbr.rel .LBB2_25-.Ltmp24, $2  }
0x159: {  	_ =	sdelay $0x2  }
0x15a: {  	v20 =	vmov v18;
	s3 =	smov.u32 s0  }
.LBB2_23:
.Ltmp25:
0x15b: {  	(pc) =	sbr.rel .LBB2_25-.Ltmp25, $2  }
0x15c: {  	_ =	sdelay $0x2  }
0x15d: {  	v19 =	vmov v18  }
.LBB2_27:
.Ltmp26:
0x15e: {  	(pc) =	sbr.rel .LBB2_28-.Ltmp26, $4  }
0x15f: {  	[tilespmem:s5], [sflag:$0x2] =	stream.linear.gather [hbm4b:s8+s5], $0x800, $0x38;
	[tilespmem:$0x1FC00] =	vst v63  }
0x160: {  	_ =	swait.ge [sflag:s20], $0x800  }
0x161: {  	[sflag:s20] =	ssyncset.done $0x0  }
0x162: {  	s31 =	simm.s32 $0x100;
	[sflag:s20] =	ssyncadd.s32 $0xFFFFF800  }
.LBB2_30:
0x163: {  	_ = 	snop  }
.LBB2_38:
0x164: {  	_ =	sdelay $0x3  }
0x165: {  	[tilespmem:v19+s18+$0x0] =	vst.idx.msk @p3 $0x1, v21  }
0x166: {  	v16 =	vld.idx.msk @p2 [tilespmem:v20+s18+$0x0], $0xffff  }
0x167: {  	v17, _, _ =	vpop (xrf0)  }
0x168: {  	(v2sf) =	vpush v17, $0xF  }
0x169: {  	v17 =	vmov @p2 v20  }
0x16a: {  	v19 =	vshll.u32 @p2 v17, $0x5;
	s4 =	spop @p1 (v2sf)  }
0x16b: {  	s4 =	sxor.u32 @p1 $0x80000000, s4;
	v19 =	vadd.s32 @p2 v16, v19  }
0x16c: {  	v17 =	vpsel p2, v17, v0;
	v20 =	vmov @p1 s4  }
0x16d: {  	v18 =	vpsel p1, v20, v18;
	_ =	sdelay $0x1  }
0x16e: {  	v20 =	vmov @p2 s3;
	v16 =	vadd.s32 @p2 $0x1, v16  }
0x16f: {  	v16 =	vpsel p2, v16, v0;
	[tilespmem:v19+s19+$0x0] =	vst.idx.msk @p2 $0x1, v20  }
0x170: {  	[tilespmem:v17+s18+$0x0] =	vst.idx.msk @p2 $0x1, v16  }
0x171: {  	v16 =	vld.idx.msk @p1 [tilespmem:v18+s18+$0x0], $0xffff;
	_ =	sdelay $0x2  }
0x172: {  	v17, _, _ =	vpop (xrf0)  }
0x173: {  	s3 =	spop @p1 (v2sf);
	(v2sf) =	vpush v17, $0xF;
	v17 =	vshll.u32 @p1 v18, $0x5  }
0x174: {  	s21 =	spop (v2sf);
	v17 =	vadd.s32 @p1 v16, v17  }
0x175: {  	v18 =	vpsel p1, v18, v0;
	s4 =	sxor.u32 $0x80000000, s21  }
0x176: {  	s3 =	sxor.u32 @p1 $0x80000000, s3;
	v62 =	vmov s4  }
0x177: {  	s0 =	smov.u32 @p1 s3  }
0x178: {  	v20 =	vmov @p1 s0;
	v16 =	vadd.s32 @p1 $0x1, v16  }
0x179: {  	v16 =	vpsel p1, v16, v0;
	[tilespmem:v17+s19+$0x0] =	vst.idx.msk @p1 $0x1, v20  }
0x17a: {  	[tilespmem:v18+s18+$0x0] =	vst.idx.msk @p1 $0x1, v16  }
0x17b: {  	v16 =	vld.idx.msk [tilespmem:v62+s18+$0x0], $0xffff;
	_ =	sdelay $0x3  }
0x17c: {  	v17 =	vshll.u32 v62, $0x5  }
0x17d: {  	v17 =	vadd.s32 v16, v17;
	_ =	sdelay $0x1  }
0x17e: {  	s29 =	spop (v2sf)  }
0x17f: {  	s0 =	sxor.u32 $0x80000000, s29  }
0x180: {  	v63 =	vmov s0  }
0x181: {  	v16 =	vadd.s32 $0x1, v16;
	[tilespmem:v17+s19+$0x0] =	vst.idx.msk $0x1, v63  }
0x182: {  	[tilespmem:v62+s18+$0x0] =	vst.idx.msk $0x1, v16  }
.LBB2_39:
0x183: {  	s31 =	sadd.s32 $0x1, s31  }
0x184: {  	p1 =	sne.s32 s31, $0x180  }
.Ltmp27:
0x185: {  	_ = 	snop;
	(pc) =	sbr.rel @!p1 .LBB2_40-.Ltmp27, $1  }
0x186: {  	_ =	sdelay $0x3  }
.LBB2_28:
0x187: {  	s3 =	sshll.u32 s31, $0x4  }
0x188: {  	s0 =	sand.u32 $0x7F0, s3  }
0x189: {  	v16 =	vor.u32 s0, v2;
	_ =	sdelay $0x4  }
0x18a: {  	v16 =	vld.idx.msk [tilespmem:v16+s5+$0x0], $0xffff;
	_ =	sdelay $0x4  }
0x18b: {  	v17 =	vshrl.u32 v16, $0x8  }
0x18c: {  	v17 =	vand.u32 $0x1F, v17  }
0x18d: {  	vm0 =	veq.s32 v17, v0  }
0x18e: {  	v17 =	vsel vm0, $0x1, v1  }
0x18f: {  	(xrf0) =	vadd.scan.msk.s32 $0xffff, v17;
	_ =	sdelay $0x5  }
0x190: {  	v17, _, _ =	vpop (xrf0)  }
0x191: {  	(v2sf) =	vpush v17, $0xF;
	_ =	sdelay $0xe  }
0x192: {  	s0 =	spop (v2sf)  }
0x193: {  	p1 =	slt.s32 s0, $0x1  }
.Ltmp28:
0x194: {  	_ = 	snop;
	(pc) =	sbr.rel @p1 .LBB2_39-.Ltmp28, $1  }
0x195: {  	_ =	sdelay $0x3  }
0x196: {  	v17 =	vmov s3  }
0x197: {  	v18 =	vmctz.xlane vm0;
	p4 =	sne.s32 s0, $0x1;
	v17 =	vshll.u32 v17, $0x8  }
.Ltmp29:
0x198: {  	v19 =	vand.u32 $0xFF, v16;
	v16 =	vshra.s32 v16, $0xD;
	v17 =	vor.u32 v11, v17;
	(pc) =	sbr.rel @!p4 .LBB2_30-.Ltmp29, $4  }
0x199: {  	v16 =	vxor.u32 $0x80000000, v16;
	vm1 =	vne.s32 v18, v2;
	v17 =	vor.u32 v17, v19  }
0x19a: {  	v18 =	vsel vm1, $0x7FFFFFFF, v16;
	v17 =	vor.u32 $0x80000000, v17  }
0x19b: {  	s0 =	sadd.s32 $0xFFFFFFFF, s0;
	(xrf0) =	vmax.scan.msk.u32 $0xffff, v18;
	v19 =	vsel vm1, $0x7FFFFFFF, v17  }
0x19c: {  	p1 =	por $0x0, $0x0;
	p2 =	por $0x0, $0x0;
	p3 =	por $0x0, $0x0;
	vm0 =	vmand vm0, vm1;
	(xrf0) =	vmax.scan.msk.u32 $0xffff, v19  }
0x19d: {  	v18 =	vmctz.xlane vm0;
	_ =	sdelay $0x3  }
0x19e: {  	vm1 =	vne.s32 v18, v2;
	v18, _, _ =	vpop (xrf0)  }
0x19f: {  	p4 =	sne.s32 s0, $0x1;
	(v2sf) =	vpush v18, $0xF  }
.Ltmp30:
0x1a0: {  	_ = 	snop;
	(pc) =	sbr.rel @!p4 .LBB2_32-.Ltmp30, $4  }
0x1a1: {  	_ = 	snop  }
0x1a2: {  	v19 =	vsel vm1, $0x7FFFFFFF, v16  }
0x1a3: {  	v20 =	vsel vm1, $0x7FFFFFFF, v17;
	(xrf0) =	vmax.scan.msk.u32 $0xffff, v19;
	v18, _, _ =	vpop (xrf0)  }
0x1a4: {  	s0 =	sadd.s32 $0xFFFFFFFF, s0;
	p1 =	por $0x1, $0x1;
	vm0 =	vmand vm0, vm1;
	(xrf0) =	vmax.scan.msk.u32 $0xffff, v20;
	(v2sf) =	vpush v18, $0xF  }
0x1a5: {  	_ =	sdelay $0x8  }
0x1a6: {  	v18 =	vmctz.xlane vm0  }
0x1a7: {  	p4 =	sne.s32 s0, $0x1  }
.Ltmp31:
0x1a8: {  	_ = 	snop;
	(pc) =	sbr.rel @!p4 .LBB2_34-.Ltmp31, $4  }
0x1a9: {  	vm1 =	vne.s32 v18, v2  }
0x1aa: {  	v19 =	vsel vm1, $0x7FFFFFFF, v16;
	v18, _, _ =	vpop (xrf0);
	s3 =	spop (v2sf)  }
0x1ab: {  	v20 =	vsel vm1, $0x7FFFFFFF, v17;
	(xrf0) =	vmax.scan.msk.u32 $0xffff, v19;
	(v2sf) =	vpush v18, $0xF;
	v18, _, _ =	vpop (xrf0);
	s4 =	sxor.u32 $0x80000000, s3;
	s21 =	spop (v2sf)  }
0x1ac: {  	p2 =	por $0x1, $0x1;
	vm0 =	vmand vm0, vm1;
	(xrf0) =	vmax.scan.msk.u32 $0xffff, v20;
	(v2sf) =	vpush v18, $0xF;
	s3 =	sadd.s32 $0xFFFFFFFF, s0;
	v18 =	vmov s4;
	s0 =	sxor.u32 $0x80000000, s21  }
0x1ad: {  	_ =	sdelay $0x3  }
0x1ae: {  	v19 =	vld.idx.msk [tilespmem:v18+s18+$0x0], $0xffff;
	_ =	sdelay $0x2  }
0x1af: {  	v20 =	vshll.u32 v18, $0x5;
	_ =	sdelay $0x1  }
0x1b0: {  	v21 =	vmctz.xlane vm0;
	v22 =	vadd.s32 v19, v20  }
0x1b1: {  	v20, _, _ =	vpop (xrf0)  }
0x1b2: {  	vm1 =	vne.s32 v21, v2;
	(v2sf) =	vpush v20, $0xF;
	v20, _, _ =	vpop (xrf0)  }
0x1b3: {  	v21 =	vsel vm1, $0x7FFFFFFF, v16;
	(v2sf) =	vpush v20, $0xF  }
0x1b4: {  	p4 =	sne.s32 s3, $0x1;
	(xrf0) =	vmax.scan.msk.u32 $0xffff, v21;
	v21 =	vmov s0  }
.Ltmp32:
0x1b5: {  	[tilespmem:v22+s19+$0x0] =	vst.idx.msk $0x1, v21;
	v21 =	vadd.s32 $0x1, v19;
	v19 =	vmov v18;
	(pc) =	sbr.rel @!p4 .LBB2_36-.Ltmp32, $4  }
0x1b6: {  	_ = 	snop  }
0x1b7: {  	s4 =	spop (v2sf)  }
0x1b8: {  	v23 =	vsel vm1, $0x7FFFFFFF, v17;
	s4 =	sxor.u32 $0x80000000, s4;
	s21 =	spop (v2sf)  }
0x1b9: {  	p3 =	por $0x1, $0x1;
	vm0 =	vmand vm0, vm1;
	(xrf0) =	vmax.scan.msk.u32 $0xffff, v23;
	v20 =	vmov s4;
	s4 =	sadd.s32 $0xFFFFFFFF, s3;
	s3 =	sxor.u32 $0x80000000, s21  }
.LBB2_37:
0x1ba: {  	p4 =	sne.s32 s4, $0x1;
	s4 =	sadd.s32 $0xFFFFFFFF, s4;
	[tilespmem:v19+s18+$0x0] =	vst.idx.msk $0x1, v21;
	v19 =	vmov v20  }
0x1bb: {  	v21 =	vld.idx.msk [tilespmem:v20+s18+$0x0], $0xffff;
	_ =	sdelay $0x2  }
0x1bc: {  	v20, _, _ =	vpop (xrf0)  }
0x1bd: {  	(v2sf) =	vpush v20, $0xF;
	v20, _, _ =	vpop (xrf0)  }
0x1be: {  	(v2sf) =	vpush v20, $0xF;
	v20 =	vshll.u32 v19, $0x5  }
0x1bf: {  	v22 =	vmctz.xlane vm0;
	s21 =	spop (v2sf);
	v23 =	vadd.s32 v21, v20  }
.Ltmp33:
0x1c0: {  	s21 =	sxor.u32 $0x80000000, s21;
	s29 =	spop (v2sf);
	(pc) =	sbr.rel @p4 .LBB2_37-.Ltmp33, $4  }
0x1c1: {  	vm1 =	vne.s32 v22, v2;
	v20 =	vmov s21;
	s21 =	sxor.u32 $0x80000000, s29  }
0x1c2: {  	v22 =	vsel vm1, $0x7FFFFFFF, v16;
	v24 =	vsel vm1, $0x7FFFFFFF, v17;
	vm0 =	vmand vm0, vm1  }
0x1c3: {  	(xrf0) =	vmax.scan.msk.u32 $0xffff, v22;
	v22 =	vmov s3;
	s3 =	smov.u32 s21  }
0x1c4: {  	v21 =	vadd.s32 $0x1, v21;
	(xrf0) =	vmax.scan.msk.u32 $0xffff, v24;
	[tilespmem:v23+s19+$0x0] =	vst.idx.msk $0x1, v22  }
.Ltmp34:
0x1c5: {  	_ = 	snop;
	(pc) =	sbr.rel .LBB2_38-.Ltmp34, $1  }
0x1c6: {  	_ =	sdelay $0x3  }
.LBB2_32:
.Ltmp35:
0x1c7: {  	(pc) =	sbr.rel .LBB2_38-.Ltmp35, $2  }
0x1c8: {  	_ =	sdelay $0x2  }
0x1c9: {  	_ = 	snop  }
.LBB2_34:
.Ltmp36:
0x1ca: {  	(pc) =	sbr.rel .LBB2_38-.Ltmp36, $2  }
0x1cb: {  	_ =	sdelay $0x2  }
0x1cc: {  	v20 =	vmov v18;
	s3 =	smov.u32 s0  }
.LBB2_36:
.Ltmp37:
0x1cd: {  	(pc) =	sbr.rel .LBB2_38-.Ltmp37, $2  }
0x1ce: {  	_ =	sdelay $0x2  }
0x1cf: {  	v19 =	vmov v18  }
.LBB2_40:
.Ltmp38:
0x1d0: {  	(pc) =	sbr.rel .LBB2_41-.Ltmp38, $4  }
0x1d1: {  	[tilespmem:s5], [sflag:$0x2] =	stream.linear.gather [hbm4b:s9+s5], $0x800, $0x38;
	[tilespmem:$0x1FC00] =	vst v63  }
0x1d2: {  	_ =	swait.ge [sflag:s20], $0x800  }
0x1d3: {  	[sflag:s20] =	ssyncset.done $0x0  }
0x1d4: {  	s31 =	simm.s32 $0x180;
	[sflag:s20] =	ssyncadd.s32 $0xFFFFF800  }
.LBB2_43:
0x1d5: {  	_ = 	snop  }
.LBB2_51:
0x1d6: {  	_ =	sdelay $0x3  }
0x1d7: {  	[tilespmem:v19+s18+$0x0] =	vst.idx.msk @p3 $0x1, v21  }
0x1d8: {  	v16 =	vld.idx.msk @p2 [tilespmem:v20+s18+$0x0], $0xffff  }
0x1d9: {  	v17, _, _ =	vpop (xrf0)  }
0x1da: {  	(v2sf) =	vpush v17, $0xF  }
0x1db: {  	v17 =	vmov @p2 v20  }
0x1dc: {  	v19 =	vshll.u32 @p2 v17, $0x5;
	s4 =	spop @p1 (v2sf)  }
0x1dd: {  	s4 =	sxor.u32 @p1 $0x80000000, s4;
	v19 =	vadd.s32 @p2 v16, v19  }
0x1de: {  	v17 =	vpsel p2, v17, v0;
	v20 =	vmov @p1 s4  }
0x1df: {  	v18 =	vpsel p1, v20, v18;
	_ =	sdelay $0x1  }
0x1e0: {  	v20 =	vmov @p2 s3;
	v16 =	vadd.s32 @p2 $0x1, v16  }
0x1e1: {  	v16 =	vpsel p2, v16, v0;
	[tilespmem:v19+s19+$0x0] =	vst.idx.msk @p2 $0x1, v20  }
0x1e2: {  	[tilespmem:v17+s18+$0x0] =	vst.idx.msk @p2 $0x1, v16  }
0x1e3: {  	v16 =	vld.idx.msk @p1 [tilespmem:v18+s18+$0x0], $0xffff;
	_ =	sdelay $0x2  }
0x1e4: {  	v17, _, _ =	vpop (xrf0)  }
0x1e5: {  	s3 =	spop @p1 (v2sf);
	(v2sf) =	vpush v17, $0xF;
	v17 =	vshll.u32 @p1 v18, $0x5  }
0x1e6: {  	s21 =	spop (v2sf);
	v17 =	vadd.s32 @p1 v16, v17  }
0x1e7: {  	v18 =	vpsel p1, v18, v0;
	s4 =	sxor.u32 $0x80000000, s21  }
0x1e8: {  	s3 =	sxor.u32 @p1 $0x80000000, s3;
	v62 =	vmov s4  }
0x1e9: {  	s0 =	smov.u32 @p1 s3  }
0x1ea: {  	v20 =	vmov @p1 s0;
	v16 =	vadd.s32 @p1 $0x1, v16  }
0x1eb: {  	v16 =	vpsel p1, v16, v0;
	[tilespmem:v17+s19+$0x0] =	vst.idx.msk @p1 $0x1, v20  }
0x1ec: {  	[tilespmem:v18+s18+$0x0] =	vst.idx.msk @p1 $0x1, v16  }
0x1ed: {  	v16 =	vld.idx.msk [tilespmem:v62+s18+$0x0], $0xffff;
	_ =	sdelay $0x3  }
0x1ee: {  	v17 =	vshll.u32 v62, $0x5  }
0x1ef: {  	v17 =	vadd.s32 v16, v17;
	_ =	sdelay $0x1  }
0x1f0: {  	s29 =	spop (v2sf)  }
0x1f1: {  	s0 =	sxor.u32 $0x80000000, s29  }
0x1f2: {  	v63 =	vmov s0  }
0x1f3: {  	v16 =	vadd.s32 $0x1, v16;
	[tilespmem:v17+s19+$0x0] =	vst.idx.msk $0x1, v63  }
0x1f4: {  	[tilespmem:v62+s18+$0x0] =	vst.idx.msk $0x1, v16  }
.LBB2_52:
0x1f5: {  	s31 =	sadd.s32 $0x1, s31  }
0x1f6: {  	p1 =	sne.s32 s31, $0x200  }
.Ltmp39:
0x1f7: {  	_ = 	snop;
	(pc) =	sbr.rel @!p1 .LBB2_53-.Ltmp39, $1  }
0x1f8: {  	_ =	sdelay $0x3  }
.LBB2_41:
0x1f9: {  	s3 =	sshll.u32 s31, $0x4  }
0x1fa: {  	s0 =	sand.u32 $0x7F0, s3  }
0x1fb: {  	v16 =	vor.u32 s0, v2;
	_ =	sdelay $0x4  }
0x1fc: {  	v16 =	vld.idx.msk [tilespmem:v16+s5+$0x0], $0xffff;
	_ =	sdelay $0x4  }
0x1fd: {  	v17 =	vshrl.u32 v16, $0x8  }
0x1fe: {  	v17 =	vand.u32 $0x1F, v17  }
0x1ff: {  	vm0 =	veq.s32 v17, v0  }
0x200: {  	v17 =	vsel vm0, $0x1, v1  }
0x201: {  	(xrf0) =	vadd.scan.msk.s32 $0xffff, v17;
	_ =	sdelay $0x5  }
0x202: {  	v17, _, _ =	vpop (xrf0)  }
0x203: {  	(v2sf) =	vpush v17, $0xF;
	_ =	sdelay $0xe  }
0x204: {  	s0 =	spop (v2sf)  }
0x205: {  	p1 =	slt.s32 s0, $0x1  }
.Ltmp40:
0x206: {  	_ = 	snop;
	(pc) =	sbr.rel @p1 .LBB2_52-.Ltmp40, $1  }
0x207: {  	_ =	sdelay $0x3  }
0x208: {  	v17 =	vmov s3  }
0x209: {  	v18 =	vmctz.xlane vm0;
	p4 =	sne.s32 s0, $0x1;
	v17 =	vshll.u32 v17, $0x8  }
.Ltmp41:
0x20a: {  	v19 =	vand.u32 $0xFF, v16;
	v16 =	vshra.s32 v16, $0xD;
	v17 =	vor.u32 v11, v17;
	(pc) =	sbr.rel @!p4 .LBB2_43-.Ltmp41, $4  }
0x20b: {  	v16 =	vxor.u32 $0x80000000, v16;
	vm1 =	vne.s32 v18, v2;
	v17 =	vor.u32 v17, v19  }
0x20c: {  	v18 =	vsel vm1, $0x7FFFFFFF, v16;
	v17 =	vor.u32 $0x80000000, v17  }
0x20d: {  	s0 =	sadd.s32 $0xFFFFFFFF, s0;
	(xrf0) =	vmax.scan.msk.u32 $0xffff, v18;
	v19 =	vsel vm1, $0x7FFFFFFF, v17  }
0x20e: {  	p1 =	por $0x0, $0x0;
	p2 =	por $0x0, $0x0;
	p3 =	por $0x0, $0x0;
	vm0 =	vmand vm0, vm1;
	(xrf0) =	vmax.scan.msk.u32 $0xffff, v19  }
0x20f: {  	v18 =	vmctz.xlane vm0;
	_ =	sdelay $0x3  }
0x210: {  	vm1 =	vne.s32 v18, v2;
	v18, _, _ =	vpop (xrf0)  }
0x211: {  	p4 =	sne.s32 s0, $0x1;
	(v2sf) =	vpush v18, $0xF  }
.Ltmp42:
0x212: {  	_ = 	snop;
	(pc) =	sbr.rel @!p4 .LBB2_45-.Ltmp42, $4  }
0x213: {  	_ = 	snop  }
0x214: {  	v19 =	vsel vm1, $0x7FFFFFFF, v16  }
0x215: {  	v20 =	vsel vm1, $0x7FFFFFFF, v17;
	(xrf0) =	vmax.scan.msk.u32 $0xffff, v19;
	v18, _, _ =	vpop (xrf0)  }
0x216: {  	s0 =	sadd.s32 $0xFFFFFFFF, s0;
	p1 =	por $0x1, $0x1;
	vm0 =	vmand vm0, vm1;
	(xrf0) =	vmax.scan.msk.u32 $0xffff, v20;
	(v2sf) =	vpush v18, $0xF  }
0x217: {  	_ =	sdelay $0x8  }
0x218: {  	v18 =	vmctz.xlane vm0  }
0x219: {  	p4 =	sne.s32 s0, $0x1  }
.Ltmp43:
0x21a: {  	_ = 	snop;
	(pc) =	sbr.rel @!p4 .LBB2_47-.Ltmp43, $4  }
0x21b: {  	vm1 =	vne.s32 v18, v2  }
0x21c: {  	v19 =	vsel vm1, $0x7FFFFFFF, v16;
	v18, _, _ =	vpop (xrf0);
	s3 =	spop (v2sf)  }
0x21d: {  	v20 =	vsel vm1, $0x7FFFFFFF, v17;
	(xrf0) =	vmax.scan.msk.u32 $0xffff, v19;
	(v2sf) =	vpush v18, $0xF;
	v18, _, _ =	vpop (xrf0);
	s4 =	sxor.u32 $0x80000000, s3;
	s21 =	spop (v2sf)  }
0x21e: {  	p2 =	por $0x1, $0x1;
	vm0 =	vmand vm0, vm1;
	(xrf0) =	vmax.scan.msk.u32 $0xffff, v20;
	(v2sf) =	vpush v18, $0xF;
	s3 =	sadd.s32 $0xFFFFFFFF, s0;
	v18 =	vmov s4;
	s0 =	sxor.u32 $0x80000000, s21  }
0x21f: {  	_ =	sdelay $0x3  }
0x220: {  	v19 =	vld.idx.msk [tilespmem:v18+s18+$0x0], $0xffff;
	_ =	sdelay $0x2  }
0x221: {  	v20 =	vshll.u32 v18, $0x5;
	_ =	sdelay $0x1  }
0x222: {  	v21 =	vmctz.xlane vm0;
	v22 =	vadd.s32 v19, v20  }
0x223: {  	v20, _, _ =	vpop (xrf0)  }
0x224: {  	vm1 =	vne.s32 v21, v2;
	(v2sf) =	vpush v20, $0xF;
	v20, _, _ =	vpop (xrf0)  }
0x225: {  	v21 =	vsel vm1, $0x7FFFFFFF, v16;
	(v2sf) =	vpush v20, $0xF  }
0x226: {  	p4 =	sne.s32 s3, $0x1;
	(xrf0) =	vmax.scan.msk.u32 $0xffff, v21;
	v21 =	vmov s0  }
.Ltmp44:
0x227: {  	[tilespmem:v22+s19+$0x0] =	vst.idx.msk $0x1, v21;
	v21 =	vadd.s32 $0x1, v19;
	v19 =	vmov v18;
	(pc) =	sbr.rel @!p4 .LBB2_49-.Ltmp44, $4  }
0x228: {  	_ = 	snop  }
0x229: {  	s4 =	spop (v2sf)  }
0x22a: {  	v23 =	vsel vm1, $0x7FFFFFFF, v17;
	s4 =	sxor.u32 $0x80000000, s4;
	s21 =	spop (v2sf)  }
0x22b: {  	p3 =	por $0x1, $0x1;
	vm0 =	vmand vm0, vm1;
	(xrf0) =	vmax.scan.msk.u32 $0xffff, v23;
	v20 =	vmov s4;
	s4 =	sadd.s32 $0xFFFFFFFF, s3;
	s3 =	sxor.u32 $0x80000000, s21  }
.LBB2_50:
0x22c: {  	p4 =	sne.s32 s4, $0x1;
	s4 =	sadd.s32 $0xFFFFFFFF, s4;
	[tilespmem:v19+s18+$0x0] =	vst.idx.msk $0x1, v21;
	v19 =	vmov v20  }
0x22d: {  	v21 =	vld.idx.msk [tilespmem:v20+s18+$0x0], $0xffff;
	_ =	sdelay $0x2  }
0x22e: {  	v20, _, _ =	vpop (xrf0)  }
0x22f: {  	(v2sf) =	vpush v20, $0xF;
	v20, _, _ =	vpop (xrf0)  }
0x230: {  	(v2sf) =	vpush v20, $0xF;
	v20 =	vshll.u32 v19, $0x5  }
0x231: {  	v22 =	vmctz.xlane vm0;
	s21 =	spop (v2sf);
	v23 =	vadd.s32 v21, v20  }
.Ltmp45:
0x232: {  	s21 =	sxor.u32 $0x80000000, s21;
	s29 =	spop (v2sf);
	(pc) =	sbr.rel @p4 .LBB2_50-.Ltmp45, $4  }
0x233: {  	vm1 =	vne.s32 v22, v2;
	v20 =	vmov s21;
	s21 =	sxor.u32 $0x80000000, s29  }
0x234: {  	v22 =	vsel vm1, $0x7FFFFFFF, v16;
	v24 =	vsel vm1, $0x7FFFFFFF, v17;
	vm0 =	vmand vm0, vm1  }
0x235: {  	(xrf0) =	vmax.scan.msk.u32 $0xffff, v22;
	v22 =	vmov s3;
	s3 =	smov.u32 s21  }
0x236: {  	v21 =	vadd.s32 $0x1, v21;
	(xrf0) =	vmax.scan.msk.u32 $0xffff, v24;
	[tilespmem:v23+s19+$0x0] =	vst.idx.msk $0x1, v22  }
.Ltmp46:
0x237: {  	_ = 	snop;
	(pc) =	sbr.rel .LBB2_51-.Ltmp46, $1  }
0x238: {  	_ =	sdelay $0x3  }
.LBB2_45:
.Ltmp47:
0x239: {  	(pc) =	sbr.rel .LBB2_51-.Ltmp47, $2  }
0x23a: {  	_ =	sdelay $0x2  }
0x23b: {  	_ = 	snop  }
.LBB2_47:
.Ltmp48:
0x23c: {  	(pc) =	sbr.rel .LBB2_51-.Ltmp48, $2  }
0x23d: {  	_ =	sdelay $0x2  }
0x23e: {  	v20 =	vmov v18;
	s3 =	smov.u32 s0  }
.LBB2_49:
.Ltmp49:
0x23f: {  	(pc) =	sbr.rel .LBB2_51-.Ltmp49, $2  }
0x240: {  	_ =	sdelay $0x2  }
0x241: {  	v19 =	vmov v18  }
.LBB2_53:
.Ltmp50:
0x242: {  	(pc) =	sbr.rel .LBB2_54-.Ltmp50, $4  }
0x243: {  	[tilespmem:s5], [sflag:$0x2] =	stream.linear.gather [hbm4b:s10+s5], $0x800, $0x38;
	[tilespmem:$0x1FC00] =	vst v63  }
0x244: {  	_ =	swait.ge [sflag:s20], $0x800  }
0x245: {  	[sflag:s20] =	ssyncset.done $0x0  }
0x246: {  	s31 =	simm.s32 $0x200;
	[sflag:s20] =	ssyncadd.s32 $0xFFFFF800  }
.LBB2_56:
0x247: {  	_ = 	snop  }
.LBB2_64:
0x248: {  	_ =	sdelay $0x3  }
0x249: {  	[tilespmem:v19+s18+$0x0] =	vst.idx.msk @p3 $0x1, v21  }
0x24a: {  	v16 =	vld.idx.msk @p2 [tilespmem:v20+s18+$0x0], $0xffff  }
0x24b: {  	v17, _, _ =	vpop (xrf0)  }
0x24c: {  	(v2sf) =	vpush v17, $0xF  }
0x24d: {  	v17 =	vmov @p2 v20  }
0x24e: {  	v19 =	vshll.u32 @p2 v17, $0x5;
	s4 =	spop @p1 (v2sf)  }
0x24f: {  	s4 =	sxor.u32 @p1 $0x80000000, s4;
	v19 =	vadd.s32 @p2 v16, v19  }
0x250: {  	v17 =	vpsel p2, v17, v0;
	v20 =	vmov @p1 s4  }
0x251: {  	v18 =	vpsel p1, v20, v18;
	_ =	sdelay $0x1  }
0x252: {  	v20 =	vmov @p2 s3;
	v16 =	vadd.s32 @p2 $0x1, v16  }
0x253: {  	v16 =	vpsel p2, v16, v0;
	[tilespmem:v19+s19+$0x0] =	vst.idx.msk @p2 $0x1, v20  }
0x254: {  	[tilespmem:v17+s18+$0x0] =	vst.idx.msk @p2 $0x1, v16  }
0x255: {  	v16 =	vld.idx.msk @p1 [tilespmem:v18+s18+$0x0], $0xffff;
	_ =	sdelay $0x2  }
0x256: {  	v17, _, _ =	vpop (xrf0)  }
0x257: {  	s3 =	spop @p1 (v2sf);
	(v2sf) =	vpush v17, $0xF;
	v17 =	vshll.u32 @p1 v18, $0x5  }
0x258: {  	s21 =	spop (v2sf);
	v17 =	vadd.s32 @p1 v16, v17  }
0x259: {  	v18 =	vpsel p1, v18, v0;
	s4 =	sxor.u32 $0x80000000, s21  }
0x25a: {  	s3 =	sxor.u32 @p1 $0x80000000, s3;
	v62 =	vmov s4  }
0x25b: {  	s0 =	smov.u32 @p1 s3  }
0x25c: {  	v20 =	vmov @p1 s0;
	v16 =	vadd.s32 @p1 $0x1, v16  }
0x25d: {  	v16 =	vpsel p1, v16, v0;
	[tilespmem:v17+s19+$0x0] =	vst.idx.msk @p1 $0x1, v20  }
0x25e: {  	[tilespmem:v18+s18+$0x0] =	vst.idx.msk @p1 $0x1, v16  }
0x25f: {  	v16 =	vld.idx.msk [tilespmem:v62+s18+$0x0], $0xffff;
	_ =	sdelay $0x3  }
0x260: {  	v17 =	vshll.u32 v62, $0x5  }
0x261: {  	v17 =	vadd.s32 v16, v17;
	_ =	sdelay $0x1  }
0x262: {  	s29 =	spop (v2sf)  }
0x263: {  	s0 =	sxor.u32 $0x80000000, s29  }
0x264: {  	v63 =	vmov s0  }
0x265: {  	v16 =	vadd.s32 $0x1, v16;
	[tilespmem:v17+s19+$0x0] =	vst.idx.msk $0x1, v63  }
0x266: {  	[tilespmem:v62+s18+$0x0] =	vst.idx.msk $0x1, v16  }
.LBB2_65:
0x267: {  	s31 =	sadd.s32 $0x1, s31  }
0x268: {  	p1 =	sne.s32 s31, $0x280  }
.Ltmp51:
0x269: {  	_ = 	snop;
	(pc) =	sbr.rel @!p1 .LBB2_66-.Ltmp51, $1  }
0x26a: {  	_ =	sdelay $0x3  }
.LBB2_54:
0x26b: {  	s3 =	sshll.u32 s31, $0x4  }
0x26c: {  	s0 =	sand.u32 $0x7F0, s3  }
0x26d: {  	v16 =	vor.u32 s0, v2;
	_ =	sdelay $0x4  }
0x26e: {  	v16 =	vld.idx.msk [tilespmem:v16+s5+$0x0], $0xffff;
	_ =	sdelay $0x4  }
0x26f: {  	v17 =	vshrl.u32 v16, $0x8  }
0x270: {  	v17 =	vand.u32 $0x1F, v17  }
0x271: {  	vm0 =	veq.s32 v17, v0  }
0x272: {  	v17 =	vsel vm0, $0x1, v1  }
0x273: {  	(xrf0) =	vadd.scan.msk.s32 $0xffff, v17;
	_ =	sdelay $0x5  }
0x274: {  	v17, _, _ =	vpop (xrf0)  }
0x275: {  	(v2sf) =	vpush v17, $0xF;
	_ =	sdelay $0xe  }
0x276: {  	s0 =	spop (v2sf)  }
0x277: {  	p1 =	slt.s32 s0, $0x1  }
.Ltmp52:
0x278: {  	_ = 	snop;
	(pc) =	sbr.rel @p1 .LBB2_65-.Ltmp52, $1  }
0x279: {  	_ =	sdelay $0x3  }
0x27a: {  	v17 =	vmov s3  }
0x27b: {  	v18 =	vmctz.xlane vm0;
	p4 =	sne.s32 s0, $0x1;
	v17 =	vshll.u32 v17, $0x8  }
.Ltmp53:
0x27c: {  	v19 =	vand.u32 $0xFF, v16;
	v16 =	vshra.s32 v16, $0xD;
	v17 =	vor.u32 v11, v17;
	(pc) =	sbr.rel @!p4 .LBB2_56-.Ltmp53, $4  }
0x27d: {  	v16 =	vxor.u32 $0x80000000, v16;
	vm1 =	vne.s32 v18, v2;
	v17 =	vor.u32 v17, v19  }
0x27e: {  	v18 =	vsel vm1, $0x7FFFFFFF, v16;
	v17 =	vor.u32 $0x80000000, v17  }
0x27f: {  	s0 =	sadd.s32 $0xFFFFFFFF, s0;
	(xrf0) =	vmax.scan.msk.u32 $0xffff, v18;
	v19 =	vsel vm1, $0x7FFFFFFF, v17  }
0x280: {  	p1 =	por $0x0, $0x0;
	p2 =	por $0x0, $0x0;
	p3 =	por $0x0, $0x0;
	vm0 =	vmand vm0, vm1;
	(xrf0) =	vmax.scan.msk.u32 $0xffff, v19  }
0x281: {  	v18 =	vmctz.xlane vm0;
	_ =	sdelay $0x3  }
0x282: {  	vm1 =	vne.s32 v18, v2;
	v18, _, _ =	vpop (xrf0)  }
0x283: {  	p4 =	sne.s32 s0, $0x1;
	(v2sf) =	vpush v18, $0xF  }
.Ltmp54:
0x284: {  	_ = 	snop;
	(pc) =	sbr.rel @!p4 .LBB2_58-.Ltmp54, $4  }
0x285: {  	_ = 	snop  }
0x286: {  	v19 =	vsel vm1, $0x7FFFFFFF, v16  }
0x287: {  	v20 =	vsel vm1, $0x7FFFFFFF, v17;
	(xrf0) =	vmax.scan.msk.u32 $0xffff, v19;
	v18, _, _ =	vpop (xrf0)  }
0x288: {  	s0 =	sadd.s32 $0xFFFFFFFF, s0;
	p1 =	por $0x1, $0x1;
	vm0 =	vmand vm0, vm1;
	(xrf0) =	vmax.scan.msk.u32 $0xffff, v20;
	(v2sf) =	vpush v18, $0xF  }
0x289: {  	_ =	sdelay $0x8  }
0x28a: {  	v18 =	vmctz.xlane vm0  }
0x28b: {  	p4 =	sne.s32 s0, $0x1  }
.Ltmp55:
0x28c: {  	_ = 	snop;
	(pc) =	sbr.rel @!p4 .LBB2_60-.Ltmp55, $4  }
0x28d: {  	vm1 =	vne.s32 v18, v2  }
0x28e: {  	v19 =	vsel vm1, $0x7FFFFFFF, v16;
	v18, _, _ =	vpop (xrf0);
	s3 =	spop (v2sf)  }
0x28f: {  	v20 =	vsel vm1, $0x7FFFFFFF, v17;
	(xrf0) =	vmax.scan.msk.u32 $0xffff, v19;
	(v2sf) =	vpush v18, $0xF;
	v18, _, _ =	vpop (xrf0);
	s4 =	sxor.u32 $0x80000000, s3;
	s21 =	spop (v2sf)  }
0x290: {  	p2 =	por $0x1, $0x1;
	vm0 =	vmand vm0, vm1;
	(xrf0) =	vmax.scan.msk.u32 $0xffff, v20;
	(v2sf) =	vpush v18, $0xF;
	s3 =	sadd.s32 $0xFFFFFFFF, s0;
	v18 =	vmov s4;
	s0 =	sxor.u32 $0x80000000, s21  }
0x291: {  	_ =	sdelay $0x3  }
0x292: {  	v19 =	vld.idx.msk [tilespmem:v18+s18+$0x0], $0xffff;
	_ =	sdelay $0x2  }
0x293: {  	v20 =	vshll.u32 v18, $0x5;
	_ =	sdelay $0x1  }
0x294: {  	v21 =	vmctz.xlane vm0;
	v22 =	vadd.s32 v19, v20  }
0x295: {  	v20, _, _ =	vpop (xrf0)  }
0x296: {  	vm1 =	vne.s32 v21, v2;
	(v2sf) =	vpush v20, $0xF;
	v20, _, _ =	vpop (xrf0)  }
0x297: {  	v21 =	vsel vm1, $0x7FFFFFFF, v16;
	(v2sf) =	vpush v20, $0xF  }
0x298: {  	p4 =	sne.s32 s3, $0x1;
	(xrf0) =	vmax.scan.msk.u32 $0xffff, v21;
	v21 =	vmov s0  }
.Ltmp56:
0x299: {  	[tilespmem:v22+s19+$0x0] =	vst.idx.msk $0x1, v21;
	v21 =	vadd.s32 $0x1, v19;
	v19 =	vmov v18;
	(pc) =	sbr.rel @!p4 .LBB2_62-.Ltmp56, $4  }
0x29a: {  	_ = 	snop  }
0x29b: {  	s4 =	spop (v2sf)  }
0x29c: {  	v23 =	vsel vm1, $0x7FFFFFFF, v17;
	s4 =	sxor.u32 $0x80000000, s4;
	s21 =	spop (v2sf)  }
0x29d: {  	p3 =	por $0x1, $0x1;
	vm0 =	vmand vm0, vm1;
	(xrf0) =	vmax.scan.msk.u32 $0xffff, v23;
	v20 =	vmov s4;
	s4 =	sadd.s32 $0xFFFFFFFF, s3;
	s3 =	sxor.u32 $0x80000000, s21  }
.LBB2_63:
0x29e: {  	p4 =	sne.s32 s4, $0x1;
	s4 =	sadd.s32 $0xFFFFFFFF, s4;
	[tilespmem:v19+s18+$0x0] =	vst.idx.msk $0x1, v21;
	v19 =	vmov v20  }
0x29f: {  	v21 =	vld.idx.msk [tilespmem:v20+s18+$0x0], $0xffff;
	_ =	sdelay $0x2  }
0x2a0: {  	v20, _, _ =	vpop (xrf0)  }
0x2a1: {  	(v2sf) =	vpush v20, $0xF;
	v20, _, _ =	vpop (xrf0)  }
0x2a2: {  	(v2sf) =	vpush v20, $0xF;
	v20 =	vshll.u32 v19, $0x5  }
0x2a3: {  	v22 =	vmctz.xlane vm0;
	s21 =	spop (v2sf);
	v23 =	vadd.s32 v21, v20  }
.Ltmp57:
0x2a4: {  	s21 =	sxor.u32 $0x80000000, s21;
	s29 =	spop (v2sf);
	(pc) =	sbr.rel @p4 .LBB2_63-.Ltmp57, $4  }
0x2a5: {  	vm1 =	vne.s32 v22, v2;
	v20 =	vmov s21;
	s21 =	sxor.u32 $0x80000000, s29  }
0x2a6: {  	v22 =	vsel vm1, $0x7FFFFFFF, v16;
	v24 =	vsel vm1, $0x7FFFFFFF, v17;
	vm0 =	vmand vm0, vm1  }
0x2a7: {  	(xrf0) =	vmax.scan.msk.u32 $0xffff, v22;
	v22 =	vmov s3;
	s3 =	smov.u32 s21  }
0x2a8: {  	v21 =	vadd.s32 $0x1, v21;
	(xrf0) =	vmax.scan.msk.u32 $0xffff, v24;
	[tilespmem:v23+s19+$0x0] =	vst.idx.msk $0x1, v22  }
.Ltmp58:
0x2a9: {  	_ = 	snop;
	(pc) =	sbr.rel .LBB2_64-.Ltmp58, $1  }
0x2aa: {  	_ =	sdelay $0x3  }
.LBB2_58:
.Ltmp59:
0x2ab: {  	(pc) =	sbr.rel .LBB2_64-.Ltmp59, $2  }
0x2ac: {  	_ =	sdelay $0x2  }
0x2ad: {  	_ = 	snop  }
.LBB2_60:
.Ltmp60:
0x2ae: {  	(pc) =	sbr.rel .LBB2_64-.Ltmp60, $2  }
0x2af: {  	_ =	sdelay $0x2  }
0x2b0: {  	v20 =	vmov v18;
	s3 =	smov.u32 s0  }
.LBB2_62:
.Ltmp61:
0x2b1: {  	(pc) =	sbr.rel .LBB2_64-.Ltmp61, $2  }
0x2b2: {  	_ =	sdelay $0x2  }
0x2b3: {  	v19 =	vmov v18  }
.LBB2_66:
.Ltmp62:
0x2b4: {  	(pc) =	sbr.rel .LBB2_67-.Ltmp62, $4  }
0x2b5: {  	[tilespmem:s5], [sflag:$0x2] =	stream.linear.gather [hbm4b:s11+s5], $0x800, $0x38;
	[tilespmem:$0x1FC00] =	vst v63  }
0x2b6: {  	_ =	swait.ge [sflag:s20], $0x800  }
0x2b7: {  	[sflag:s20] =	ssyncset.done $0x0  }
0x2b8: {  	s31 =	simm.s32 $0x280;
	[sflag:s20] =	ssyncadd.s32 $0xFFFFF800  }
.LBB2_69:
0x2b9: {  	_ = 	snop  }
.LBB2_77:
0x2ba: {  	_ =	sdelay $0x3  }
0x2bb: {  	[tilespmem:v19+s18+$0x0] =	vst.idx.msk @p3 $0x1, v21  }
0x2bc: {  	v16 =	vld.idx.msk @p2 [tilespmem:v20+s18+$0x0], $0xffff  }
0x2bd: {  	v17, _, _ =	vpop (xrf0)  }
0x2be: {  	(v2sf) =	vpush v17, $0xF  }
0x2bf: {  	v17 =	vmov @p2 v20  }
0x2c0: {  	v19 =	vshll.u32 @p2 v17, $0x5;
	s4 =	spop @p1 (v2sf)  }
0x2c1: {  	s4 =	sxor.u32 @p1 $0x80000000, s4;
	v19 =	vadd.s32 @p2 v16, v19  }
0x2c2: {  	v17 =	vpsel p2, v17, v0;
	v20 =	vmov @p1 s4  }
0x2c3: {  	v18 =	vpsel p1, v20, v18;
	_ =	sdelay $0x1  }
0x2c4: {  	v20 =	vmov @p2 s3;
	v16 =	vadd.s32 @p2 $0x1, v16  }
0x2c5: {  	v16 =	vpsel p2, v16, v0;
	[tilespmem:v19+s19+$0x0] =	vst.idx.msk @p2 $0x1, v20  }
0x2c6: {  	[tilespmem:v17+s18+$0x0] =	vst.idx.msk @p2 $0x1, v16  }
0x2c7: {  	v16 =	vld.idx.msk @p1 [tilespmem:v18+s18+$0x0], $0xffff;
	_ =	sdelay $0x2  }
0x2c8: {  	v17, _, _ =	vpop (xrf0)  }
0x2c9: {  	s3 =	spop @p1 (v2sf);
	(v2sf) =	vpush v17, $0xF;
	v17 =	vshll.u32 @p1 v18, $0x5  }
0x2ca: {  	s21 =	spop (v2sf);
	v17 =	vadd.s32 @p1 v16, v17  }
0x2cb: {  	v18 =	vpsel p1, v18, v0;
	s4 =	sxor.u32 $0x80000000, s21  }
0x2cc: {  	s3 =	sxor.u32 @p1 $0x80000000, s3;
	v62 =	vmov s4  }
0x2cd: {  	s0 =	smov.u32 @p1 s3  }
0x2ce: {  	v20 =	vmov @p1 s0;
	v16 =	vadd.s32 @p1 $0x1, v16  }
0x2cf: {  	v16 =	vpsel p1, v16, v0;
	[tilespmem:v17+s19+$0x0] =	vst.idx.msk @p1 $0x1, v20  }
0x2d0: {  	[tilespmem:v18+s18+$0x0] =	vst.idx.msk @p1 $0x1, v16  }
0x2d1: {  	v16 =	vld.idx.msk [tilespmem:v62+s18+$0x0], $0xffff;
	_ =	sdelay $0x3  }
0x2d2: {  	v17 =	vshll.u32 v62, $0x5  }
0x2d3: {  	v17 =	vadd.s32 v16, v17;
	_ =	sdelay $0x1  }
0x2d4: {  	s29 =	spop (v2sf)  }
0x2d5: {  	s0 =	sxor.u32 $0x80000000, s29  }
0x2d6: {  	v63 =	vmov s0  }
0x2d7: {  	v16 =	vadd.s32 $0x1, v16;
	[tilespmem:v17+s19+$0x0] =	vst.idx.msk $0x1, v63  }
0x2d8: {  	[tilespmem:v62+s18+$0x0] =	vst.idx.msk $0x1, v16  }
.LBB2_78:
0x2d9: {  	s31 =	sadd.s32 $0x1, s31  }
0x2da: {  	p1 =	sne.s32 s31, $0x300  }
.Ltmp63:
0x2db: {  	_ = 	snop;
	(pc) =	sbr.rel @!p1 .LBB2_79-.Ltmp63, $1  }
0x2dc: {  	_ =	sdelay $0x3  }
.LBB2_67:
0x2dd: {  	s3 =	sshll.u32 s31, $0x4  }
0x2de: {  	s0 =	sand.u32 $0x7F0, s3  }
0x2df: {  	v16 =	vor.u32 s0, v2;
	_ =	sdelay $0x4  }
0x2e0: {  	v16 =	vld.idx.msk [tilespmem:v16+s5+$0x0], $0xffff;
	_ =	sdelay $0x4  }
0x2e1: {  	v17 =	vshrl.u32 v16, $0x8  }
0x2e2: {  	v17 =	vand.u32 $0x1F, v17  }
0x2e3: {  	vm0 =	veq.s32 v17, v0  }
0x2e4: {  	v17 =	vsel vm0, $0x1, v1  }
0x2e5: {  	(xrf0) =	vadd.scan.msk.s32 $0xffff, v17;
	_ =	sdelay $0x5  }
0x2e6: {  	v17, _, _ =	vpop (xrf0)  }
0x2e7: {  	(v2sf) =	vpush v17, $0xF;
	_ =	sdelay $0xe  }
0x2e8: {  	s0 =	spop (v2sf)  }
0x2e9: {  	p1 =	slt.s32 s0, $0x1  }
.Ltmp64:
0x2ea: {  	_ = 	snop;
	(pc) =	sbr.rel @p1 .LBB2_78-.Ltmp64, $1  }
0x2eb: {  	_ =	sdelay $0x3  }
0x2ec: {  	v17 =	vmov s3  }
0x2ed: {  	v18 =	vmctz.xlane vm0;
	p4 =	sne.s32 s0, $0x1;
	v17 =	vshll.u32 v17, $0x8  }
.Ltmp65:
0x2ee: {  	v19 =	vand.u32 $0xFF, v16;
	v16 =	vshra.s32 v16, $0xD;
	v17 =	vor.u32 v11, v17;
	(pc) =	sbr.rel @!p4 .LBB2_69-.Ltmp65, $4  }
0x2ef: {  	v16 =	vxor.u32 $0x80000000, v16;
	vm1 =	vne.s32 v18, v2;
	v17 =	vor.u32 v17, v19  }
0x2f0: {  	v18 =	vsel vm1, $0x7FFFFFFF, v16;
	v17 =	vor.u32 $0x80000000, v17  }
0x2f1: {  	s0 =	sadd.s32 $0xFFFFFFFF, s0;
	(xrf0) =	vmax.scan.msk.u32 $0xffff, v18;
	v19 =	vsel vm1, $0x7FFFFFFF, v17  }
0x2f2: {  	p1 =	por $0x0, $0x0;
	p2 =	por $0x0, $0x0;
	p3 =	por $0x0, $0x0;
	vm0 =	vmand vm0, vm1;
	(xrf0) =	vmax.scan.msk.u32 $0xffff, v19  }
0x2f3: {  	v18 =	vmctz.xlane vm0;
	_ =	sdelay $0x3  }
0x2f4: {  	vm1 =	vne.s32 v18, v2;
	v18, _, _ =	vpop (xrf0)  }
0x2f5: {  	p4 =	sne.s32 s0, $0x1;
	(v2sf) =	vpush v18, $0xF  }
.Ltmp66:
0x2f6: {  	_ = 	snop;
	(pc) =	sbr.rel @!p4 .LBB2_71-.Ltmp66, $4  }
0x2f7: {  	_ = 	snop  }
0x2f8: {  	v19 =	vsel vm1, $0x7FFFFFFF, v16  }
0x2f9: {  	v20 =	vsel vm1, $0x7FFFFFFF, v17;
	(xrf0) =	vmax.scan.msk.u32 $0xffff, v19;
	v18, _, _ =	vpop (xrf0)  }
0x2fa: {  	s0 =	sadd.s32 $0xFFFFFFFF, s0;
	p1 =	por $0x1, $0x1;
	vm0 =	vmand vm0, vm1;
	(xrf0) =	vmax.scan.msk.u32 $0xffff, v20;
	(v2sf) =	vpush v18, $0xF  }
0x2fb: {  	_ =	sdelay $0x8  }
0x2fc: {  	v18 =	vmctz.xlane vm0  }
0x2fd: {  	p4 =	sne.s32 s0, $0x1  }
.Ltmp67:
0x2fe: {  	_ = 	snop;
	(pc) =	sbr.rel @!p4 .LBB2_73-.Ltmp67, $4  }
0x2ff: {  	vm1 =	vne.s32 v18, v2  }
0x300: {  	v19 =	vsel vm1, $0x7FFFFFFF, v16;
	v18, _, _ =	vpop (xrf0);
	s3 =	spop (v2sf)  }
0x301: {  	v20 =	vsel vm1, $0x7FFFFFFF, v17;
	(xrf0) =	vmax.scan.msk.u32 $0xffff, v19;
	(v2sf) =	vpush v18, $0xF;
	v18, _, _ =	vpop (xrf0);
	s4 =	sxor.u32 $0x80000000, s3;
	s21 =	spop (v2sf)  }
0x302: {  	p2 =	por $0x1, $0x1;
	vm0 =	vmand vm0, vm1;
	(xrf0) =	vmax.scan.msk.u32 $0xffff, v20;
	(v2sf) =	vpush v18, $0xF;
	s3 =	sadd.s32 $0xFFFFFFFF, s0;
	v18 =	vmov s4;
	s0 =	sxor.u32 $0x80000000, s21  }
0x303: {  	_ =	sdelay $0x3  }
0x304: {  	v19 =	vld.idx.msk [tilespmem:v18+s18+$0x0], $0xffff;
	_ =	sdelay $0x2  }
0x305: {  	v20 =	vshll.u32 v18, $0x5;
	_ =	sdelay $0x1  }
0x306: {  	v21 =	vmctz.xlane vm0;
	v22 =	vadd.s32 v19, v20  }
0x307: {  	v20, _, _ =	vpop (xrf0)  }
0x308: {  	vm1 =	vne.s32 v21, v2;
	(v2sf) =	vpush v20, $0xF;
	v20, _, _ =	vpop (xrf0)  }
0x309: {  	v21 =	vsel vm1, $0x7FFFFFFF, v16;
	(v2sf) =	vpush v20, $0xF  }
0x30a: {  	p4 =	sne.s32 s3, $0x1;
	(xrf0) =	vmax.scan.msk.u32 $0xffff, v21;
	v21 =	vmov s0  }
.Ltmp68:
0x30b: {  	[tilespmem:v22+s19+$0x0] =	vst.idx.msk $0x1, v21;
	v21 =	vadd.s32 $0x1, v19;
	v19 =	vmov v18;
	(pc) =	sbr.rel @!p4 .LBB2_75-.Ltmp68, $4  }
0x30c: {  	_ = 	snop  }
0x30d: {  	s4 =	spop (v2sf)  }
0x30e: {  	v23 =	vsel vm1, $0x7FFFFFFF, v17;
	s4 =	sxor.u32 $0x80000000, s4;
	s21 =	spop (v2sf)  }
0x30f: {  	p3 =	por $0x1, $0x1;
	vm0 =	vmand vm0, vm1;
	(xrf0) =	vmax.scan.msk.u32 $0xffff, v23;
	v20 =	vmov s4;
	s4 =	sadd.s32 $0xFFFFFFFF, s3;
	s3 =	sxor.u32 $0x80000000, s21  }
.LBB2_76:
0x310: {  	p4 =	sne.s32 s4, $0x1;
	s4 =	sadd.s32 $0xFFFFFFFF, s4;
	[tilespmem:v19+s18+$0x0] =	vst.idx.msk $0x1, v21;
	v19 =	vmov v20  }
0x311: {  	v21 =	vld.idx.msk [tilespmem:v20+s18+$0x0], $0xffff;
	_ =	sdelay $0x2  }
0x312: {  	v20, _, _ =	vpop (xrf0)  }
0x313: {  	(v2sf) =	vpush v20, $0xF;
	v20, _, _ =	vpop (xrf0)  }
0x314: {  	(v2sf) =	vpush v20, $0xF;
	v20 =	vshll.u32 v19, $0x5  }
0x315: {  	v22 =	vmctz.xlane vm0;
	s21 =	spop (v2sf);
	v23 =	vadd.s32 v21, v20  }
.Ltmp69:
0x316: {  	s21 =	sxor.u32 $0x80000000, s21;
	s29 =	spop (v2sf);
	(pc) =	sbr.rel @p4 .LBB2_76-.Ltmp69, $4  }
0x317: {  	vm1 =	vne.s32 v22, v2;
	v20 =	vmov s21;
	s21 =	sxor.u32 $0x80000000, s29  }
0x318: {  	v22 =	vsel vm1, $0x7FFFFFFF, v16;
	v24 =	vsel vm1, $0x7FFFFFFF, v17;
	vm0 =	vmand vm0, vm1  }
0x319: {  	(xrf0) =	vmax.scan.msk.u32 $0xffff, v22;
	v22 =	vmov s3;
	s3 =	smov.u32 s21  }
0x31a: {  	v21 =	vadd.s32 $0x1, v21;
	(xrf0) =	vmax.scan.msk.u32 $0xffff, v24;
	[tilespmem:v23+s19+$0x0] =	vst.idx.msk $0x1, v22  }
.Ltmp70:
0x31b: {  	_ = 	snop;
	(pc) =	sbr.rel .LBB2_77-.Ltmp70, $1  }
0x31c: {  	_ =	sdelay $0x3  }
.LBB2_71:
.Ltmp71:
0x31d: {  	(pc) =	sbr.rel .LBB2_77-.Ltmp71, $2  }
0x31e: {  	_ =	sdelay $0x2  }
0x31f: {  	_ = 	snop  }
.LBB2_73:
.Ltmp72:
0x320: {  	(pc) =	sbr.rel .LBB2_77-.Ltmp72, $2  }
0x321: {  	_ =	sdelay $0x2  }
0x322: {  	v20 =	vmov v18;
	s3 =	smov.u32 s0  }
.LBB2_75:
.Ltmp73:
0x323: {  	(pc) =	sbr.rel .LBB2_77-.Ltmp73, $2  }
0x324: {  	_ =	sdelay $0x2  }
0x325: {  	v19 =	vmov v18  }
.LBB2_79:
.Ltmp74:
0x326: {  	(pc) =	sbr.rel .LBB2_80-.Ltmp74, $4  }
0x327: {  	[tilespmem:s5], [sflag:$0x2] =	stream.linear.gather [hbm4b:s12+s5], $0x800, $0x38;
	[tilespmem:$0x1FC00] =	vst v63  }
0x328: {  	_ =	swait.ge [sflag:s20], $0x800  }
0x329: {  	[sflag:s20] =	ssyncset.done $0x0  }
0x32a: {  	s31 =	simm.s32 $0x300;
	[sflag:s20] =	ssyncadd.s32 $0xFFFFF800  }
.LBB2_82:
0x32b: {  	_ = 	snop  }
.LBB2_90:
0x32c: {  	_ =	sdelay $0x3  }
0x32d: {  	[tilespmem:v19+s18+$0x0] =	vst.idx.msk @p3 $0x1, v21  }
0x32e: {  	v16 =	vld.idx.msk @p2 [tilespmem:v20+s18+$0x0], $0xffff  }
0x32f: {  	v17, _, _ =	vpop (xrf0)  }
0x330: {  	(v2sf) =	vpush v17, $0xF  }
0x331: {  	v17 =	vmov @p2 v20  }
0x332: {  	v19 =	vshll.u32 @p2 v17, $0x5;
	s4 =	spop @p1 (v2sf)  }
0x333: {  	s4 =	sxor.u32 @p1 $0x80000000, s4;
	v19 =	vadd.s32 @p2 v16, v19  }
0x334: {  	v17 =	vpsel p2, v17, v0;
	v20 =	vmov @p1 s4  }
0x335: {  	v18 =	vpsel p1, v20, v18;
	_ =	sdelay $0x1  }
0x336: {  	v20 =	vmov @p2 s3;
	v16 =	vadd.s32 @p2 $0x1, v16  }
0x337: {  	v16 =	vpsel p2, v16, v0;
	[tilespmem:v19+s19+$0x0] =	vst.idx.msk @p2 $0x1, v20  }
0x338: {  	[tilespmem:v17+s18+$0x0] =	vst.idx.msk @p2 $0x1, v16  }
0x339: {  	v16 =	vld.idx.msk @p1 [tilespmem:v18+s18+$0x0], $0xffff;
	_ =	sdelay $0x2  }
0x33a: {  	v17, _, _ =	vpop (xrf0)  }
0x33b: {  	s3 =	spop @p1 (v2sf);
	(v2sf) =	vpush v17, $0xF;
	v17 =	vshll.u32 @p1 v18, $0x5  }
0x33c: {  	s21 =	spop (v2sf);
	v17 =	vadd.s32 @p1 v16, v17  }
0x33d: {  	v18 =	vpsel p1, v18, v0;
	s4 =	sxor.u32 $0x80000000, s21  }
0x33e: {  	s3 =	sxor.u32 @p1 $0x80000000, s3;
	v62 =	vmov s4  }
0x33f: {  	s0 =	smov.u32 @p1 s3  }
0x340: {  	v20 =	vmov @p1 s0;
	v16 =	vadd.s32 @p1 $0x1, v16  }
0x341: {  	v16 =	vpsel p1, v16, v0;
	[tilespmem:v17+s19+$0x0] =	vst.idx.msk @p1 $0x1, v20  }
0x342: {  	[tilespmem:v18+s18+$0x0] =	vst.idx.msk @p1 $0x1, v16  }
0x343: {  	v16 =	vld.idx.msk [tilespmem:v62+s18+$0x0], $0xffff;
	_ =	sdelay $0x3  }
0x344: {  	v17 =	vshll.u32 v62, $0x5  }
0x345: {  	v17 =	vadd.s32 v16, v17;
	_ =	sdelay $0x1  }
0x346: {  	s29 =	spop (v2sf)  }
0x347: {  	s0 =	sxor.u32 $0x80000000, s29  }
0x348: {  	v63 =	vmov s0  }
0x349: {  	v16 =	vadd.s32 $0x1, v16;
	[tilespmem:v17+s19+$0x0] =	vst.idx.msk $0x1, v63  }
0x34a: {  	[tilespmem:v62+s18+$0x0] =	vst.idx.msk $0x1, v16  }
.LBB2_91:
0x34b: {  	s31 =	sadd.s32 $0x1, s31  }
0x34c: {  	p1 =	sne.s32 s31, $0x380  }
.Ltmp75:
0x34d: {  	_ = 	snop;
	(pc) =	sbr.rel @!p1 .LBB2_92-.Ltmp75, $1  }
0x34e: {  	_ =	sdelay $0x3  }
.LBB2_80:
0x34f: {  	s3 =	sshll.u32 s31, $0x4  }
0x350: {  	s0 =	sand.u32 $0x7F0, s3  }
0x351: {  	v16 =	vor.u32 s0, v2;
	_ =	sdelay $0x4  }
0x352: {  	v16 =	vld.idx.msk [tilespmem:v16+s5+$0x0], $0xffff;
	_ =	sdelay $0x4  }
0x353: {  	v17 =	vshrl.u32 v16, $0x8  }
0x354: {  	v17 =	vand.u32 $0x1F, v17  }
0x355: {  	vm0 =	veq.s32 v17, v0  }
0x356: {  	v17 =	vsel vm0, $0x1, v1  }
0x357: {  	(xrf0) =	vadd.scan.msk.s32 $0xffff, v17;
	_ =	sdelay $0x5  }
0x358: {  	v17, _, _ =	vpop (xrf0)  }
0x359: {  	(v2sf) =	vpush v17, $0xF;
	_ =	sdelay $0xe  }
0x35a: {  	s0 =	spop (v2sf)  }
0x35b: {  	p1 =	slt.s32 s0, $0x1  }
.Ltmp76:
0x35c: {  	_ = 	snop;
	(pc) =	sbr.rel @p1 .LBB2_91-.Ltmp76, $1  }
0x35d: {  	_ =	sdelay $0x3  }
0x35e: {  	v17 =	vmov s3  }
0x35f: {  	v18 =	vmctz.xlane vm0;
	p4 =	sne.s32 s0, $0x1;
	v17 =	vshll.u32 v17, $0x8  }
.Ltmp77:
0x360: {  	v19 =	vand.u32 $0xFF, v16;
	v16 =	vshra.s32 v16, $0xD;
	v17 =	vor.u32 v11, v17;
	(pc) =	sbr.rel @!p4 .LBB2_82-.Ltmp77, $4  }
0x361: {  	v16 =	vxor.u32 $0x80000000, v16;
	vm1 =	vne.s32 v18, v2;
	v17 =	vor.u32 v17, v19  }
0x362: {  	v18 =	vsel vm1, $0x7FFFFFFF, v16;
	v17 =	vor.u32 $0x80000000, v17  }
0x363: {  	s0 =	sadd.s32 $0xFFFFFFFF, s0;
	(xrf0) =	vmax.scan.msk.u32 $0xffff, v18;
	v19 =	vsel vm1, $0x7FFFFFFF, v17  }
0x364: {  	p1 =	por $0x0, $0x0;
	p2 =	por $0x0, $0x0;
	p3 =	por $0x0, $0x0;
	vm0 =	vmand vm0, vm1;
	(xrf0) =	vmax.scan.msk.u32 $0xffff, v19  }
0x365: {  	v18 =	vmctz.xlane vm0;
	_ =	sdelay $0x3  }
0x366: {  	vm1 =	vne.s32 v18, v2;
	v18, _, _ =	vpop (xrf0)  }
0x367: {  	p4 =	sne.s32 s0, $0x1;
	(v2sf) =	vpush v18, $0xF  }
.Ltmp78:
0x368: {  	_ = 	snop;
	(pc) =	sbr.rel @!p4 .LBB2_84-.Ltmp78, $4  }
0x369: {  	_ = 	snop  }
0x36a: {  	v19 =	vsel vm1, $0x7FFFFFFF, v16  }
0x36b: {  	v20 =	vsel vm1, $0x7FFFFFFF, v17;
	(xrf0) =	vmax.scan.msk.u32 $0xffff, v19;
	v18, _, _ =	vpop (xrf0)  }
0x36c: {  	s0 =	sadd.s32 $0xFFFFFFFF, s0;
	p1 =	por $0x1, $0x1;
	vm0 =	vmand vm0, vm1;
	(xrf0) =	vmax.scan.msk.u32 $0xffff, v20;
	(v2sf) =	vpush v18, $0xF  }
0x36d: {  	_ =	sdelay $0x8  }
0x36e: {  	v18 =	vmctz.xlane vm0  }
0x36f: {  	p4 =	sne.s32 s0, $0x1  }
.Ltmp79:
0x370: {  	_ = 	snop;
	(pc) =	sbr.rel @!p4 .LBB2_86-.Ltmp79, $4  }
0x371: {  	vm1 =	vne.s32 v18, v2  }
0x372: {  	v19 =	vsel vm1, $0x7FFFFFFF, v16;
	v18, _, _ =	vpop (xrf0);
	s3 =	spop (v2sf)  }
0x373: {  	v20 =	vsel vm1, $0x7FFFFFFF, v17;
	(xrf0) =	vmax.scan.msk.u32 $0xffff, v19;
	(v2sf) =	vpush v18, $0xF;
	v18, _, _ =	vpop (xrf0);
	s4 =	sxor.u32 $0x80000000, s3;
	s21 =	spop (v2sf)  }
0x374: {  	p2 =	por $0x1, $0x1;
	vm0 =	vmand vm0, vm1;
	(xrf0) =	vmax.scan.msk.u32 $0xffff, v20;
	(v2sf) =	vpush v18, $0xF;
	s3 =	sadd.s32 $0xFFFFFFFF, s0;
	v18 =	vmov s4;
	s0 =	sxor.u32 $0x80000000, s21  }
0x375: {  	_ =	sdelay $0x3  }
0x376: {  	v19 =	vld.idx.msk [tilespmem:v18+s18+$0x0], $0xffff;
	_ =	sdelay $0x2  }
0x377: {  	v20 =	vshll.u32 v18, $0x5;
	_ =	sdelay $0x1  }
0x378: {  	v21 =	vmctz.xlane vm0;
	v22 =	vadd.s32 v19, v20  }
0x379: {  	v20, _, _ =	vpop (xrf0)  }
0x37a: {  	vm1 =	vne.s32 v21, v2;
	(v2sf) =	vpush v20, $0xF;
	v20, _, _ =	vpop (xrf0)  }
0x37b: {  	v21 =	vsel vm1, $0x7FFFFFFF, v16;
	(v2sf) =	vpush v20, $0xF  }
0x37c: {  	p4 =	sne.s32 s3, $0x1;
	(xrf0) =	vmax.scan.msk.u32 $0xffff, v21;
	v21 =	vmov s0  }
.Ltmp80:
0x37d: {  	[tilespmem:v22+s19+$0x0] =	vst.idx.msk $0x1, v21;
	v21 =	vadd.s32 $0x1, v19;
	v19 =	vmov v18;
	(pc) =	sbr.rel @!p4 .LBB2_88-.Ltmp80, $4  }
0x37e: {  	_ = 	snop  }
0x37f: {  	s4 =	spop (v2sf)  }
0x380: {  	v23 =	vsel vm1, $0x7FFFFFFF, v17;
	s4 =	sxor.u32 $0x80000000, s4;
	s21 =	spop (v2sf)  }
0x381: {  	p3 =	por $0x1, $0x1;
	vm0 =	vmand vm0, vm1;
	(xrf0) =	vmax.scan.msk.u32 $0xffff, v23;
	v20 =	vmov s4;
	s4 =	sadd.s32 $0xFFFFFFFF, s3;
	s3 =	sxor.u32 $0x80000000, s21  }
.LBB2_89:
0x382: {  	p4 =	sne.s32 s4, $0x1;
	s4 =	sadd.s32 $0xFFFFFFFF, s4;
	[tilespmem:v19+s18+$0x0] =	vst.idx.msk $0x1, v21;
	v19 =	vmov v20  }
0x383: {  	v21 =	vld.idx.msk [tilespmem:v20+s18+$0x0], $0xffff;
	_ =	sdelay $0x2  }
0x384: {  	v20, _, _ =	vpop (xrf0)  }
0x385: {  	(v2sf) =	vpush v20, $0xF;
	v20, _, _ =	vpop (xrf0)  }
0x386: {  	(v2sf) =	vpush v20, $0xF;
	v20 =	vshll.u32 v19, $0x5  }
0x387: {  	v22 =	vmctz.xlane vm0;
	s21 =	spop (v2sf);
	v23 =	vadd.s32 v21, v20  }
.Ltmp81:
0x388: {  	s21 =	sxor.u32 $0x80000000, s21;
	s29 =	spop (v2sf);
	(pc) =	sbr.rel @p4 .LBB2_89-.Ltmp81, $4  }
0x389: {  	vm1 =	vne.s32 v22, v2;
	v20 =	vmov s21;
	s21 =	sxor.u32 $0x80000000, s29  }
0x38a: {  	v22 =	vsel vm1, $0x7FFFFFFF, v16;
	v24 =	vsel vm1, $0x7FFFFFFF, v17;
	vm0 =	vmand vm0, vm1  }
0x38b: {  	(xrf0) =	vmax.scan.msk.u32 $0xffff, v22;
	v22 =	vmov s3;
	s3 =	smov.u32 s21  }
0x38c: {  	v21 =	vadd.s32 $0x1, v21;
	(xrf0) =	vmax.scan.msk.u32 $0xffff, v24;
	[tilespmem:v23+s19+$0x0] =	vst.idx.msk $0x1, v22  }
.Ltmp82:
0x38d: {  	_ = 	snop;
	(pc) =	sbr.rel .LBB2_90-.Ltmp82, $1  }
0x38e: {  	_ =	sdelay $0x3  }
.LBB2_84:
.Ltmp83:
0x38f: {  	(pc) =	sbr.rel .LBB2_90-.Ltmp83, $2  }
0x390: {  	_ =	sdelay $0x2  }
0x391: {  	_ = 	snop  }
.LBB2_86:
.Ltmp84:
0x392: {  	(pc) =	sbr.rel .LBB2_90-.Ltmp84, $2  }
0x393: {  	_ =	sdelay $0x2  }
0x394: {  	v20 =	vmov v18;
	s3 =	smov.u32 s0  }
.LBB2_88:
.Ltmp85:
0x395: {  	(pc) =	sbr.rel .LBB2_90-.Ltmp85, $2  }
0x396: {  	_ =	sdelay $0x2  }
0x397: {  	v19 =	vmov v18  }
.LBB2_92:
.Ltmp86:
0x398: {  	(pc) =	sbr.rel .LBB2_93-.Ltmp86, $4  }
0x399: {  	[tilespmem:s5], [sflag:$0x2] =	stream.linear.gather [hbm4b:s13+s5], $0x800, $0x38;
	[tilespmem:$0x1FC00] =	vst v63  }
0x39a: {  	_ =	swait.ge [sflag:s20], $0x800  }
0x39b: {  	[sflag:s20] =	ssyncset.done $0x0  }
0x39c: {  	s31 =	simm.s32 $0x380;
	[sflag:s20] =	ssyncadd.s32 $0xFFFFF800  }
.LBB2_95:
0x39d: {  	_ = 	snop  }
.LBB2_103:
0x39e: {  	_ =	sdelay $0x3  }
0x39f: {  	[tilespmem:v19+s18+$0x0] =	vst.idx.msk @p3 $0x1, v21  }
0x3a0: {  	v16 =	vld.idx.msk @p2 [tilespmem:v20+s18+$0x0], $0xffff  }
0x3a1: {  	v17, _, _ =	vpop (xrf0)  }
0x3a2: {  	(v2sf) =	vpush v17, $0xF  }
0x3a3: {  	v17 =	vmov @p2 v20  }
0x3a4: {  	v19 =	vshll.u32 @p2 v17, $0x5;
	s4 =	spop @p1 (v2sf)  }
0x3a5: {  	s4 =	sxor.u32 @p1 $0x80000000, s4;
	v19 =	vadd.s32 @p2 v16, v19  }
0x3a6: {  	v17 =	vpsel p2, v17, v0;
	v20 =	vmov @p1 s4  }
0x3a7: {  	v18 =	vpsel p1, v20, v18;
	_ =	sdelay $0x1  }
0x3a8: {  	v20 =	vmov @p2 s3;
	v16 =	vadd.s32 @p2 $0x1, v16  }
0x3a9: {  	v16 =	vpsel p2, v16, v0;
	[tilespmem:v19+s19+$0x0] =	vst.idx.msk @p2 $0x1, v20  }
0x3aa: {  	[tilespmem:v17+s18+$0x0] =	vst.idx.msk @p2 $0x1, v16  }
0x3ab: {  	v16 =	vld.idx.msk @p1 [tilespmem:v18+s18+$0x0], $0xffff;
	_ =	sdelay $0x2  }
0x3ac: {  	v17, _, _ =	vpop (xrf0)  }
0x3ad: {  	s3 =	spop @p1 (v2sf);
	(v2sf) =	vpush v17, $0xF;
	v17 =	vshll.u32 @p1 v18, $0x5  }
0x3ae: {  	s21 =	spop (v2sf);
	v17 =	vadd.s32 @p1 v16, v17  }
0x3af: {  	v18 =	vpsel p1, v18, v0;
	s4 =	sxor.u32 $0x80000000, s21  }
0x3b0: {  	s3 =	sxor.u32 @p1 $0x80000000, s3;
	v62 =	vmov s4  }
0x3b1: {  	s0 =	smov.u32 @p1 s3  }
0x3b2: {  	v20 =	vmov @p1 s0;
	v16 =	vadd.s32 @p1 $0x1, v16  }
0x3b3: {  	v16 =	vpsel p1, v16, v0;
	[tilespmem:v17+s19+$0x0] =	vst.idx.msk @p1 $0x1, v20  }
0x3b4: {  	[tilespmem:v18+s18+$0x0] =	vst.idx.msk @p1 $0x1, v16  }
0x3b5: {  	v16 =	vld.idx.msk [tilespmem:v62+s18+$0x0], $0xffff;
	_ =	sdelay $0x3  }
0x3b6: {  	v17 =	vshll.u32 v62, $0x5  }
0x3b7: {  	v17 =	vadd.s32 v16, v17;
	_ =	sdelay $0x1  }
0x3b8: {  	s29 =	spop (v2sf)  }
0x3b9: {  	s0 =	sxor.u32 $0x80000000, s29  }
0x3ba: {  	v63 =	vmov s0  }
0x3bb: {  	v16 =	vadd.s32 $0x1, v16;
	[tilespmem:v17+s19+$0x0] =	vst.idx.msk $0x1, v63  }
0x3bc: {  	[tilespmem:v62+s18+$0x0] =	vst.idx.msk $0x1, v16  }
.LBB2_104:
0x3bd: {  	s31 =	sadd.s32 $0x1, s31  }
0x3be: {  	p1 =	sne.s32 s31, $0x400  }
.Ltmp87:
0x3bf: {  	_ = 	snop;
	(pc) =	sbr.rel @!p1 .LBB2_105-.Ltmp87, $1  }
0x3c0: {  	_ =	sdelay $0x3  }
.LBB2_93:
0x3c1: {  	s3 =	sshll.u32 s31, $0x4  }
0x3c2: {  	s0 =	sand.u32 $0x7F0, s3  }
0x3c3: {  	v16 =	vor.u32 s0, v2;
	_ =	sdelay $0x4  }
0x3c4: {  	v16 =	vld.idx.msk [tilespmem:v16+s5+$0x0], $0xffff;
	_ =	sdelay $0x4  }
0x3c5: {  	v17 =	vshrl.u32 v16, $0x8  }
0x3c6: {  	v17 =	vand.u32 $0x1F, v17  }
0x3c7: {  	vm0 =	veq.s32 v17, v0  }
0x3c8: {  	v17 =	vsel vm0, $0x1, v1  }
0x3c9: {  	(xrf0) =	vadd.scan.msk.s32 $0xffff, v17;
	_ =	sdelay $0x5  }
0x3ca: {  	v17, _, _ =	vpop (xrf0)  }
0x3cb: {  	(v2sf) =	vpush v17, $0xF;
	_ =	sdelay $0xe  }
0x3cc: {  	s0 =	spop (v2sf)  }
0x3cd: {  	p1 =	slt.s32 s0, $0x1  }
.Ltmp88:
0x3ce: {  	_ = 	snop;
	(pc) =	sbr.rel @p1 .LBB2_104-.Ltmp88, $1  }
0x3cf: {  	_ =	sdelay $0x3  }
0x3d0: {  	v17 =	vmov s3  }
0x3d1: {  	v18 =	vmctz.xlane vm0;
	p4 =	sne.s32 s0, $0x1;
	v17 =	vshll.u32 v17, $0x8  }
.Ltmp89:
0x3d2: {  	v19 =	vand.u32 $0xFF, v16;
	v16 =	vshra.s32 v16, $0xD;
	v17 =	vor.u32 v11, v17;
	(pc) =	sbr.rel @!p4 .LBB2_95-.Ltmp89, $4  }
0x3d3: {  	v16 =	vxor.u32 $0x80000000, v16;
	vm1 =	vne.s32 v18, v2;
	v17 =	vor.u32 v17, v19  }
0x3d4: {  	v18 =	vsel vm1, $0x7FFFFFFF, v16;
	v17 =	vor.u32 $0x80000000, v17  }
0x3d5: {  	s0 =	sadd.s32 $0xFFFFFFFF, s0;
	(xrf0) =	vmax.scan.msk.u32 $0xffff, v18;
	v19 =	vsel vm1, $0x7FFFFFFF, v17  }
0x3d6: {  	p1 =	por $0x0, $0x0;
	p2 =	por $0x0, $0x0;
	p3 =	por $0x0, $0x0;
	vm0 =	vmand vm0, vm1;
	(xrf0) =	vmax.scan.msk.u32 $0xffff, v19  }
0x3d7: {  	v18 =	vmctz.xlane vm0;
	_ =	sdelay $0x3  }
0x3d8: {  	vm1 =	vne.s32 v18, v2;
	v18, _, _ =	vpop (xrf0)  }
0x3d9: {  	p4 =	sne.s32 s0, $0x1;
	(v2sf) =	vpush v18, $0xF  }
.Ltmp90:
0x3da: {  	_ = 	snop;
	(pc) =	sbr.rel @!p4 .LBB2_97-.Ltmp90, $4  }
0x3db: {  	_ = 	snop  }
0x3dc: {  	v19 =	vsel vm1, $0x7FFFFFFF, v16  }
0x3dd: {  	v20 =	vsel vm1, $0x7FFFFFFF, v17;
	(xrf0) =	vmax.scan.msk.u32 $0xffff, v19;
	v18, _, _ =	vpop (xrf0)  }
0x3de: {  	s0 =	sadd.s32 $0xFFFFFFFF, s0;
	p1 =	por $0x1, $0x1;
	vm0 =	vmand vm0, vm1;
	(xrf0) =	vmax.scan.msk.u32 $0xffff, v20;
	(v2sf) =	vpush v18, $0xF  }
0x3df: {  	_ =	sdelay $0x8  }
0x3e0: {  	v18 =	vmctz.xlane vm0  }
0x3e1: {  	p4 =	sne.s32 s0, $0x1  }
.Ltmp91:
0x3e2: {  	_ = 	snop;
	(pc) =	sbr.rel @!p4 .LBB2_99-.Ltmp91, $4  }
0x3e3: {  	vm1 =	vne.s32 v18, v2  }
0x3e4: {  	v19 =	vsel vm1, $0x7FFFFFFF, v16;
	v18, _, _ =	vpop (xrf0);
	s3 =	spop (v2sf)  }
0x3e5: {  	v20 =	vsel vm1, $0x7FFFFFFF, v17;
	(xrf0) =	vmax.scan.msk.u32 $0xffff, v19;
	(v2sf) =	vpush v18, $0xF;
	v18, _, _ =	vpop (xrf0);
	s4 =	sxor.u32 $0x80000000, s3;
	s21 =	spop (v2sf)  }
0x3e6: {  	p2 =	por $0x1, $0x1;
	vm0 =	vmand vm0, vm1;
	(xrf0) =	vmax.scan.msk.u32 $0xffff, v20;
	(v2sf) =	vpush v18, $0xF;
	s3 =	sadd.s32 $0xFFFFFFFF, s0;
	v18 =	vmov s4;
	s0 =	sxor.u32 $0x80000000, s21  }
0x3e7: {  	_ =	sdelay $0x3  }
0x3e8: {  	v19 =	vld.idx.msk [tilespmem:v18+s18+$0x0], $0xffff;
	_ =	sdelay $0x2  }
0x3e9: {  	v20 =	vshll.u32 v18, $0x5;
	_ =	sdelay $0x1  }
0x3ea: {  	v21 =	vmctz.xlane vm0;
	v22 =	vadd.s32 v19, v20  }
0x3eb: {  	v20, _, _ =	vpop (xrf0)  }
0x3ec: {  	vm1 =	vne.s32 v21, v2;
	(v2sf) =	vpush v20, $0xF;
	v20, _, _ =	vpop (xrf0)  }
0x3ed: {  	v21 =	vsel vm1, $0x7FFFFFFF, v16;
	(v2sf) =	vpush v20, $0xF  }
0x3ee: {  	p4 =	sne.s32 s3, $0x1;
	(xrf0) =	vmax.scan.msk.u32 $0xffff, v21;
	v21 =	vmov s0  }
.Ltmp92:
0x3ef: {  	[tilespmem:v22+s19+$0x0] =	vst.idx.msk $0x1, v21;
	v21 =	vadd.s32 $0x1, v19;
	v19 =	vmov v18;
	(pc) =	sbr.rel @!p4 .LBB2_101-.Ltmp92, $4  }
0x3f0: {  	_ = 	snop  }
0x3f1: {  	s4 =	spop (v2sf)  }
0x3f2: {  	v23 =	vsel vm1, $0x7FFFFFFF, v17;
	s4 =	sxor.u32 $0x80000000, s4;
	s21 =	spop (v2sf)  }
0x3f3: {  	p3 =	por $0x1, $0x1;
	vm0 =	vmand vm0, vm1;
	(xrf0) =	vmax.scan.msk.u32 $0xffff, v23;
	v20 =	vmov s4;
	s4 =	sadd.s32 $0xFFFFFFFF, s3;
	s3 =	sxor.u32 $0x80000000, s21  }
.LBB2_102:
0x3f4: {  	p4 =	sne.s32 s4, $0x1;
	s4 =	sadd.s32 $0xFFFFFFFF, s4;
	[tilespmem:v19+s18+$0x0] =	vst.idx.msk $0x1, v21;
	v19 =	vmov v20  }
0x3f5: {  	v21 =	vld.idx.msk [tilespmem:v20+s18+$0x0], $0xffff;
	_ =	sdelay $0x2  }
0x3f6: {  	v20, _, _ =	vpop (xrf0)  }
0x3f7: {  	(v2sf) =	vpush v20, $0xF;
	v20, _, _ =	vpop (xrf0)  }
0x3f8: {  	(v2sf) =	vpush v20, $0xF;
	v20 =	vshll.u32 v19, $0x5  }
0x3f9: {  	v22 =	vmctz.xlane vm0;
	s21 =	spop (v2sf);
	v23 =	vadd.s32 v21, v20  }
.Ltmp93:
0x3fa: {  	s21 =	sxor.u32 $0x80000000, s21;
	s29 =	spop (v2sf);
	(pc) =	sbr.rel @p4 .LBB2_102-.Ltmp93, $4  }
0x3fb: {  	vm1 =	vne.s32 v22, v2;
	v20 =	vmov s21;
	s21 =	sxor.u32 $0x80000000, s29  }
0x3fc: {  	v22 =	vsel vm1, $0x7FFFFFFF, v16;
	v24 =	vsel vm1, $0x7FFFFFFF, v17;
	vm0 =	vmand vm0, vm1  }
0x3fd: {  	(xrf0) =	vmax.scan.msk.u32 $0xffff, v22;
	v22 =	vmov s3;
	s3 =	smov.u32 s21  }
0x3fe: {  	v21 =	vadd.s32 $0x1, v21;
	(xrf0) =	vmax.scan.msk.u32 $0xffff, v24;
	[tilespmem:v23+s19+$0x0] =	vst.idx.msk $0x1, v22  }
.Ltmp94:
0x3ff: {  	_ = 	snop;
	(pc) =	sbr.rel .LBB2_103-.Ltmp94, $1  }
0x400: {  	_ =	sdelay $0x3  }
.LBB2_97:
.Ltmp95:
0x401: {  	(pc) =	sbr.rel .LBB2_103-.Ltmp95, $2  }
0x402: {  	_ =	sdelay $0x2  }
0x403: {  	_ = 	snop  }
.LBB2_99:
.Ltmp96:
0x404: {  	(pc) =	sbr.rel .LBB2_103-.Ltmp96, $2  }
0x405: {  	_ =	sdelay $0x2  }
0x406: {  	v20 =	vmov v18;
	s3 =	smov.u32 s0  }
.LBB2_101:
.Ltmp97:
0x407: {  	(pc) =	sbr.rel .LBB2_103-.Ltmp97, $2  }
0x408: {  	_ =	sdelay $0x2  }
0x409: {  	v19 =	vmov v18  }
.LBB2_105:
.Ltmp98:
0x40a: {  	(pc) =	sbr.rel .LBB2_106-.Ltmp98, $3  }
0x40b: {  	_ =	sdelay $0x1  }
0x40c: {  	s0 =	simm.s32 $0x7A1400;
	s4 =	simm.s32 $0x0;
	s31 =	simm.s32 $0x0  }
0x40d: {  	v16 =	vimm.s32 $0x0;
	[tilespmem:s22], [sflag:$0x1] =	stream.strided.gather [hbm4b:s15+s19], $0x4000, s0, s19, $0x38;
	[tilespmem:$0x1FC00] =	vst v63  }
.LBB2_108:
0x40e: {  	_ = 	snop  }
.LBB2_113:
0x40f: {  	_ =	sdelay $0x3  }
0x410: {  	[tilespmem:v24+s25+$0x0] =	vst.idx.msk @p1 $0x1, v26  }
0x411: {  	v21 =	vld.idx.msk [tilespmem:v25+s19+$0x0], $0xffff;
	_ =	sdelay $0x4  }
0x412: {  	v22 =	vand.u32 $0x7F, v21;
	v23 =	vshll.u32 v21, $0x3  }
0x413: {  	v23 =	vand.u32 $0x400, v23;
	v20 =	vor.u32 v20, v22  }
0x414: {  	v20 =	vor.u32 v23, v20;
	_ =	sdelay $0x2  }
0x415: {  	v60 =	vadd.s32 s21, v16  }
0x416: {  	v61 =	vshll.u32 v60, $0x7  }
0x417: {  	v62 =	vor.u32 v2, v61;
	v19 =	vor.u32 v19, v22;
	v20 =	vld.idx.msk [tilespmem:v20+s22+$0x0], $0xffff  }
0x418: {  	v19 =	vor.u32 v23, v19;
	_ =	sdelay $0x3  }
0x419: {  	v63 =	vor.u32 $0x10, v2;
	[tilespmem:v62+s24+$0x0] =	vst.idx.msk $0xffff, v20  }
0x41a: {  	v18 =	vor.u32 v18, v22;
	v20 =	vor.u32 v63, v61;
	v19 =	vld.idx.msk [tilespmem:v19+s22+$0x0], $0xffff  }
0x41b: {  	v18 =	vor.u32 v23, v18;
	_ =	sdelay $0x3  }
0x41c: {  	[tilespmem:v20+s24+$0x0] =	vst.idx.msk $0xffff, v19;
	v19 =	vor.u32 $0x20, v2  }
0x41d: {  	v17 =	vor.u32 v17, v22;
	v18 =	vld.idx.msk [tilespmem:v18+s22+$0x0], $0xffff;
	v19 =	vor.u32 v19, v61  }
0x41e: {  	v17 =	vor.u32 v23, v17;
	_ =	sdelay $0x3  }
0x41f: {  	[tilespmem:v19+s24+$0x0] =	vst.idx.msk $0xffff, v18;
	v18 =	vor.u32 $0x30, v2  }
0x420: {  	v17 =	vld.idx.msk [tilespmem:v17+s22+$0x0], $0xffff;
	v18 =	vor.u32 v18, v61;
	_ =	sdelay $0x4  }
0x421: {  	v19 =	vshra.s32 v21, $0x8;
	[tilespmem:v18+s24+$0x0] =	vst.idx.msk $0xffff, v17  }
0x422: {  	[tilespmem:v60+s25+$0x0] =	vst.idx.msk $0x1, v19  }
.LBB2_114:
0x423: {  	p1 =	sne.s32 s4, s14  }
.Ltmp99:
0x424: {  	_ = 	snop;
	(pc) =	sbr.rel @!p1 .LBB2_115-.Ltmp99, $2  }
0x425: {  	_ =	sdelay $0x2  }
0x426: {  	v16 =	vadd.s32 s0, v16;
	s31 =	sadd.s32 $0x20, s31  }
.LBB2_106:
0x427: {  	s0 =	smov.u32 s4;
	s4 =	sadd.s32 $0x1, s4  }
0x428: {  	s3 =	sand.u32 $0x1, s0;
	p1 =	sge.u32 s4, s14  }
0x429: {  	p2 =	sne.s32 @!p1 s3, $0x0  }
0x42a: {  	p2 =	por p2, p1  }
0x42b: {  	s21 =	sshll.u32 @!p2 s4, $0x10  }
0x42c: {  	p6 =	seq.s32 s3, $0x1;
	s21 =	sor.u32 @!p2 s16, s21  }
0x42d: {  	p1 =	por !p6, p1;
	s29 =	simm.s32 @!p2 $0x800;
	s21 =	sshrl.u32 @!p2 s21, $0x3  }
0x42e: {  	s1 =	simm.s32 @!p2 $0x7A1400;
	s7 =	simm.s32 @!p2 $0x5800;
	s21 =	sadd.s32 @!p2 s2, s21  }
0x42f: {  	[tilespmem:s7], [sflag:$0x1] =	stream.strided.gather @!p2 [hbm4b:s21+s29], $0x4000, s1, s29, $0x38;
	[tilespmem:$0x1FC00] =	vst v63  }
0x430: {  	s1 =	sshll.u32 @!p1 s4, $0x10  }
0x431: {  	s1 =	sor.u32 @!p1 s16, s1  }
0x432: {  	s7 =	simm.s32 @!p1 $0x800;
	s1 =	sshrl.u32 @!p1 s1, $0x3  }
0x433: {  	v17 =	vmov s0;
	s21 =	simm.s32 @!p1 $0x7A1400;
	s29 =	simm.s32 @!p1 $0x1800;
	s1 =	sadd.s32 @!p1 s2, s1  }
0x434: {  	[tilespmem:s29], [sflag:$0x1] =	stream.strided.gather @!p1 [hbm4b:s1+s7], $0x4000, s21, s7, $0x38;
	[tilespmem:$0x1FC00] =	vst v63  }
0x435: {  	_ =	swait.ge [sflag:s23], $0x4000  }
0x436: {  	[sflag:s23] =	ssyncset.done $0x0  }
0x437: {  	[sflag:s23] =	ssyncadd.s32 $0xFFFFC000  }
0x438: {  	v17 =	vld.idx.msk [tilespmem:v17+s18+$0x0], $0xffff;
	_ =	sdelay $0x4  }
0x439: {  	v17 =	vxor.u32 $0x80000000, v17  }
0x43a: {  	(xrf0) =	vmax.scan.msk.u32 $0xffff, v17;
	_ =	sdelay $0x5  }
0x43b: {  	v17, _, _ =	vpop (xrf0)  }
0x43c: {  	(v2sf) =	vpush v17, $0xF;
	_ =	sdelay $0xe  }
0x43d: {  	s29 =	spop (v2sf)  }
0x43e: {  	s0 =	sxor.u32 $0x80000000, s29  }
0x43f: {  	p1 =	slt.s32 s0, $0x1  }
.Ltmp100:
0x440: {  	_ = 	snop;
	(pc) =	sbr.rel @p1 .LBB2_114-.Ltmp100, $1  }
0x441: {  	_ =	sdelay $0x3  }
0x442: {  	p2 =	sne.s32 s0, $0x1  }
.Ltmp101:
0x443: {  	_ = 	snop;
	(pc) =	sbr.rel @!p2 .LBB2_108-.Ltmp101, $4  }
0x444: {  	_ = 	snop  }
0x445: {  	s1 =	sshll.u32 s3, $0xE  }
0x446: {  	s7 =	sadd.s32 $0x0, s31;
	v20 =	vor.u32 s1, v12;
	v19 =	vor.u32 s1, v13  }
0x447: {  	s21 =	simm.s32 $0x0;
	s3 =	simm.s32 $0x1;
	p1 =	por $0x0, $0x0;
	v18 =	vor.u32 s1, v14;
	v17 =	vor.u32 s1, v15;
	v25 =	vmov s7  }
0x448: {  	_ =	sdelay $0x3  }
0x449: {  	v26 =	vld.idx.msk [tilespmem:v25+s19+$0x0], $0xffff;
	_ =	sdelay $0x4  }
0x44a: {  	v23 =	vand.u32 $0x7F, v26;
	v21 =	vshll.u32 v26, $0x3  }
0x44b: {  	v25 =	vand.u32 $0x400, v21;
	v21 =	vor.u32 v20, v23  }
0x44c: {  	v21 =	vor.u32 v25, v21;
	_ =	sdelay $0x2  }
0x44d: {  	v24 =	vadd.s32 s21, v16  }
0x44e: {  	v27 =	vshll.u32 v24, $0x7  }
0x44f: {  	v28 =	vor.u32 v2, v27;
	v22 =	vor.u32 v19, v23;
	v21 =	vld.idx.msk [tilespmem:v21+s22+$0x0], $0xffff  }
0x450: {  	v22 =	vor.u32 v25, v22;
	_ =	sdelay $0x3  }
0x451: {  	[tilespmem:v28+s24+$0x0] =	vst.idx.msk $0xffff, v21;
	v21 =	vor.u32 $0x10, v2  }
0x452: {  	v62 =	vor.u32 v18, v23;
	v22 =	vld.idx.msk [tilespmem:v22+s22+$0x0], $0xffff;
	v29 =	vor.u32 v21, v27  }
0x453: {  	v28 =	vor.u32 v25, v62;
	_ =	sdelay $0x3  }
0x454: {  	[tilespmem:v29+s24+$0x0] =	vst.idx.msk $0xffff, v22;
	v22 =	vor.u32 $0x20, v2  }
0x455: {  	v23 =	vor.u32 v17, v23;
	v28 =	vld.idx.msk [tilespmem:v28+s22+$0x0], $0xffff;
	v63 =	vor.u32 v22, v27  }
0x456: {  	v25 =	vor.u32 v25, v23;
	_ =	sdelay $0x3  }
0x457: {  	v23 =	vor.u32 $0x30, v2;
	[tilespmem:v63+s24+$0x0] =	vst.idx.msk $0xffff, v28  }
0x458: {  	p2 =	sne.s32 s0, $0x2;
	v27 =	vor.u32 v23, v27;
	v28 =	vld.idx.msk [tilespmem:v25+s22+$0x0], $0xffff  }
.Ltmp102:
0x459: {  	s1 =	sadd.s32 $0x1, s31;
	(pc) =	sbr.rel @!p2 .LBB2_110-.Ltmp102, $2  }
0x45a: {  	v25 =	vmov s1;
	_ =	sdelay $0x2  }
0x45b: {  	s21 =	simm.s32 $0x2;
	p1 =	por $0x1, $0x1;
	v26 =	vshra.s32 v26, $0x8;
	[tilespmem:v27+s24+$0x0] =	vst.idx.msk $0xffff, v28  }
.LBB2_111:
0x45c: {  	[tilespmem:v24+s25+$0x0] =	vst.idx.msk $0x1, v26;
	s1 =	smov.u32 s21;
	s21 =	sadd.s32 $0x1, s21  }
0x45d: {  	p2 =	sne.s32 s0, s21;
	v26 =	vld.idx.msk [tilespmem:v25+s19+$0x0], $0xffff;
	_ =	sdelay $0x5  }
0x45e: {  	v24 =	vand.u32 $0x7F, v26;
	v25 =	vshll.u32 v26, $0x3  }
0x45f: {  	v25 =	vand.u32 $0x400, v25;
	v27 =	vor.u32 v20, v24;
	v28 =	vor.u32 v19, v24  }
0x460: {  	v29 =	vor.u32 v18, v24;
	v27 =	vor.u32 v25, v27;
	v28 =	vor.u32 v25, v28  }
0x461: {  	v24 =	vor.u32 v17, v24;
	v29 =	vor.u32 v25, v29  }
0x462: {  	v25 =	vor.u32 v25, v24;
	_ =	sdelay $0x1  }
0x463: {  	v24 =	vadd.s32 s3, v16;
	s3 =	smov.u32 s1  }
0x464: {  	v30 =	vshll.u32 v24, $0x7;
	v27 =	vld.idx.msk [tilespmem:v27+s22+$0x0], $0xffff  }
0x465: {  	v31 =	vor.u32 v2, v30;
	_ =	sdelay $0x4  }
0x466: {  	[tilespmem:v31+s24+$0x0] =	vst.idx.msk $0xffff, v27  }
0x467: {  	v27 =	vld.idx.msk [tilespmem:v28+s22+$0x0], $0xffff  }
0x468: {  	v28 =	vor.u32 v21, v30;
	_ =	sdelay $0x4  }
0x469: {  	[tilespmem:v28+s24+$0x0] =	vst.idx.msk $0xffff, v27  }
0x46a: {  	v27 =	vld.idx.msk [tilespmem:v29+s22+$0x0], $0xffff  }
0x46b: {  	v28 =	vor.u32 v22, v30;
	_ =	sdelay $0x4  }
0x46c: {  	[tilespmem:v28+s24+$0x0] =	vst.idx.msk $0xffff, v27  }
0x46d: {  	v27 =	vld.idx.msk [tilespmem:v25+s22+$0x0], $0xffff  }
0x46e: {  	v28 =	vor.u32 v23, v30  }
.Ltmp103:
0x46f: {  	s1 =	sadd.s32 s3, s31;
	(pc) =	sbr.rel @p2 .LBB2_111-.Ltmp103, $2  }
0x470: {  	v25 =	vmov s1;
	_ =	sdelay $0x2  }
0x471: {  	v26 =	vshra.s32 v26, $0x8;
	[tilespmem:v28+s24+$0x0] =	vst.idx.msk $0xffff, v27  }
.Ltmp104:
0x472: {  	(pc) =	sbr.rel .LBB2_113-.Ltmp104, $2  }
0x473: {  	_ =	sdelay $0x2  }
0x474: {  	s21 =	smov.u32 s3  }
.LBB2_110:
.Ltmp105:
0x475: {  	(pc) =	sbr.rel .LBB2_113-.Ltmp105, $2  }
0x476: {  	_ =	sdelay $0x2  }
0x477: {  	s21 =	simm.s32 $0x1  }
.LBB2_115:
0x478: {  	s4 =	simm.s32 @!p0 $0x0;
	s0 =	simm.s32 @!p0 $0x9800;
	s1 =	rddreg [dreg:$0x2]  }
0x479: {  	v17 =	vimm.s32 @!p0 $0x7A;
	[tilespmem:s0], [sflag:$0x2] =	stream.linear.gather @!p0 [hbm4b:s1+s4], $0x2000, $0x38;
	[tilespmem:$0x1FC00] =	vst v63  }
0x47a: {  	s0 =	simm.s32 @!p0 $0x2  }
0x47b: {  	_ =	swait.ge @!p0 [sflag:s0], $0x2000  }
0x47c: {  	[sflag:s0] =	ssyncset.done @!p0 $0x0  }
0x47d: {  	[sflag:s0] =	ssyncadd.s32 @!p0 $0xFFFFE000;
	s0 =	simm.s32 @!p0 $0x1780  }
0x47e: {  	v17 =	vld.idx.msk @!p0 [tilespmem:v17+s0+$0x0], $0xffff;
	_ =	sdelay $0x4  }
0x47f: {  	v17 =	vxor.u32 @!p0 $0x80000000, v17  }
0x480: {  	(xrf0) =	vmax.scan.msk.u32 @!p0 $0xffff, v17;
	_ =	sdelay $0x5  }
0x481: {  	v17, _, _ =	vpop @!p0 (xrf0)  }
0x482: {  	(v2sf) =	vpush @!p0 v17, $0xF;
	_ =	sdelay $0xe  }
0x483: {  	s0 =	spop @!p0 (v2sf)  }
0x484: {  	s0 =	sxor.u32 @!p0 $0x80000000, s0  }
0x485: {  	p1 =	slt.s32 @!p0 s0, $0x1  }
0x486: {  	p1 =	por p0, p1  }
.Ltmp106:
0x487: {  	_ = 	snop;
	(pc) =	sbr.rel @p1 .LBB2_123-.Ltmp106, $1  }
0x488: {  	_ =	sdelay $0x3  }
0x489: {  	p2 =	sne.s32 s0, $0x1  }
.Ltmp107:
0x48a: {  	_ = 	snop;
	(pc) =	sbr.rel @!p2 .LBB2_117-.Ltmp107, $3  }
0x48b: {  	_ =	sdelay $0x1  }
0x48c: {  	s1 =	simm.s32 $0xF40  }
0x48d: {  	s3 =	simm.s32 $0x1;
	p1 =	por $0x0, $0x0;
	v25 =	vmov s1  }
0x48e: {  	_ =	sdelay $0x3  }
0x48f: {  	v26 =	vld.idx.msk [tilespmem:v25+s19+$0x0], $0xffff;
	_ =	sdelay $0x3  }
0x490: {  	v17 =	vmul.u32 $0x80, v2  }
0x491: {  	v24 =	vand.u32 $0xFF, v26  }
0x492: {  	v18 =	vadd.s32 v17, v24;
	_ =	sdelay $0x2  }
0x493: {  	v21 =	vadd.s32 s4, v16  }
0x494: {  	v25 =	vshll.u32 v21, $0x7  }
0x495: {  	v20 =	vor.u32 v2, v25;
	v19 =	vld.idx.msk [tilespmem:v18+s26+$0x0], $0xffff;
	v18 =	vor.u32 $0x800, v17  }
0x496: {  	v22 =	vadd.s32 v18, v24;
	_ =	sdelay $0x3  }
0x497: {  	[tilespmem:v20+s24+$0x0] =	vst.idx.msk $0xffff, v19;
	v19 =	vor.u32 $0x10, v2  }
0x498: {  	v20 =	vor.u32 $0x1000, v17;
	v22 =	vld.idx.msk [tilespmem:v22+s26+$0x0], $0xffff;
	v23 =	vor.u32 v19, v25  }
0x499: {  	v27 =	vadd.s32 v20, v24;
	_ =	sdelay $0x3  }
0x49a: {  	[tilespmem:v23+s24+$0x0] =	vst.idx.msk $0xffff, v22;
	v22 =	vor.u32 $0x20, v2  }
0x49b: {  	v23 =	vor.u32 $0x1800, v17;
	v27 =	vld.idx.msk [tilespmem:v27+s26+$0x0], $0xffff;
	v28 =	vor.u32 v22, v25  }
0x49c: {  	v29 =	vadd.s32 v23, v24;
	_ =	sdelay $0x3  }
0x49d: {  	v24 =	vor.u32 $0x30, v2;
	[tilespmem:v28+s24+$0x0] =	vst.idx.msk $0xffff, v27  }
0x49e: {  	p2 =	sne.s32 s0, $0x2;
	v63 =	vor.u32 v24, v25;
	v27 =	vld.idx.msk [tilespmem:v29+s26+$0x0], $0xffff  }
.Ltmp108:
0x49f: {  	s1 =	simm.s32 $0xF41;
	(pc) =	sbr.rel @!p2 .LBB2_119-.Ltmp108, $2  }
0x4a0: {  	v25 =	vmov s1;
	_ =	sdelay $0x2  }
0x4a1: {  	s4 =	simm.s32 $0x2;
	p1 =	por $0x1, $0x1;
	v26 =	vshra.s32 v26, $0x8;
	[tilespmem:v63+s24+$0x0] =	vst.idx.msk $0xffff, v27  }
.LBB2_120:
0x4a2: {  	[tilespmem:v21+s25+$0x0] =	vst.idx.msk $0x1, v26;
	s1 =	smov.u32 s4;
	s4 =	sadd.s32 $0x1, s4  }
0x4a3: {  	p2 =	sne.s32 s0, s4;
	v26 =	vld.idx.msk [tilespmem:v25+s19+$0x0], $0xffff;
	_ =	sdelay $0x5  }
0x4a4: {  	v25 =	vand.u32 $0xFF, v26  }
0x4a5: {  	v27 =	vadd.s32 v17, v25;
	_ =	sdelay $0x3  }
0x4a6: {  	v21 =	vadd.s32 s3, v16;
	s3 =	smov.u32 s1  }
0x4a7: {  	v28 =	vshll.u32 v21, $0x7;
	v27 =	vld.idx.msk [tilespmem:v27+s26+$0x0], $0xffff  }
0x4a8: {  	v29 =	vor.u32 v2, v28  }
0x4a9: {  	v30 =	vadd.s32 v18, v25;
	_ =	sdelay $0x3  }
0x4aa: {  	[tilespmem:v29+s24+$0x0] =	vst.idx.msk $0xffff, v27  }
0x4ab: {  	v27 =	vld.idx.msk [tilespmem:v30+s26+$0x0], $0xffff  }
0x4ac: {  	v29 =	vor.u32 v19, v28  }
0x4ad: {  	v30 =	vadd.s32 v20, v25;
	_ =	sdelay $0x3  }
0x4ae: {  	[tilespmem:v29+s24+$0x0] =	vst.idx.msk $0xffff, v27  }
0x4af: {  	v27 =	vld.idx.msk [tilespmem:v30+s26+$0x0], $0xffff  }
0x4b0: {  	v29 =	vor.u32 v22, v28  }
0x4b1: {  	v25 =	vadd.s32 v23, v25;
	_ =	sdelay $0x3  }
0x4b2: {  	[tilespmem:v29+s24+$0x0] =	vst.idx.msk $0xffff, v27  }
0x4b3: {  	v27 =	vld.idx.msk [tilespmem:v25+s26+$0x0], $0xffff  }
0x4b4: {  	v28 =	vor.u32 v24, v28  }
.Ltmp109:
0x4b5: {  	s1 =	sadd.s32 $0xF40, s3;
	(pc) =	sbr.rel @p2 .LBB2_120-.Ltmp109, $2  }
0x4b6: {  	v25 =	vmov s1;
	_ =	sdelay $0x2  }
0x4b7: {  	v26 =	vshra.s32 v26, $0x8;
	[tilespmem:v28+s24+$0x0] =	vst.idx.msk $0xffff, v27  }
.Ltmp110:
0x4b8: {  	(pc) =	sbr.rel .LBB2_122-.Ltmp110, $2  }
0x4b9: {  	_ =	sdelay $0x2  }
0x4ba: {  	s4 =	smov.u32 s3  }
.LBB2_119:
.Ltmp111:
0x4bb: {  	(pc) =	sbr.rel .LBB2_122-.Ltmp111, $2  }
0x4bc: {  	_ =	sdelay $0x2  }
0x4bd: {  	s4 =	simm.s32 $0x1  }
.LBB2_124:
0x4be: {  	_ =	sfence.sel $0x180000  }
0x4bf: {  	[bflag:$0x0] =	sbarrier.arrive $0xFFFF  }
0x4c0: {  	_ =	strace $0x90000047  }
0x4c1: {  	s0 =	stileid.u32;
	[bflag:$0x2] =	sbarrier.arrive $0xFFFF  }
0x4c2: {  	p0 =	sne.s32 s0, $0x0;
	s0 =	rddreg [dreg:$0x4]  }
0x4c3: {  	s0 =	sadd.s32 @!p0 $0x100000, s0  }
0x4c4: {  	[sflag:s0] =	ssyncadd.tile.s32 @!p0 $0x1;
	_ =	shalt  }
.Lfunc_end2:
_tile_overlayer_lowered:
.L_overlay_start_2:
0x4c5: {  	(tag) =	ssettag $0x2  }
0x4c6: {  	s0 =	rddreg [dreg:$0x0];
	s2 =	stileid.u32  }
0x4c7: {  	s1 =	rddreg [dreg:$0x1];
	p0 =	sne.s32 s2, $0x0  }
0x4c8: {  	s3 =	rddreg [dreg:$0x2];
	[bflag:$0x3] =	sbarrier.arrive $0xFFFF;
	s2 =	simm.s32 @!p0 $0x1C02  }
0x4c9: {  	[timem:s3], [sflag:s2] =	dma.local @!p0 [hbm:s0], s1  }
0x4ca: {  	s0 =	simm.s32 @!p0 $0x2  }
0x4cb: {  	_ =	swait.ge @!p0 [sflag:s0], s1  }
0x4cc: {  	s1 =	ssub.s32 @!p0 $0x0, s1;
	[sflag:s0] =	ssyncset.done @!p0 $0x0  }
0x4cd: {  	[sflag:s0] =	ssyncadd.s32 @!p0 s1  }
0x4ce: {  	[bflag:$0x3] =	sbarrier.arrive $0xFFFF  }
0x4cf: {  	_ =	shalt  }

</sc_bundles>
